<compile_context>
chip_gen: v7x
topology: tpu7x:2x2x1
jax: 0.10.2.dev20260603
libtpu: 0.0.44.dev20260713+nightly
codegen_flags: <defaults>
</compile_context>

<pallas_src>
import functools

import jax
import jax.numpy as jnp
from jax import lax
from jax.experimental import pallas as pl
from jax.experimental.pallas import tpu as pltpu
from jax.experimental.pallas import tpu_sc as plsc

_N_ROWS = 16384
_N_COLS = 1000
_NC = 2
_NS = 16
_NW = _NC * _NS

_SC_ROWS = 8192
_ROWS_W = _SC_ROWS // _NW
_CH = 32
_NCH = _ROWS_W // _CH

_TC_BLOCK = 2048
_TC_OFF = _SC_ROWS // _TC_BLOCK

_NEG_INF = float("-inf")

_GATHER_DNUMS = lax.GatherDimensionNumbers(
    offset_dims=(), collapsed_slice_dims=(0,), start_index_map=(0,))


def _lane_shuffle(v, idx):
    return lax.gather(v, idx[:, None], dimension_numbers=_GATHER_DNUMS,
                      slice_sizes=(1,),
                      mode=lax.GatherScatterMode.PROMISE_IN_BOUNDS)


def _row_reduce(rowref, trel0, iota, iota16, iota32, iota48):
    zvec = jnp.zeros((16,), jnp.float32)
    ninf = jnp.full((16,), _NEG_INF)

    m_a = m_b = ninf
    s_a = s_b = s_c = s_d = zvec
    tvb = zvec
    trel = trel0
    for j in range(15):
        base = j * 64
        v0 = rowref[pl.ds(base, 16)]
        v1 = rowref[pl.ds(base + 16, 16)]
        v2 = rowref[pl.ds(base + 32, 16)]
        v3 = rowref[pl.ds(base + 48, 16)]
        m_a = jnp.maximum(m_a, jnp.maximum(v0, v1))
        m_b = jnp.maximum(m_b, jnp.maximum(v2, v3))
        s_a = s_a + jnp.exp(v0)
        s_b = s_b + jnp.exp(v1)
        s_c = s_c + jnp.exp(v2)
        s_d = s_d + jnp.exp(v3)
        tvb = tvb + jnp.where(iota == trel, v0, zvec)
        tvb = tvb + jnp.where(iota16 == trel, v1, zvec)
        tvb = tvb + jnp.where(iota32 == trel, v2, zvec)
        tvb = tvb + jnp.where(iota48 == trel, v3, zvec)
        trel = trel - 64
    v60 = rowref[pl.ds(960, 16)]
    v61 = rowref[pl.ds(976, 16)]
    v62 = rowref[pl.ds(984, 16)]
    hi8 = iota >= 8
    v62m = jnp.where(hi8, v62, zvec)
    m = jnp.maximum(jnp.maximum(m_a, m_b), jnp.maximum(v60, v61))
    m = jnp.maximum(m, jnp.where(hi8, v62, ninf))
    s = ((s_a + s_b) + (s_c + s_d)) + (jnp.exp(v60) + jnp.exp(v61))
    s = s + jnp.where(hi8, jnp.exp(v62), zvec)
    tvb = tvb + jnp.where(iota == trel, v60, zvec)
    tvb = tvb + jnp.where(iota16 == trel, v61, zvec)
    tvb = tvb + jnp.where(iota == trel - 24, v62m, zvec)
    return m, s, tvb


def _chunk_update(buf, tbuf, res_m, res_s, res_tv, cb):
    iota = lax.iota(jnp.int32, 16)
    iota16 = iota + 16
    iota32 = iota + 32
    iota48 = iota + 48

    def gbody(g, _):
        t16f = tbuf[pl.ds(cb + g * 16, 16)].astype(jnp.float32)

        def rbody(r16, rvec):
            row = g * 16 + r16
            trel0 = _lane_shuffle(t16f, rvec).astype(jnp.int32)
            m, s, tv = _row_reduce(buf.at[row], trel0, iota, iota16, iota32,
                                   iota48)
            off = (cb + row) * 16
            res_m[pl.ds(off, 16)] = m
            res_s[pl.ds(off, 16)] = s
            res_tv[pl.ds(off, 16)] = tv
            return rvec + 1

        lax.fori_loop(0, 16, rbody, jnp.zeros((16,), jnp.int32))
        return 0

    lax.fori_loop(0, _CH // 16, gbody, 0)


def _sc_body(x_hbm, t_hbm, om_hbm, os_hbm, otv_hbm,
             tbuf, buf0, buf1, res_m, res_s, res_tv, sem0, sem1):
    wid = lax.axis_index("s") * _NC + lax.axis_index("c")
    row0 = wid * _ROWS_W
    pltpu.sync_copy(t_hbm.at[pl.ds(row0, _ROWS_W)], tbuf)

    def start_copy(c, buf, sem):
        cc = jnp.minimum(c, _NCH - 1)
        return pltpu.make_async_copy(
            x_hbm.at[pl.ds(row0 + cc * _CH, _CH)], buf, sem).start()

    def wait_copy(buf, sem):
        pltpu.make_async_copy(
            x_hbm.at[pl.ds(row0, _CH)], buf, sem).wait()

    start_copy(jnp.int32(0), buf0, sem0)
    start_copy(jnp.int32(1), buf1, sem1)

    def pair_body(i, _):
        c0 = i * 2
        wait_copy(buf0, sem0)
        _chunk_update(buf0, tbuf, res_m, res_s, res_tv, c0 * _CH)
        start_copy(c0 + 2, buf0, sem0)
        wait_copy(buf1, sem1)
        _chunk_update(buf1, tbuf, res_m, res_s, res_tv, (c0 + 1) * _CH)
        start_copy(c0 + 3, buf1, sem1)
        return 0

    lax.fori_loop(0, _NCH // 2, pair_body, 0)
    wait_copy(buf0, sem0)
    wait_copy(buf1, sem1)

    pltpu.sync_copy(res_m, om_hbm.at[wid])
    pltpu.sync_copy(res_s, os_hbm.at[wid])
    pltpu.sync_copy(res_tv, otv_hbm.at[wid])


def _tc_body(x_ref, t_ref, o_ref, acc_ref):
    i = pl.program_id(0)
    nblk = pl.num_programs(0)

    @pl.when(i == 0)
    def _init():
        acc_ref[0] = 0.0
        acc_ref[1] = 0.0

    x = x_ref[...]
    tgt = t_ref[0, 0, :]
    m = jnp.max(x, axis=1)
    s0 = jnp.sum(jnp.exp(x), axis=1)
    cols = jax.lax.broadcasted_iota(jnp.int32, x.shape, 1)
    tv = jnp.sum(jnp.where(cols == tgt[:, None], x, 0.0), axis=1)
    conf = jnp.exp(m) / s0
    acc = (tv == m).astype(jnp.float32)
    acc_ref[0] = acc_ref[0] + jnp.sum(conf)
    acc_ref[1] = acc_ref[1] + jnp.sum(acc)

    @pl.when(i == nblk - 1)
    def _finish():
        o_ref[0] = acc_ref[0]
        o_ref[1] = acc_ref[1]


def _final_body(m_ref, s_ref, tv_ref, tc_ref, o_ref):
    m16 = m_ref[...]
    s16 = s_ref[...]
    tv16 = tv_ref[...]
    m = jnp.max(m16, axis=1)
    s = jnp.sum(s16, axis=1)
    tv = jnp.sum(tv16, axis=1)
    conf_sum = jnp.sum(jnp.exp(m) / s) + tc_ref[0]
    acc_sum = jnp.sum((tv == m).astype(jnp.float32)) + tc_ref[1]
    inv_n = 1.0 / _N_ROWS
    o_ref[0] = jnp.abs(acc_sum * inv_n - conf_sum * inv_n)


def kernel(output, target):
    t32 = target.astype(jnp.int32)

    mesh = plsc.VectorSubcoreMesh(core_axis_name="c", subcore_axis_name="s")
    lanes = jax.ShapeDtypeStruct((_NW, _ROWS_W * 16), jnp.float32)
    pm, ps, ptv = pl.kernel(
        _sc_body,
        mesh=mesh,
        out_type=(lanes, lanes, lanes),
        scratch_types=[
            pltpu.VMEM((_ROWS_W,), jnp.int32),
            pltpu.VMEM((_CH, _N_COLS), jnp.float32),
            pltpu.VMEM((_CH, _N_COLS), jnp.float32),
            pltpu.VMEM((_ROWS_W * 16,), jnp.float32),
            pltpu.VMEM((_ROWS_W * 16,), jnp.float32),
            pltpu.VMEM((_ROWS_W * 16,), jnp.float32),
            pltpu.SemaphoreType.DMA,
            pltpu.SemaphoreType.DMA,
        ],
    )(output, t32)

    nblk = (_N_ROWS - _SC_ROWS) // _TC_BLOCK
    t3 = t32.reshape(_N_ROWS // _TC_BLOCK, 1, _TC_BLOCK)
    tc_part = pl.pallas_call(
        _tc_body,
        grid=(nblk,),
        in_specs=[
            pl.BlockSpec((_TC_BLOCK, _N_COLS), lambda i: (i + _TC_OFF, 0)),
            pl.BlockSpec((1, 1, _TC_BLOCK), lambda i: (i + _TC_OFF, 0, 0)),
        ],
        out_specs=pl.BlockSpec(memory_space=pltpu.SMEM),
        out_shape=jax.ShapeDtypeStruct((2,), jnp.float32),
        scratch_shapes=[pltpu.SMEM((2,), jnp.float32)],
    )(output, t3)

    shape2 = (_SC_ROWS, 16)
    out = pl.pallas_call(
        _final_body,
        in_specs=[
            pl.BlockSpec(shape2, lambda: (0, 0)),
            pl.BlockSpec(shape2, lambda: (0, 0)),
            pl.BlockSpec(shape2, lambda: (0, 0)),
            pl.BlockSpec(memory_space=pltpu.SMEM),
        ],
        out_specs=pl.BlockSpec(memory_space=pltpu.SMEM),
        out_shape=jax.ShapeDtypeStruct((1,), jnp.float32),
    )(pm.reshape(shape2), ps.reshape(shape2), ptv.reshape(shape2), tc_part)
    return out[0]

# --- scband reference (transcript-rebuilt; emitter-appended) ---
"""Pipeline reference for scband-running-expected-calibration-error-26096221290826 (READ-ONLY COPY).

The authoritative reference and input builder live on the scoring server;
editing this copy changes nothing except your own understanding.
"""

import jax, jax.numpy as jnp
import numpy as np

N_BINS = 15

def setup_inputs(seed: int = 0) -> dict:
    key = jax.random.key(seed)
    k1, k2 = jax.random.split(key)
    output = jax.random.normal(k1, (16384, 1000), dtype=jnp.float32)
    target = jax.random.randint(k2, (16384,), 0, 1000, dtype=jnp.int64)
    return {"output": output, "target": target}

def reference(output, target):
    # confidences, predictions = max(softmax(output, dim=1), 1)
    probs = jax.nn.softmax(output, axis=1)
    confidences = jnp.max(probs, axis=1)
    predictions = jnp.argmax(probs, axis=1)
    accuracies = (predictions == target).astype(jnp.float32)
    num_samples = output.shape[0]

    # bin boundaries = linspace(0, 1, n_bins+1); bin i: lower < conf <= upper
    bin_boundaries = jnp.linspace(0.0, 1.0, N_BINS + 1)
    bin_uppers = bin_boundaries[1:]
    # searchsorted(side='left'): first i with conf <= bin_uppers[i]
    # equivalent to conf > bin_lowers[i] and conf <= bin_uppers[i] since softmax conf > 0
    bin_ids = jnp.clip(jnp.searchsorted(bin_uppers, confidences, side='left'), 0, N_BINS - 1)

    prop = jax.ops.segment_sum(jnp.ones_like(confidences), bin_ids, num_segments=N_BINS)
    corr = jax.ops.segment_sum(accuracies, bin_ids, num_segments=N_BINS)
    conf = jax.ops.segment_sum(confidences, bin_ids, num_segments=N_BINS)

    # bins with prop_in_bin == 0 contribute 0 to corr/conf sums anyway
    prop_in_bin = jnp.sum(prop)
    corr_in_bin = jnp.sum(corr)
    conf_in_bin = jnp.sum(conf)

    ece = jnp.abs(corr_in_bin / num_samples - conf_in_bin / num_samples) * (prop_in_bin / num_samples)
    return ece

if __name__ == "__main__":
    import jax
    _d = setup_inputs()
    print(jax.jit(kernel)(*tuple(_d.values())))

</pallas_src>

<mosaic_0001>
#map = affine_map<(d0, d1) -> (0, 0)>
#map1 = affine_map<(d0, d1) -> (0)>
module attributes {stable_mosaic.version = 14 : i64} {
  func.func @_sc_body(%arg0: i32, %arg1: i32, %arg2: memref<16384x1000xf32, #tpu.memory_space<hbm>>, %arg3: memref<16384xi32, #tpu.memory_space<hbm>>, %arg4: memref<32x4096xf32, #tpu.memory_space<hbm>>, %arg5: memref<32x4096xf32, #tpu.memory_space<hbm>>, %arg6: memref<32x4096xf32, #tpu.memory_space<hbm>>, %arg7: memref<256xi32, #tpu.memory_space<vmem>>, %arg8: memref<32x1000xf32, #tpu.memory_space<vmem>>, %arg9: memref<32x1000xf32, #tpu.memory_space<vmem>>, %arg10: memref<4096xf32, #tpu.memory_space<vmem>>, %arg11: memref<4096xf32, #tpu.memory_space<vmem>>, %arg12: memref<4096xf32, #tpu.memory_space<vmem>>, %arg13: memref<!tpu.dma_semaphore, #tpu.memory_space<semaphore_mem>>, %arg14: memref<!tpu.dma_semaphore, #tpu.memory_space<semaphore_mem>>) attributes {dimension_semantics = [#tpu.dimension_semantics<core_parallel>, #tpu.dimension_semantics<subcore_parallel>], iteration_bounds = array<i64: 2, 16>, scalar_prefetch = 0 : i64, scratch_operands = 8 : i64, tpu.core_type = #tpu.core_type<sc_vector_subcore>, window_params = [{transform_indices = #map}, {transform_indices = #map1}, {transform_indices = #map}, {transform_indices = #map}, {transform_indices = #map}]} {
    %mul3A = arith.constant 2 : i32
    %mul3A_0 = arith.muli %arg1, %mul3A : i32
    %add3A = arith.addi %mul3A_0, %arg0 : i32
    %mul3A_1 = arith.constant 256 : i32
    %mul3A_2 = arith.muli %add3A, %mul3A_1 : i32
    "tpu.region"() ({
      %run_scoped3A = tpu.sem_alloc : memref<!tpu.dma_semaphore, #tpu.memory_space<semaphore_mem>>
      %dma_start3A_34 = tpu.memref_slice %arg3[%mul3A_2] : memref<16384xi32, #tpu.memory_space<hbm>> -> memref<256xi32, #tpu.memory_space<hbm>>
      %dma_start3A_35 = tpu.memref_slice %arg3[%mul3A_2] : memref<16384xi32, #tpu.memory_space<hbm>> -> memref<256xi32, #tpu.memory_space<hbm>>
      tpu.enqueue_dma source(%dma_start3A_35 : memref<256xi32, #tpu.memory_space<hbm>>) target(%arg7 : memref<256xi32, #tpu.memory_space<vmem>>) target_semaphore(%run_scoped3A : memref<!tpu.dma_semaphore, #tpu.memory_space<semaphore_mem>>)
      %dma_wait3A_36 = tpu.memref_slice %arg3[%mul3A_2] : memref<16384xi32, #tpu.memory_space<hbm>> -> memref<256xi32, #tpu.memory_space<hbm>>
      %dma_wait3A_37 = tpu.memref_slice %arg3[%mul3A_2] : memref<16384xi32, #tpu.memory_space<hbm>> -> memref<256xi32, #tpu.memory_space<hbm>>
      tpu.wait_dma2 semaphore(%run_scoped3A : memref<!tpu.dma_semaphore, #tpu.memory_space<semaphore_mem>>) src(%dma_wait3A_37 : memref<256xi32, #tpu.memory_space<hbm>>) dst(%arg7 : memref<256xi32, #tpu.memory_space<vmem>>)
      tpu.yield
    }) : () -> ()
    %min3A = arith.constant 0 : i32
    %min3A_3 = arith.constant 7 : i32
    %min3A_4 = arith.minsi %min3A, %min3A_3 : i32
    %mul3A_5 = arith.constant 32 : i32
    %mul3A_6 = arith.muli %min3A_4, %mul3A_5 : i32
    %add3A_7 = arith.addi %mul3A_2, %mul3A_6 : i32
    %dma_start3A = arith.constant 0 : i32
    %dma_start3A_8 = tpu.memref_slice %arg2[%add3A_7, %dma_start3A] : memref<16384x1000xf32, #tpu.memory_space<hbm>> -> memref<32x1000xf32, #tpu.memory_space<hbm>>
    %dma_start3A_9 = arith.constant 0 : i32
    %dma_start3A_10 = tpu.memref_slice %arg2[%add3A_7, %dma_start3A_9] : memref<16384x1000xf32, #tpu.memory_space<hbm>> -> memref<32x1000xf32, #tpu.memory_space<hbm>>
    tpu.enqueue_dma source(%dma_start3A_10 : memref<32x1000xf32, #tpu.memory_space<hbm>>) target(%arg8 : memref<32x1000xf32, #tpu.memory_space<vmem>>) target_semaphore(%arg13 : memref<!tpu.dma_semaphore, #tpu.memory_space<semaphore_mem>>)
    %min3A_11 = arith.constant 1 : i32
    %min3A_12 = arith.constant 7 : i32
    %min3A_13 = arith.minsi %min3A_11, %min3A_12 : i32
    %mul3A_14 = arith.constant 32 : i32
    %mul3A_15 = arith.muli %min3A_13, %mul3A_14 : i32
    %add3A_16 = arith.addi %mul3A_2, %mul3A_15 : i32
    %dma_start3A_17 = arith.constant 0 : i32
    %dma_start3A_18 = tpu.memref_slice %arg2[%add3A_16, %dma_start3A_17] : memref<16384x1000xf32, #tpu.memory_space<hbm>> -> memref<32x1000xf32, #tpu.memory_space<hbm>>
    %dma_start3A_19 = arith.constant 0 : i32
    %dma_start3A_20 = tpu.memref_slice %arg2[%add3A_16, %dma_start3A_19] : memref<16384x1000xf32, #tpu.memory_space<hbm>> -> memref<32x1000xf32, #tpu.memory_space<hbm>>
    tpu.enqueue_dma source(%dma_start3A_20 : memref<32x1000xf32, #tpu.memory_space<hbm>>) target(%arg9 : memref<32x1000xf32, #tpu.memory_space<vmem>>) target_semaphore(%arg14 : memref<!tpu.dma_semaphore, #tpu.memory_space<semaphore_mem>>)
    %scan3A = arith.constant 0 : i32
    %scan3A_21 = arith.constant 0 : i32
    %scan3A_22 = arith.constant 4 : i32
    %scan3A_23 = arith.addi %scan3A_21, %scan3A_22 : i32
    %scan3A_24 = arith.constant 1 : i32
    %scan3A_25 = scf.for %scan3A_34 = %scan3A_21 to %scan3A_23 step %scan3A_24 iter_args(%scan3A_35 = %scan3A) -> (i32)  : i32 {
      %mul3A_36 = arith.constant 2 : i32
      %mul3A_37 = arith.muli %scan3A_34, %mul3A_36 : i32
      %dma_wait3A_38 = arith.constant 0 : i32
      %dma_wait3A_39 = tpu.memref_slice %arg2[%mul3A_2, %dma_wait3A_38] : memref<16384x1000xf32, #tpu.memory_space<hbm>> -> memref<32x1000xf32, #tpu.memory_space<hbm>>
      %dma_wait3A_40 = arith.constant 0 : i32
      %dma_wait3A_41 = tpu.memref_slice %arg2[%mul3A_2, %dma_wait3A_40] : memref<16384x1000xf32, #tpu.memory_space<hbm>> -> memref<32x1000xf32, #tpu.memory_space<hbm>>
      tpu.wait_dma2 semaphore(%arg13 : memref<!tpu.dma_semaphore, #tpu.memory_space<semaphore_mem>>) src(%dma_wait3A_41 : memref<32x1000xf32, #tpu.memory_space<hbm>>) dst(%arg8 : memref<32x1000xf32, #tpu.memory_space<vmem>>)
      %mul3A_42 = arith.constant 32 : i32
      %mul3A_43 = arith.muli %mul3A_37, %mul3A_42 : i32
      %iota3A = tpu.iota {dimensions = array<i32: 0>} : vector<16xi32>
      %add3A_44 = arith.constant 16 : i32
      %add3A_45 = vector.broadcast %add3A_44 : i32 to vector<16xi32>
      %add3A_46 = arith.addi %iota3A, %add3A_45 : vector<16xi32>
      %add3A_47 = arith.constant 32 : i32
      %add3A_48 = vector.broadcast %add3A_47 : i32 to vector<16xi32>
      %add3A_49 = arith.addi %iota3A, %add3A_48 : vector<16xi32>
      %add3A_50 = arith.constant 48 : i32
      %add3A_51 = vector.broadcast %add3A_50 : i32 to vector<16xi32>
      %add3A_52 = arith.addi %iota3A, %add3A_51 : vector<16xi32>
      %scan3A_53 = arith.constant 0 : i32
      %scan3A_54 = arith.constant 0 : i32
      %scan3A_55 = arith.constant 2 : i32
      %scan3A_56 = arith.addi %scan3A_54, %scan3A_55 : i32
      %scan3A_57 = arith.constant 1 : i32
      %scan3A_58 = scf.for %scan3A_108 = %scan3A_54 to %scan3A_56 step %scan3A_57 iter_args(%scan3A_109 = %scan3A_53) -> (i32)  : i32 {
        %mul3A_110 = arith.constant 16 : i32
        %mul3A_111 = arith.muli %scan3A_108, %mul3A_110 : i32
        %add3A_112 = arith.addi %mul3A_43, %mul3A_111 : i32
        %get3A = arith.index_cast %add3A_112 : i32 to index
        %get3A_113 = tpu.vector_load %arg7[%get3A] {strides = array<i32>} : memref<256xi32, #tpu.memory_space<vmem>>, vector<16xi32>,
        %get3A_114 = vector.shape_cast %get3A_113 : vector<16xi32> to vector<16xi32>
        %convert_element_type3A = arith.sitofp %get3A_114 : vector<16xi32> to vector<16xf32>
        %broadcast_in_dim3A = arith.constant 0 : i32
        %broadcast_in_dim3A_115 = vector.broadcast %broadcast_in_dim3A : i32 to vector<16xi32>
        %scan3A_116 = arith.constant 0 : i32
        %scan3A_117 = arith.constant 16 : i32
        %scan3A_118 = arith.addi %scan3A_116, %scan3A_117 : i32
        %scan3A_119 = arith.constant 1 : i32
        %scan3A_120 = scf.for %scan3A_123 = %scan3A_116 to %scan3A_118 step %scan3A_119 iter_args(%scan3A_124 = %broadcast_in_dim3A_115) -> (vector<16xi32>)  : i32 {
          %mul3A_125 = arith.constant 16 : i32
          %mul3A_126 = arith.muli %scan3A_108, %mul3A_125 : i32
          %add3A_127 = arith.addi %mul3A_126, %scan3A_123 : i32
          %broadcast_in_dim3A_128 = vector.shape_cast %scan3A_124 : vector<16xi32> to vector<16x1xi32>
          %gather3A = vector.shape_cast %broadcast_in_dim3A_128 : vector<16x1xi32> to vector<16xi32>
          %gather3A_129 = tpu.dynamic_gather %convert_element_type3A[%gather3A] in [0] : vector<16xf32>, vector<16xi32> -> vector<16xf32>
          %convert_element_type3A_130 = arith.fptosi %gather3A_129 : vector<16xf32> to vector<16xi32>
          %broadcast_in_dim3A_131 = arith.constant 0.000000e+00 : f32
          %broadcast_in_dim3A_132 = vector.broadcast %broadcast_in_dim3A_131 : f32 to vector<16xf32>
          %broadcast_in_dim3A_133 = arith.constant 0xFF800000 : f32
          %broadcast_in_dim3A_134 = vector.broadcast %broadcast_in_dim3A_133 : f32 to vector<16xf32>
          %get3A_135 = arith.constant 0 : i32
          %get3A_136 = tpu.memref_slice %arg8[%add3A_127, %get3A_135] : memref<32x1000xf32, #tpu.memory_space<vmem>> -> memref<1x1000xf32, #tpu.memory_space<vmem>>
          %get3A_137 = tpu.memref_squeeze %get3A_136 : memref<1x1000xf32, #tpu.memory_space<vmem>> -> memref<1000xf32, #tpu.memory_space<vmem>>
          %get3A_138 = arith.constant 0 : index
          %get3A_139 = tpu.vector_load %get3A_137[%get3A_138] {strides = array<i32>} : memref<1000xf32, #tpu.memory_space<vmem>>, vector<16xf32>,
          %get3A_140 = vector.shape_cast %get3A_139 : vector<16xf32> to vector<16xf32>
          %get3A_141 = arith.constant 0 : i32
          %get3A_142 = tpu.memref_slice %arg8[%add3A_127, %get3A_141] : memref<32x1000xf32, #tpu.memory_space<vmem>> -> memref<1x1000xf32, #tpu.memory_space<vmem>>
          %get3A_143 = tpu.memref_squeeze %get3A_142 : memref<1x1000xf32, #tpu.memory_space<vmem>> -> memref<1000xf32, #tpu.memory_space<vmem>>
          %get3A_144 = arith.constant 16 : index
          %get3A_145 = tpu.vector_load %get3A_143[%get3A_144] {strides = array<i32>} : memref<1000xf32, #tpu.memory_space<vmem>>, vector<16xf32>,
          %get3A_146 = vector.shape_cast %get3A_145 : vector<16xf32> to vector<16xf32>
          %get3A_147 = arith.constant 0 : i32
          %get3A_148 = tpu.memref_slice %arg8[%add3A_127, %get3A_147] : memref<32x1000xf32, #tpu.memory_space<vmem>> -> memref<1x1000xf32, #tpu.memory_space<vmem>>
          %get3A_149 = tpu.memref_squeeze %get3A_148 : memref<1x1000xf32, #tpu.memory_space<vmem>> -> memref<1000xf32, #tpu.memory_space<vmem>>
          %get3A_150 = arith.constant 32 : index
          %get3A_151 = tpu.vector_load %get3A_149[%get3A_150] {strides = array<i32>} : memref<1000xf32, #tpu.memory_space<vmem>>, vector<16xf32>,
          %get3A_152 = vector.shape_cast %get3A_151 : vector<16xf32> to vector<16xf32>
          %get3A_153 = arith.constant 0 : i32
          %get3A_154 = tpu.memref_slice %arg8[%add3A_127, %get3A_153] : memref<32x1000xf32, #tpu.memory_space<vmem>> -> memref<1x1000xf32, #tpu.memory_space<vmem>>
          %get3A_155 = tpu.memref_squeeze %get3A_154 : memref<1x1000xf32, #tpu.memory_space<vmem>> -> memref<1000xf32, #tpu.memory_space<vmem>>
          %get3A_156 = arith.constant 48 : index
          %get3A_157 = tpu.vector_load %get3A_155[%get3A_156] {strides = array<i32>} : memref<1000xf32, #tpu.memory_space<vmem>>, vector<16xf32>,
          %get3A_158 = vector.shape_cast %get3A_157 : vector<16xf32> to vector<16xf32>
          %max3A = arith.maximumf %get3A_140, %get3A_146 : vector<16xf32>
          %max3A_159 = arith.maximumf %broadcast_in_dim3A_134, %max3A : vector<16xf32>
          %max3A_160 = arith.maximumf %get3A_152, %get3A_158 : vector<16xf32>
          %max3A_161 = arith.maximumf %broadcast_in_dim3A_134, %max3A_160 : vector<16xf32>
          %exp3A = math.exp %get3A_140 : vector<16xf32>
          %add3A_162 = arith.addf %broadcast_in_dim3A_132, %exp3A : vector<16xf32>
          %exp3A_163 = math.exp %get3A_146 : vector<16xf32>
          %add3A_164 = arith.addf %broadcast_in_dim3A_132, %exp3A_163 : vector<16xf32>
          %exp3A_165 = math.exp %get3A_152 : vector<16xf32>
          %add3A_166 = arith.addf %broadcast_in_dim3A_132, %exp3A_165 : vector<16xf32>
          %exp3A_167 = math.exp %get3A_158 : vector<16xf32>
          %add3A_168 = arith.addf %broadcast_in_dim3A_132, %exp3A_167 : vector<16xf32>
          %eq3A = arith.cmpi eq, %iota3A, %convert_element_type3A_130 : vector<16xi32>
          %select_n3A = arith.select %eq3A, %get3A_140, %broadcast_in_dim3A_132 : vector<16xi1>, vector<16xf32>
          %add3A_169 = arith.addf %broadcast_in_dim3A_132, %select_n3A : vector<16xf32>
          %eq3A_170 = arith.cmpi eq, %add3A_46, %convert_element_type3A_130 : vector<16xi32>
          %select_n3A_171 = arith.select %eq3A_170, %get3A_146, %broadcast_in_dim3A_132 : vector<16xi1>, vector<16xf32>
          %add3A_172 = arith.addf %add3A_169, %select_n3A_171 : vector<16xf32>
          %eq3A_173 = arith.cmpi eq, %add3A_49, %convert_element_type3A_130 : vector<16xi32>
          %select_n3A_174 = arith.select %eq3A_173, %get3A_152, %broadcast_in_dim3A_132 : vector<16xi1>, vector<16xf32>
          %add3A_175 = arith.addf %add3A_172, %select_n3A_174 : vector<16xf32>
          %eq3A_176 = arith.cmpi eq, %add3A_52, %convert_element_type3A_130 : vector<16xi32>
          %select_n3A_177 = arith.select %eq3A_176, %get3A_158, %broadcast_in_dim3A_132 : vector<16xi1>, vector<16xf32>
          %add3A_178 = arith.addf %add3A_175, %select_n3A_177 : vector<16xf32>
          %sub3A = arith.constant 64 : i32
          %sub3A_179 = vector.broadcast %sub3A : i32 to vector<16xi32>
          %sub3A_180 = arith.subi %convert_element_type3A_130, %sub3A_179 : vector<16xi32>
          %get3A_181 = arith.constant 0 : i32
          %get3A_182 = tpu.memref_slice %arg8[%add3A_127, %get3A_181] : memref<32x1000xf32, #tpu.memory_space<vmem>> -> memref<1x1000xf32, #tpu.memory_space<vmem>>
          %get3A_183 = tpu.memref_squeeze %get3A_182 : memref<1x1000xf32, #tpu.memory_space<vmem>> -> memref<1000xf32, #tpu.memory_space<vmem>>
          %get3A_184 = arith.constant 64 : index
          %get3A_185 = tpu.vector_load %get3A_183[%get3A_184] {strides = array<i32>} : memref<1000xf32, #tpu.memory_space<vmem>>, vector<16xf32>,
          %get3A_186 = vector.shape_cast %get3A_185 : vector<16xf32> to vector<16xf32>
          %get3A_187 = arith.constant 0 : i32
          %get3A_188 = tpu.memref_slice %arg8[%add3A_127, %get3A_187] : memref<32x1000xf32, #tpu.memory_space<vmem>> -> memref<1x1000xf32, #tpu.memory_space<vmem>>
          %get3A_189 = tpu.memref_squeeze %get3A_188 : memref<1x1000xf32, #tpu.memory_space<vmem>> -> memref<1000xf32, #tpu.memory_space<vmem>>
          %get3A_190 = arith.constant 80 : index
          %get3A_191 = tpu.vector_load %get3A_189[%get3A_190] {strides = array<i32>} : memref<1000xf32, #tpu.memory_space<vmem>>, vector<16xf32>,
          %get3A_192 = vector.shape_cast %get3A_191 : vector<16xf32> to vector<16xf32>
          %get3A_193 = arith.constant 0 : i32
          %get3A_194 = tpu.memref_slice %arg8[%add3A_127, %get3A_193] : memref<32x1000xf32, #tpu.memory_space<vmem>> -> memref<1x1000xf32, #tpu.memory_space<vmem>>
          %get3A_195 = tpu.memref_squeeze %get3A_194 : memref<1x1000xf32, #tpu.memory_space<vmem>> -> memref<1000xf32, #tpu.memory_space<vmem>>
          %get3A_196 = arith.constant 96 : index
          %get3A_197 = tpu.vector_load %get3A_195[%get3A_196] {strides = array<i32>} : memref<1000xf32, #tpu.memory_space<vmem>>, vector<16xf32>,
          %get3A_198 = vector.shape_cast %get3A_197 : vector<16xf32> to vector<16xf32>
          %get3A_199 = arith.constant 0 : i32
          %get3A_200 = tpu.memref_slice %arg8[%add3A_127, %get3A_199] : memref<32x1000xf32, #tpu.memory_space<vmem>> -> memref<1x1000xf32, #tpu.memory_space<vmem>>
          %get3A_201 = tpu.memref_squeeze %get3A_200 : memref<1x1000xf32, #tpu.memory_space<vmem>> -> memref<1000xf32, #tpu.memory_space<vmem>>
          %get3A_202 = arith.constant 112 : index
          %get3A_203 = tpu.vector_load %get3A_201[%get3A_202] {strides = array<i32>} : memref<1000xf32, #tpu.memory_space<vmem>>, vector<16xf32>,
          %get3A_204 = vector.shape_cast %get3A_203 : vector<16xf32> to vector<16xf32>
          %max3A_205 = arith.maximumf %get3A_186, %get3A_192 : vector<16xf32>
          %max3A_206 = arith.maximumf %max3A_159, %max3A_205 : vector<16xf32>
          %max3A_207 = arith.maximumf %get3A_198, %get3A_204 : vector<16xf32>
          %max3A_208 = arith.maximumf %max3A_161, %max3A_207 : vector<16xf32>
          %exp3A_209 = math.exp %get3A_186 : vector<16xf32>
          %add3A_210 = arith.addf %add3A_162, %exp3A_209 : vector<16xf32>
          %exp3A_211 = math.exp %get3A_192 : vector<16xf32>
          %add3A_212 = arith.addf %add3A_164, %exp3A_211 : vector<16xf32>
          %exp3A_213 = math.exp %get3A_198 : vector<16xf32>
          %add3A_214 = arith.addf %add3A_166, %exp3A_213 : vector<16xf32>
          %exp3A_215 = math.exp %get3A_204 : vector<16xf32>
          %add3A_216 = arith.addf %add3A_168, %exp3A_215 : vector<16xf32>
          %eq3A_217 = arith.cmpi eq, %iota3A, %sub3A_180 : vector<16xi32>
          %select_n3A_218 = arith.select %eq3A_217, %get3A_186, %broadcast_in_dim3A_132 : vector<16xi1>, vector<16xf32>
          %add3A_219 = arith.addf %add3A_178, %select_n3A_218 : vector<16xf32>
          %eq3A_220 = arith.cmpi eq, %add3A_46, %sub3A_180 : vector<16xi32>
          %select_n3A_221 = arith.select %eq3A_220, %get3A_192, %broadcast_in_dim3A_132 : vector<16xi1>, vector<16xf32>
          %add3A_222 = arith.addf %add3A_219, %select_n3A_221 : vector<16xf32>
          %eq3A_223 = arith.cmpi eq, %add3A_49, %sub3A_180 : vector<16xi32>
          %select_n3A_224 = arith.select %eq3A_223, %get3A_198, %broadcast_in_dim3A_132 : vector<16xi1>, vector<16xf32>
          %add3A_225 = arith.addf %add3A_222, %select_n3A_224 : vector<16xf32>
          %eq3A_226 = arith.cmpi eq, %add3A_52, %sub3A_180 : vector<16xi32>
          %select_n3A_227 = arith.select %eq3A_226, %get3A_204, %broadcast_in_dim3A_132 : vector<16xi1>, vector<16xf32>
          %add3A_228 = arith.addf %add3A_225, %select_n3A_227 : vector<16xf32>
          %sub3A_229 = arith.constant 64 : i32
          %sub3A_230 = vector.broadcast %sub3A_229 : i32 to vector<16xi32>
          %sub3A_231 = arith.subi %sub3A_180, %sub3A_230 : vector<16xi32>
          %get3A_232 = arith.constant 0 : i32
          %get3A_233 = tpu.memref_slice %arg8[%add3A_127, %get3A_232] : memref<32x1000xf32, #tpu.memory_space<vmem>> -> memref<1x1000xf32, #tpu.memory_space<vmem>>
          %get3A_234 = tpu.memref_squeeze %get3A_233 : memref<1x1000xf32, #tpu.memory_space<vmem>> -> memref<1000xf32, #tpu.memory_space<vmem>>
          %get3A_235 = arith.constant 128 : index
          %get3A_236 = tpu.vector_load %get3A_234[%get3A_235] {strides = array<i32>} : memref<1000xf32, #tpu.memory_space<vmem>>, vector<16xf32>,
          %get3A_237 = vector.shape_cast %get3A_236 : vector<16xf32> to vector<16xf32>
          %get3A_238 = arith.constant 0 : i32
          %get3A_239 = tpu.memref_slice %arg8[%add3A_127, %get3A_238] : memref<32x1000xf32, #tpu.memory_space<vmem>> -> memref<1x1000xf32, #tpu.memory_space<vmem>>
          %get3A_240 = tpu.memref_squeeze %get3A_239 : memref<1x1000xf32, #tpu.memory_space<vmem>> -> memref<1000xf32, #tpu.memory_space<vmem>>
          %get3A_241 = arith.constant 144 : index
          %get3A_242 = tpu.vector_load %get3A_240[%get3A_241] {strides = array<i32>} : memref<1000xf32, #tpu.memory_space<vmem>>, vector<16xf32>,
          %get3A_243 = vector.shape_cast %get3A_242 : vector<16xf32> to vector<16xf32>
          %get3A_244 = arith.constant 0 : i32
          %get3A_245 = tpu.memref_slice %arg8[%add3A_127, %get3A_244] : memref<32x1000xf32, #tpu.memory_space<vmem>> -> memref<1x1000xf32, #tpu.memory_space<vmem>>
          %get3A_246 = tpu.memref_squeeze %get3A_245 : memref<1x1000xf32, #tpu.memory_space<vmem>> -> memref<1000xf32, #tpu.memory_space<vmem>>
          %get3A_247 = arith.constant 160 : index
          %get3A_248 = tpu.vector_load %get3A_246[%get3A_247] {strides = array<i32>} : memref<1000xf32, #tpu.memory_space<vmem>>, vector<16xf32>,
          %get3A_249 = vector.shape_cast %get3A_248 : vector<16xf32> to vector<16xf32>
          %get3A_250 = arith.constant 0 : i32
          %get3A_251 = tpu.memref_slice %arg8[%add3A_127, %get3A_250] : memref<32x1000xf32, #tpu.memory_space<vmem>> -> memref<1x1000xf32, #tpu.memory_space<vmem>>
          %get3A_252 = tpu.memref_squeeze %get3A_251 : memref<1x1000xf32, #tpu.memory_space<vmem>> -> memref<1000xf32, #tpu.memory_space<vmem>>
          %get3A_253 = arith.constant 176 : index
          %get3A_254 = tpu.vector_load %get3A_252[%get3A_253] {strides = array<i32>} : memref<1000xf32, #tpu.memory_space<vmem>>, vector<16xf32>,
          %get3A_255 = vector.shape_cast %get3A_254 : vector<16xf32> to vector<16xf32>
          %max3A_256 = arith.maximumf %get3A_237, %get3A_243 : vector<16xf32>
          %max3A_257 = arith.maximumf %max3A_206, %max3A_256 : vector<16xf32>
          %max3A_258 = arith.maximumf %get3A_249, %get3A_255 : vector<16xf32>
          %max3A_259 = arith.maximumf %max3A_208, %max3A_258 : vector<16xf32>
          %exp3A_260 = math.exp %get3A_237 : vector<16xf32>
          %add3A_261 = arith.addf %add3A_210, %exp3A_260 : vector<16xf32>
          %exp3A_262 = math.exp %get3A_243 : vector<16xf32>
          %add3A_263 = arith.addf %add3A_212, %exp3A_262 : vector<16xf32>
          %exp3A_264 = math.exp %get3A_249 : vector<16xf32>
          %add3A_265 = arith.addf %add3A_214, %exp3A_264 : vector<16xf32>
          %exp3A_266 = math.exp %get3A_255 : vector<16xf32>
          %add3A_267 = arith.addf %add3A_216, %exp3A_266 : vector<16xf32>
          %eq3A_268 = arith.cmpi eq, %iota3A, %sub3A_231 : vector<16xi32>
          %select_n3A_269 = arith.select %eq3A_268, %get3A_237, %broadcast_in_dim3A_132 : vector<16xi1>, vector<16xf32>
          %add3A_270 = arith.addf %add3A_228, %select_n3A_269 : vector<16xf32>
          %eq3A_271 = arith.cmpi eq, %add3A_46, %sub3A_231 : vector<16xi32>
          %select_n3A_272 = arith.select %eq3A_271, %get3A_243, %broadcast_in_dim3A_132 : vector<16xi1>, vector<16xf32>
          %add3A_273 = arith.addf %add3A_270, %select_n3A_272 : vector<16xf32>
          %eq3A_274 = arith.cmpi eq, %add3A_49, %sub3A_231 : vector<16xi32>
          %select_n3A_275 = arith.select %eq3A_274, %get3A_249, %broadcast_in_dim3A_132 : vector<16xi1>, vector<16xf32>
          %add3A_276 = arith.addf %add3A_273, %select_n3A_275 : vector<16xf32>
          %eq3A_277 = arith.cmpi eq, %add3A_52, %sub3A_231 : vector<16xi32>
          %select_n3A_278 = arith.select %eq3A_277, %get3A_255, %broadcast_in_dim3A_132 : vector<16xi1>, vector<16xf32>
          %add3A_279 = arith.addf %add3A_276, %select_n3A_278 : vector<16xf32>
          %sub3A_280 = arith.constant 64 : i32
          %sub3A_281 = vector.broadcast %sub3A_280 : i32 to vector<16xi32>
          %sub3A_282 = arith.subi %sub3A_231, %sub3A_281 : vector<16xi32>
          %get3A_283 = arith.constant 0 : i32
          %get3A_284 = tpu.memref_slice %arg8[%add3A_127, %get3A_283] : memref<32x1000xf32, #tpu.memory_space<vmem>> -> memref<1x1000xf32, #tpu.memory_space<vmem>>
          %get3A_285 = tpu.memref_squeeze %get3A_284 : memref<1x1000xf32, #tpu.memory_space<vmem>> -> memref<1000xf32, #tpu.memory_space<vmem>>
          %get3A_286 = arith.constant 192 : index
          %get3A_287 = tpu.vector_load %get3A_285[%get3A_286] {strides = array<i32>} : memref<1000xf32, #tpu.memory_space<vmem>>, vector<16xf32>,
          %get3A_288 = vector.shape_cast %get3A_287 : vector<16xf32> to vector<16xf32>
          %get3A_289 = arith.constant 0 : i32
          %get3A_290 = tpu.memref_slice %arg8[%add3A_127, %get3A_289] : memref<32x1000xf32, #tpu.memory_space<vmem>> -> memref<1x1000xf32, #tpu.memory_space<vmem>>
          %get3A_291 = tpu.memref_squeeze %get3A_290 : memref<1x1000xf32, #tpu.memory_space<vmem>> -> memref<1000xf32, #tpu.memory_space<vmem>>
          %get3A_292 = arith.constant 208 : index
          %get3A_293 = tpu.vector_load %get3A_291[%get3A_292] {strides = array<i32>} : memref<1000xf32, #tpu.memory_space<vmem>>, vector<16xf32>,
          %get3A_294 = vector.shape_cast %get3A_293 : vector<16xf32> to vector<16xf32>
          %get3A_295 = arith.constant 0 : i32
          %get3A_296 = tpu.memref_slice %arg8[%add3A_127, %get3A_295] : memref<32x1000xf32, #tpu.memory_space<vmem>> -> memref<1x1000xf32, #tpu.memory_space<vmem>>
          %get3A_297 = tpu.memref_squeeze %get3A_296 : memref<1x1000xf32, #tpu.memory_space<vmem>> -> memref<1000xf32, #tpu.memory_space<vmem>>
          %get3A_298 = arith.constant 224 : index
          %get3A_299 = tpu.vector_load %get3A_297[%get3A_298] {strides = array<i32>} : memref<1000xf32, #tpu.memory_space<vmem>>, vector<16xf32>,
          %get3A_300 = vector.shape_cast %get3A_299 : vector<16xf32> to vector<16xf32>
          %get3A_301 = arith.constant 0 : i32
          %get3A_302 = tpu.memref_slice %arg8[%add3A_127, %get3A_301] : memref<32x1000xf32, #tpu.memory_space<vmem>> -> memref<1x1000xf32, #tpu.memory_space<vmem>>
          %get3A_303 = tpu.memref_squeeze %get3A_302 : memref<1x1000xf32, #tpu.memory_space<vmem>> -> memref<1000xf32, #tpu.memory_space<vmem>>
          %get3A_304 = arith.constant 240 : index
          %get3A_305 = tpu.vector_load %get3A_303[%get3A_304] {strides = array<i32>} : memref<1000xf32, #tpu.memory_space<vmem>>, vector<16xf32>,
          %get3A_306 = vector.shape_cast %get3A_305 : vector<16xf32> to vector<16xf32>
          %max3A_307 = arith.maximumf %get3A_288, %get3A_294 : vector<16xf32>
          %max3A_308 = arith.maximumf %max3A_257, %max3A_307 : vector<16xf32>
          %max3A_309 = arith.maximumf %get3A_300, %get3A_306 : vector<16xf32>
          %max3A_310 = arith.maximumf %max3A_259, %max3A_309 : vector<16xf32>
          %exp3A_311 = math.exp %get3A_288 : vector<16xf32>
          %add3A_312 = arith.addf %add3A_261, %exp3A_311 : vector<16xf32>
          %exp3A_313 = math.exp %get3A_294 : vector<16xf32>
          %add3A_314 = arith.addf %add3A_263, %exp3A_313 : vector<16xf32>
          %exp3A_315 = math.exp %get3A_300 : vector<16xf32>
          %add3A_316 = arith.addf %add3A_265, %exp3A_315 : vector<16xf32>
          %exp3A_317 = math.exp %get3A_306 : vector<16xf32>
          %add3A_318 = arith.addf %add3A_267, %exp3A_317 : vector<16xf32>
          %eq3A_319 = arith.cmpi eq, %iota3A, %sub3A_282 : vector<16xi32>
          %select_n3A_320 = arith.select %eq3A_319, %get3A_288, %broadcast_in_dim3A_132 : vector<16xi1>, vector<16xf32>
          %add3A_321 = arith.addf %add3A_279, %select_n3A_320 : vector<16xf32>
          %eq3A_322 = arith.cmpi eq, %add3A_46, %sub3A_282 : vector<16xi32>
          %select_n3A_323 = arith.select %eq3A_322, %get3A_294, %broadcast_in_dim3A_132 : vector<16xi1>, vector<16xf32>
          %add3A_324 = arith.addf %add3A_321, %select_n3A_323 : vector<16xf32>
          %eq3A_325 = arith.cmpi eq, %add3A_49, %sub3A_282 : vector<16xi32>
          %select_n3A_326 = arith.select %eq3A_325, %get3A_300, %broadcast_in_dim3A_132 : vector<16xi1>, vector<16xf32>
          %add3A_327 = arith.addf %add3A_324, %select_n3A_326 : vector<16xf32>
          %eq3A_328 = arith.cmpi eq, %add3A_52, %sub3A_282 : vector<16xi32>
          %select_n3A_329 = arith.select %eq3A_328, %get3A_306, %broadcast_in_dim3A_132 : vector<16xi1>, vector<16xf32>
          %add3A_330 = arith.addf %add3A_327, %select_n3A_329 : vector<16xf32>
          %sub3A_331 = arith.constant 64 : i32
          %sub3A_332 = vector.broadcast %sub3A_331 : i32 to vector<16xi32>
          %sub3A_333 = arith.subi %sub3A_282, %sub3A_332 : vector<16xi32>
          %get3A_334 = arith.constant 0 : i32
          %get3A_335 = tpu.memref_slice %arg8[%add3A_127, %get3A_334] : memref<32x1000xf32, #tpu.memory_space<vmem>> -> memref<1x1000xf32, #tpu.memory_space<vmem>>
          %get3A_336 = tpu.memref_squeeze %get3A_335 : memref<1x1000xf32, #tpu.memory_space<vmem>> -> memref<1000xf32, #tpu.memory_space<vmem>>
          %get3A_337 = arith.constant 256 : index
          %get3A_338 = tpu.vector_load %get3A_336[%get3A_337] {strides = array<i32>} : memref<1000xf32, #tpu.memory_space<vmem>>, vector<16xf32>,
          %get3A_339 = vector.shape_cast %get3A_338 : vector<16xf32> to vector<16xf32>
          %get3A_340 = arith.constant 0 : i32
          %get3A_341 = tpu.memref_slice %arg8[%add3A_127, %get3A_340] : memref<32x1000xf32, #tpu.memory_space<vmem>> -> memref<1x1000xf32, #tpu.memory_space<vmem>>
          %get3A_342 = tpu.memref_squeeze %get3A_341 : memref<1x1000xf32, #tpu.memory_space<vmem>> -> memref<1000xf32, #tpu.memory_space<vmem>>
          %get3A_343 = arith.constant 272 : index
          %get3A_344 = tpu.vector_load %get3A_342[%get3A_343] {strides = array<i32>} : memref<1000xf32, #tpu.memory_space<vmem>>, vector<16xf32>,
          %get3A_345 = vector.shape_cast %get3A_344 : vector<16xf32> to vector<16xf32>
          %get3A_346 = arith.constant 0 : i32
          %get3A_347 = tpu.memref_slice %arg8[%add3A_127, %get3A_346] : memref<32x1000xf32, #tpu.memory_space<vmem>> -> memref<1x1000xf32, #tpu.memory_space<vmem>>
          %get3A_348 = tpu.memref_squeeze %get3A_347 : memref<1x1000xf32, #tpu.memory_space<vmem>> -> memref<1000xf32, #tpu.memory_space<vmem>>
          %get3A_349 = arith.constant 288 : index
          %get3A_350 = tpu.vector_load %get3A_348[%get3A_349] {strides = array<i32>} : memref<1000xf32, #tpu.memory_space<vmem>>, vector<16xf32>,
          %get3A_351 = vector.shape_cast %get3A_350 : vector<16xf32> to vector<16xf32>
          %get3A_352 = arith.constant 0 : i32
          %get3A_353 = tpu.memref_slice %arg8[%add3A_127, %get3A_352] : memref<32x1000xf32, #tpu.memory_space<vmem>> -> memref<1x1000xf32, #tpu.memory_space<vmem>>
          %get3A_354 = tpu.memref_squeeze %get3A_353 : memref<1x1000xf32, #tpu.memory_space<vmem>> -> memref<1000xf32, #tpu.memory_space<vmem>>
          %get3A_355 = arith.constant 304 : index
          %get3A_356 = tpu.vector_load %get3A_354[%get3A_355] {strides = array<i32>} : memref<1000xf32, #tpu.memory_space<vmem>>, vector<16xf32>,
          %get3A_357 = vector.shape_cast %get3A_356 : vector<16xf32> to vector<16xf32>
          %max3A_358 = arith.maximumf %get3A_339, %get3A_345 : vector<16xf32>
          %max3A_359 = arith.maximumf %max3A_308, %max3A_358 : vector<16xf32>
          %max3A_360 = arith.maximumf %get3A_351, %get3A_357 : vector<16xf32>
          %max3A_361 = arith.maximumf %max3A_310, %max3A_360 : vector<16xf32>
          %exp3A_362 = math.exp %get3A_339 : vector<16xf32>
          %add3A_363 = arith.addf %add3A_312, %exp3A_362 : vector<16xf32>
          %exp3A_364 = math.exp %get3A_345 : vector<16xf32>
          %add3A_365 = arith.addf %add3A_314, %exp3A_364 : vector<16xf32>
          %exp3A_366 = math.exp %get3A_351 : vector<16xf32>
          %add3A_367 = arith.addf %add3A_316, %exp3A_366 : vector<16xf32>
          %exp3A_368 = math.exp %get3A_357 : vector<16xf32>
          %add3A_369 = arith.addf %add3A_318, %exp3A_368 : vector<16xf32>
          %eq3A_370 = arith.cmpi eq, %iota3A, %sub3A_333 : vector<16xi32>
          %select_n3A_371 = arith.select %eq3A_370, %get3A_339, %broadcast_in_dim3A_132 : vector<16xi1>, vector<16xf32>
          %add3A_372 = arith.addf %add3A_330, %select_n3A_371 : vector<16xf32>
          %eq3A_373 = arith.cmpi eq, %add3A_46, %sub3A_333 : vector<16xi32>
          %select_n3A_374 = arith.select %eq3A_373, %get3A_345, %broadcast_in_dim3A_132 : vector<16xi1>, vector<16xf32>
          %add3A_375 = arith.addf %add3A_372, %select_n3A_374 : vector<16xf32>
          %eq3A_376 = arith.cmpi eq, %add3A_49, %sub3A_333 : vector<16xi32>
          %select_n3A_377 = arith.select %eq3A_376, %get3A_351, %broadcast_in_dim3A_132 : vector<16xi1>, vector<16xf32>
          %add3A_378 = arith.addf %add3A_375, %select_n3A_377 : vector<16xf32>
          %eq3A_379 = arith.cmpi eq, %add3A_52, %sub3A_333 : vector<16xi32>
          %select_n3A_380 = arith.select %eq3A_379, %get3A_357, %broadcast_in_dim3A_132 : vector<16xi1>, vector<16xf32>
          %add3A_381 = arith.addf %add3A_378, %select_n3A_380 : vector<16xf32>
          %sub3A_382 = arith.constant 64 : i32
          %sub3A_383 = vector.broadcast %sub3A_382 : i32 to vector<16xi32>
          %sub3A_384 = arith.subi %sub3A_333, %sub3A_383 : vector<16xi32>
          %get3A_385 = arith.constant 0 : i32
          %get3A_386 = tpu.memref_slice %arg8[%add3A_127, %get3A_385] : memref<32x1000xf32, #tpu.memory_space<vmem>> -> memref<1x1000xf32, #tpu.memory_space<vmem>>
          %get3A_387 = tpu.memref_squeeze %get3A_386 : memref<1x1000xf32, #tpu.memory_space<vmem>> -> memref<1000xf32, #tpu.memory_space<vmem>>
          %get3A_388 = arith.constant 320 : index
          %get3A_389 = tpu.vector_load %get3A_387[%get3A_388] {strides = array<i32>} : memref<1000xf32, #tpu.memory_space<vmem>>, vector<16xf32>,
          %get3A_390 = vector.shape_cast %get3A_389 : vector<16xf32> to vector<16xf32>
          %get3A_391 = arith.constant 0 : i32
          %get3A_392 = tpu.memref_slice %arg8[%add3A_127, %get3A_391] : memref<32x1000xf32, #tpu.memory_space<vmem>> -> memref<1x1000xf32, #tpu.memory_space<vmem>>
          %get3A_393 = tpu.memref_squeeze %get3A_392 : memref<1x1000xf32, #tpu.memory_space<vmem>> -> memref<1000xf32, #tpu.memory_space<vmem>>
          %get3A_394 = arith.constant 336 : index
          %get3A_395 = tpu.vector_load %get3A_393[%get3A_394] {strides = array<i32>} : memref<1000xf32, #tpu.memory_space<vmem>>, vector<16xf32>,
          %get3A_396 = vector.shape_cast %get3A_395 : vector<16xf32> to vector<16xf32>
          %get3A_397 = arith.constant 0 : i32
          %get3A_398 = tpu.memref_slice %arg8[%add3A_127, %get3A_397] : memref<32x1000xf32, #tpu.memory_space<vmem>> -> memref<1x1000xf32, #tpu.memory_space<vmem>>
          %get3A_399 = tpu.memref_squeeze %get3A_398 : memref<1x1000xf32, #tpu.memory_space<vmem>> -> memref<1000xf32, #tpu.memory_space<vmem>>
          %get3A_400 = arith.constant 352 : index
          %get3A_401 = tpu.vector_load %get3A_399[%get3A_400] {strides = array<i32>} : memref<1000xf32, #tpu.memory_space<vmem>>, vector<16xf32>,
          %get3A_402 = vector.shape_cast %get3A_401 : vector<16xf32> to vector<16xf32>
          %get3A_403 = arith.constant 0 : i32
          %get3A_404 = tpu.memref_slice %arg8[%add3A_127, %get3A_403] : memref<32x1000xf32, #tpu.memory_space<vmem>> -> memref<1x1000xf32, #tpu.memory_space<vmem>>
          %get3A_405 = tpu.memref_squeeze %get3A_404 : memref<1x1000xf32, #tpu.memory_space<vmem>> -> memref<1000xf32, #tpu.memory_space<vmem>>
          %get3A_406 = arith.constant 368 : index
          %get3A_407 = tpu.vector_load %get3A_405[%get3A_406] {strides = array<i32>} : memref<1000xf32, #tpu.memory_space<vmem>>, vector<16xf32>,
          %get3A_408 = vector.shape_cast %get3A_407 : vector<16xf32> to vector<16xf32>
          %max3A_409 = arith.maximumf %get3A_390, %get3A_396 : vector<16xf32>
          %max3A_410 = arith.maximumf %max3A_359, %max3A_409 : vector<16xf32>
          %max3A_411 = arith.maximumf %get3A_402, %get3A_408 : vector<16xf32>
          %max3A_412 = arith.maximumf %max3A_361, %max3A_411 : vector<16xf32>
          %exp3A_413 = math.exp %get3A_390 : vector<16xf32>
          %add3A_414 = arith.addf %add3A_363, %exp3A_413 : vector<16xf32>
          %exp3A_415 = math.exp %get3A_396 : vector<16xf32>
          %add3A_416 = arith.addf %add3A_365, %exp3A_415 : vector<16xf32>
          %exp3A_417 = math.exp %get3A_402 : vector<16xf32>
          %add3A_418 = arith.addf %add3A_367, %exp3A_417 : vector<16xf32>
          %exp3A_419 = math.exp %get3A_408 : vector<16xf32>
          %add3A_420 = arith.addf %add3A_369, %exp3A_419 : vector<16xf32>
          %eq3A_421 = arith.cmpi eq, %iota3A, %sub3A_384 : vector<16xi32>
          %select_n3A_422 = arith.select %eq3A_421, %get3A_390, %broadcast_in_dim3A_132 : vector<16xi1>, vector<16xf32>
          %add3A_423 = arith.addf %add3A_381, %select_n3A_422 : vector<16xf32>
          %eq3A_424 = arith.cmpi eq, %add3A_46, %sub3A_384 : vector<16xi32>
          %select_n3A_425 = arith.select %eq3A_424, %get3A_396, %broadcast_in_dim3A_132 : vector<16xi1>, vector<16xf32>
          %add3A_426 = arith.addf %add3A_423, %select_n3A_425 : vector<16xf32>
          %eq3A_427 = arith.cmpi eq, %add3A_49, %sub3A_384 : vector<16xi32>
          %select_n3A_428 = arith.select %eq3A_427, %get3A_402, %broadcast_in_dim3A_132 : vector<16xi1>, vector<16xf32>
          %add3A_429 = arith.addf %add3A_426, %select_n3A_428 : vector<16xf32>
          %eq3A_430 = arith.cmpi eq, %add3A_52, %sub3A_384 : vector<16xi32>
          %select_n3A_431 = arith.select %eq3A_430, %get3A_408, %broadcast_in_dim3A_132 : vector<16xi1>, vector<16xf32>
          %add3A_432 = arith.addf %add3A_429, %select_n3A_431 : vector<16xf32>
          %sub3A_433 = arith.constant 64 : i32
          %sub3A_434 = vector.broadcast %sub3A_433 : i32 to vector<16xi32>
          %sub3A_435 = arith.subi %sub3A_384, %sub3A_434 : vector<16xi32>
          %get3A_436 = arith.constant 0 : i32
          %get3A_437 = tpu.memref_slice %arg8[%add3A_127, %get3A_436] : memref<32x1000xf32, #tpu.memory_space<vmem>> -> memref<1x1000xf32, #tpu.memory_space<vmem>>
          %get3A_438 = tpu.memref_squeeze %get3A_437 : memref<1x1000xf32, #tpu.memory_space<vmem>> -> memref<1000xf32, #tpu.memory_space<vmem>>
          %get3A_439 = arith.constant 384 : index
          %get3A_440 = tpu.vector_load %get3A_438[%get3A_439] {strides = array<i32>} : memref<1000xf32, #tpu.memory_space<vmem>>, vector<16xf32>,
          %get3A_441 = vector.shape_cast %get3A_440 : vector<16xf32> to vector<16xf32>
          %get3A_442 = arith.constant 0 : i32
          %get3A_443 = tpu.memref_slice %arg8[%add3A_127, %get3A_442] : memref<32x1000xf32, #tpu.memory_space<vmem>> -> memref<1x1000xf32, #tpu.memory_space<vmem>>
          %get3A_444 = tpu.memref_squeeze %get3A_443 : memref<1x1000xf32, #tpu.memory_space<vmem>> -> memref<1000xf32, #tpu.memory_space<vmem>>
          %get3A_445 = arith.constant 400 : index
          %get3A_446 = tpu.vector_load %get3A_444[%get3A_445] {strides = array<i32>} : memref<1000xf32, #tpu.memory_space<vmem>>, vector<16xf32>,
          %get3A_447 = vector.shape_cast %get3A_446 : vector<16xf32> to vector<16xf32>
          %get3A_448 = arith.constant 0 : i32
          %get3A_449 = tpu.memref_slice %arg8[%add3A_127, %get3A_448] : memref<32x1000xf32, #tpu.memory_space<vmem>> -> memref<1x1000xf32, #tpu.memory_space<vmem>>
          %get3A_450 = tpu.memref_squeeze %get3A_449 : memref<1x1000xf32, #tpu.memory_space<vmem>> -> memref<1000xf32, #tpu.memory_space<vmem>>
          %get3A_451 = arith.constant 416 : index
          %get3A_452 = tpu.vector_load %get3A_450[%get3A_451] {strides = array<i32>} : memref<1000xf32, #tpu.memory_space<vmem>>, vector<16xf32>,
          %get3A_453 = vector.shape_cast %get3A_452 : vector<16xf32> to vector<16xf32>
          %get3A_454 = arith.constant 0 : i32
          %get3A_455 = tpu.memref_slice %arg8[%add3A_127, %get3A_454] : memref<32x1000xf32, #tpu.memory_space<vmem>> -> memref<1x1000xf32, #tpu.memory_space<vmem>>
          %get3A_456 = tpu.memref_squeeze %get3A_455 : memref<1x1000xf32, #tpu.memory_space<vmem>> -> memref<1000xf32, #tpu.memory_space<vmem>>
          %get3A_457 = arith.constant 432 : index
          %get3A_458 = tpu.vector_load %get3A_456[%get3A_457] {strides = array<i32>} : memref<1000xf32, #tpu.memory_space<vmem>>, vector<16xf32>,
          %get3A_459 = vector.shape_cast %get3A_458 : vector<16xf32> to vector<16xf32>
          %max3A_460 = arith.maximumf %get3A_441, %get3A_447 : vector<16xf32>
          %max3A_461 = arith.maximumf %max3A_410, %max3A_460 : vector<16xf32>
          %max3A_462 = arith.maximumf %get3A_453, %get3A_459 : vector<16xf32>
          %max3A_463 = arith.maximumf %max3A_412, %max3A_462 : vector<16xf32>
          %exp3A_464 = math.exp %get3A_441 : vector<16xf32>
          %add3A_465 = arith.addf %add3A_414, %exp3A_464 : vector<16xf32>
          %exp3A_466 = math.exp %get3A_447 : vector<16xf32>
          %add3A_467 = arith.addf %add3A_416, %exp3A_466 : vector<16xf32>
          %exp3A_468 = math.exp %get3A_453 : vector<16xf32>
          %add3A_469 = arith.addf %add3A_418, %exp3A_468 : vector<16xf32>
          %exp3A_470 = math.exp %get3A_459 : vector<16xf32>
          %add3A_471 = arith.addf %add3A_420, %exp3A_470 : vector<16xf32>
          %eq3A_472 = arith.cmpi eq, %iota3A, %sub3A_435 : vector<16xi32>
          %select_n3A_473 = arith.select %eq3A_472, %get3A_441, %broadcast_in_dim3A_132 : vector<16xi1>, vector<16xf32>
          %add3A_474 = arith.addf %add3A_432, %select_n3A_473 : vector<16xf32>
          %eq3A_475 = arith.cmpi eq, %add3A_46, %sub3A_435 : vector<16xi32>
          %select_n3A_476 = arith.select %eq3A_475, %get3A_447, %broadcast_in_dim3A_132 : vector<16xi1>, vector<16xf32>
          %add3A_477 = arith.addf %add3A_474, %select_n3A_476 : vector<16xf32>
          %eq3A_478 = arith.cmpi eq, %add3A_49, %sub3A_435 : vector<16xi32>
          %select_n3A_479 = arith.select %eq3A_478, %get3A_453, %broadcast_in_dim3A_132 : vector<16xi1>, vector<16xf32>
          %add3A_480 = arith.addf %add3A_477, %select_n3A_479 : vector<16xf32>
          %eq3A_481 = arith.cmpi eq, %add3A_52, %sub3A_435 : vector<16xi32>
          %select_n3A_482 = arith.select %eq3A_481, %get3A_459, %broadcast_in_dim3A_132 : vector<16xi1>, vector<16xf32>
          %add3A_483 = arith.addf %add3A_480, %select_n3A_482 : vector<16xf32>
          %sub3A_484 = arith.constant 64 : i32
          %sub3A_485 = vector.broadcast %sub3A_484 : i32 to vector<16xi32>
          %sub3A_486 = arith.subi %sub3A_435, %sub3A_485 : vector<16xi32>
          %get3A_487 = arith.constant 0 : i32
          %get3A_488 = tpu.memref_slice %arg8[%add3A_127, %get3A_487] : memref<32x1000xf32, #tpu.memory_space<vmem>> -> memref<1x1000xf32, #tpu.memory_space<vmem>>
          %get3A_489 = tpu.memref_squeeze %get3A_488 : memref<1x1000xf32, #tpu.memory_space<vmem>> -> memref<1000xf32, #tpu.memory_space<vmem>>
          %get3A_490 = arith.constant 448 : index
          %get3A_491 = tpu.vector_load %get3A_489[%get3A_490] {strides = array<i32>} : memref<1000xf32, #tpu.memory_space<vmem>>, vector<16xf32>,
          %get3A_492 = vector.shape_cast %get3A_491 : vector<16xf32> to vector<16xf32>
          %get3A_493 = arith.constant 0 : i32
          %get3A_494 = tpu.memref_slice %arg8[%add3A_127, %get3A_493] : memref<32x1000xf32, #tpu.memory_space<vmem>> -> memref<1x1000xf32, #tpu.memory_space<vmem>>
          %get3A_495 = tpu.memref_squeeze %get3A_494 : memref<1x1000xf32, #tpu.memory_space<vmem>> -> memref<1000xf32, #tpu.memory_space<vmem>>
          %get3A_496 = arith.constant 464 : index
          %get3A_497 = tpu.vector_load %get3A_495[%get3A_496] {strides = array<i32>} : memref<1000xf32, #tpu.memory_space<vmem>>, vector<16xf32>,
          %get3A_498 = vector.shape_cast %get3A_497 : vector<16xf32> to vector<16xf32>
          %get3A_499 = arith.constant 0 : i32
          %get3A_500 = tpu.memref_slice %arg8[%add3A_127, %get3A_499] : memref<32x1000xf32, #tpu.memory_space<vmem>> -> memref<1x1000xf32, #tpu.memory_space<vmem>>
          %get3A_501 = tpu.memref_squeeze %get3A_500 : memref<1x1000xf32, #tpu.memory_space<vmem>> -> memref<1000xf32, #tpu.memory_space<vmem>>
          %get3A_502 = arith.constant 480 : index
          %get3A_503 = tpu.vector_load %get3A_501[%get3A_502] {strides = array<i32>} : memref<1000xf32, #tpu.memory_space<vmem>>, vector<16xf32>,
          %get3A_504 = vector.shape_cast %get3A_503 : vector<16xf32> to vector<16xf32>
          %get3A_505 = arith.constant 0 : i32
          %get3A_506 = tpu.memref_slice %arg8[%add3A_127, %get3A_505] : memref<32x1000xf32, #tpu.memory_space<vmem>> -> memref<1x1000xf32, #tpu.memory_space<vmem>>
          %get3A_507 = tpu.memref_squeeze %get3A_506 : memref<1x1000xf32, #tpu.memory_space<vmem>> -> memref<1000xf32, #tpu.memory_space<vmem>>
          %get3A_508 = arith.constant 496 : index
          %get3A_509 = tpu.vector_load %get3A_507[%get3A_508] {strides = array<i32>} : memref<1000xf32, #tpu.memory_space<vmem>>, vector<16xf32>,
          %get3A_510 = vector.shape_cast %get3A_509 : vector<16xf32> to vector<16xf32>
          %max3A_511 = arith.maximumf %get3A_492, %get3A_498 : vector<16xf32>
          %max3A_512 = arith.maximumf %max3A_461, %max3A_511 : vector<16xf32>
          %max3A_513 = arith.maximumf %get3A_504, %get3A_510 : vector<16xf32>
          %max3A_514 = arith.maximumf %max3A_463, %max3A_513 : vector<16xf32>
          %exp3A_515 = math.exp %get3A_492 : vector<16xf32>
          %add3A_516 = arith.addf %add3A_465, %exp3A_515 : vector<16xf32>
          %exp3A_517 = math.exp %get3A_498 : vector<16xf32>
          %add3A_518 = arith.addf %add3A_467, %exp3A_517 : vector<16xf32>
          %exp3A_519 = math.exp %get3A_504 : vector<16xf32>
          %add3A_520 = arith.addf %add3A_469, %exp3A_519 : vector<16xf32>
          %exp3A_521 = math.exp %get3A_510 : vector<16xf32>
          %add3A_522 = arith.addf %add3A_471, %exp3A_521 : vector<16xf32>
          %eq3A_523 = arith.cmpi eq, %iota3A, %sub3A_486 : vector<16xi32>
          %select_n3A_524 = arith.select %eq3A_523, %get3A_492, %broadcast_in_dim3A_132 : vector<16xi1>, vector<16xf32>
          %add3A_525 = arith.addf %add3A_483, %select_n3A_524 : vector<16xf32>
          %eq3A_526 = arith.cmpi eq, %add3A_46, %sub3A_486 : vector<16xi32>
          %select_n3A_527 = arith.select %eq3A_526, %get3A_498, %broadcast_in_dim3A_132 : vector<16xi1>, vector<16xf32>
          %add3A_528 = arith.addf %add3A_525, %select_n3A_527 : vector<16xf32>
          %eq3A_529 = arith.cmpi eq, %add3A_49, %sub3A_486 : vector<16xi32>
          %select_n3A_530 = arith.select %eq3A_529, %get3A_504, %broadcast_in_dim3A_132 : vector<16xi1>, vector<16xf32>
          %add3A_531 = arith.addf %add3A_528, %select_n3A_530 : vector<16xf32>
          %eq3A_532 = arith.cmpi eq, %add3A_52, %sub3A_486 : vector<16xi32>
          %select_n3A_533 = arith.select %eq3A_532, %get3A_510, %broadcast_in_dim3A_132 : vector<16xi1>, vector<16xf32>
          %add3A_534 = arith.addf %add3A_531, %select_n3A_533 : vector<16xf32>
          %sub3A_535 = arith.constant 64 : i32
          %sub3A_536 = vector.broadcast %sub3A_535 : i32 to vector<16xi32>
          %sub3A_537 = arith.subi %sub3A_486, %sub3A_536 : vector<16xi32>
          %get3A_538 = arith.constant 0 : i32
          %get3A_539 = tpu.memref_slice %arg8[%add3A_127, %get3A_538] : memref<32x1000xf32, #tpu.memory_space<vmem>> -> memref<1x1000xf32, #tpu.memory_space<vmem>>
          %get3A_540 = tpu.memref_squeeze %get3A_539 : memref<1x1000xf32, #tpu.memory_space<vmem>> -> memref<1000xf32, #tpu.memory_space<vmem>>
          %get3A_541 = arith.constant 512 : index
          %get3A_542 = tpu.vector_load %get3A_540[%get3A_541] {strides = array<i32>} : memref<1000xf32, #tpu.memory_space<vmem>>, vector<16xf32>,
          %get3A_543 = vector.shape_cast %get3A_542 : vector<16xf32> to vector<16xf32>
          %get3A_544 = arith.constant 0 : i32
          %get3A_545 = tpu.memref_slice %arg8[%add3A_127, %get3A_544] : memref<32x1000xf32, #tpu.memory_space<vmem>> -> memref<1x1000xf32, #tpu.memory_space<vmem>>
          %get3A_546 = tpu.memref_squeeze %get3A_545 : memref<1x1000xf32, #tpu.memory_space<vmem>> -> memref<1000xf32, #tpu.memory_space<vmem>>
          %get3A_547 = arith.constant 528 : index
          %get3A_548 = tpu.vector_load %get3A_546[%get3A_547] {strides = array<i32>} : memref<1000xf32, #tpu.memory_space<vmem>>, vector<16xf32>,
          %get3A_549 = vector.shape_cast %get3A_548 : vector<16xf32> to vector<16xf32>
          %get3A_550 = arith.constant 0 : i32
          %get3A_551 = tpu.memref_slice %arg8[%add3A_127, %get3A_550] : memref<32x1000xf32, #tpu.memory_space<vmem>> -> memref<1x1000xf32, #tpu.memory_space<vmem>>
          %get3A_552 = tpu.memref_squeeze %get3A_551 : memref<1x1000xf32, #tpu.memory_space<vmem>> -> memref<1000xf32, #tpu.memory_space<vmem>>
          %get3A_553 = arith.constant 544 : index
          %get3A_554 = tpu.vector_load %get3A_552[%get3A_553] {strides = array<i32>} : memref<1000xf32, #tpu.memory_space<vmem>>, vector<16xf32>,
          %get3A_555 = vector.shape_cast %get3A_554 : vector<16xf32> to vector<16xf32>
          %get3A_556 = arith.constant 0 : i32
          %get3A_557 = tpu.memref_slice %arg8[%add3A_127, %get3A_556] : memref<32x1000xf32, #tpu.memory_space<vmem>> -> memref<1x1000xf32, #tpu.memory_space<vmem>>
          %get3A_558 = tpu.memref_squeeze %get3A_557 : memref<1x1000xf32, #tpu.memory_space<vmem>> -> memref<1000xf32, #tpu.memory_space<vmem>>
          %get3A_559 = arith.constant 560 : index
          %get3A_560 = tpu.vector_load %get3A_558[%get3A_559] {strides = array<i32>} : memref<1000xf32, #tpu.memory_space<vmem>>, vector<16xf32>,
          %get3A_561 = vector.shape_cast %get3A_560 : vector<16xf32> to vector<16xf32>
          %max3A_562 = arith.maximumf %get3A_543, %get3A_549 : vector<16xf32>
          %max3A_563 = arith.maximumf %max3A_512, %max3A_562 : vector<16xf32>
          %max3A_564 = arith.maximumf %get3A_555, %get3A_561 : vector<16xf32>
          %max3A_565 = arith.maximumf %max3A_514, %max3A_564 : vector<16xf32>
          %exp3A_566 = math.exp %get3A_543 : vector<16xf32>
          %add3A_567 = arith.addf %add3A_516, %exp3A_566 : vector<16xf32>
          %exp3A_568 = math.exp %get3A_549 : vector<16xf32>
          %add3A_569 = arith.addf %add3A_518, %exp3A_568 : vector<16xf32>
          %exp3A_570 = math.exp %get3A_555 : vector<16xf32>
          %add3A_571 = arith.addf %add3A_520, %exp3A_570 : vector<16xf32>
          %exp3A_572 = math.exp %get3A_561 : vector<16xf32>
          %add3A_573 = arith.addf %add3A_522, %exp3A_572 : vector<16xf32>
          %eq3A_574 = arith.cmpi eq, %iota3A, %sub3A_537 : vector<16xi32>
          %select_n3A_575 = arith.select %eq3A_574, %get3A_543, %broadcast_in_dim3A_132 : vector<16xi1>, vector<16xf32>
          %add3A_576 = arith.addf %add3A_534, %select_n3A_575 : vector<16xf32>
          %eq3A_577 = arith.cmpi eq, %add3A_46, %sub3A_537 : vector<16xi32>
          %select_n3A_578 = arith.select %eq3A_577, %get3A_549, %broadcast_in_dim3A_132 : vector<16xi1>, vector<16xf32>
          %add3A_579 = arith.addf %add3A_576, %select_n3A_578 : vector<16xf32>
          %eq3A_580 = arith.cmpi eq, %add3A_49, %sub3A_537 : vector<16xi32>
          %select_n3A_581 = arith.select %eq3A_580, %get3A_555, %broadcast_in_dim3A_132 : vector<16xi1>, vector<16xf32>
          %add3A_582 = arith.addf %add3A_579, %select_n3A_581 : vector<16xf32>
          %eq3A_583 = arith.cmpi eq, %add3A_52, %sub3A_537 : vector<16xi32>
          %select_n3A_584 = arith.select %eq3A_583, %get3A_561, %broadcast_in_dim3A_132 : vector<16xi1>, vector<16xf32>
          %add3A_585 = arith.addf %add3A_582, %select_n3A_584 : vector<16xf32>
          %sub3A_586 = arith.constant 64 : i32
          %sub3A_587 = vector.broadcast %sub3A_586 : i32 to vector<16xi32>
          %sub3A_588 = arith.subi %sub3A_537, %sub3A_587 : vector<16xi32>
          %get3A_589 = arith.constant 0 : i32
          %get3A_590 = tpu.memref_slice %arg8[%add3A_127, %get3A_589] : memref<32x1000xf32, #tpu.memory_space<vmem>> -> memref<1x1000xf32, #tpu.memory_space<vmem>>
          %get3A_591 = tpu.memref_squeeze %get3A_590 : memref<1x1000xf32, #tpu.memory_space<vmem>> -> memref<1000xf32, #tpu.memory_space<vmem>>
          %get3A_592 = arith.constant 576 : index
          %get3A_593 = tpu.vector_load %get3A_591[%get3A_592] {strides = array<i32>} : memref<1000xf32, #tpu.memory_space<vmem>>, vector<16xf32>,
          %get3A_594 = vector.shape_cast %get3A_593 : vector<16xf32> to vector<16xf32>
          %get3A_595 = arith.constant 0 : i32
          %get3A_596 = tpu.memref_slice %arg8[%add3A_127, %get3A_595] : memref<32x1000xf32, #tpu.memory_space<vmem>> -> memref<1x1000xf32, #tpu.memory_space<vmem>>
          %get3A_597 = tpu.memref_squeeze %get3A_596 : memref<1x1000xf32, #tpu.memory_space<vmem>> -> memref<1000xf32, #tpu.memory_space<vmem>>
          %get3A_598 = arith.constant 592 : index
          %get3A_599 = tpu.vector_load %get3A_597[%get3A_598] {strides = array<i32>} : memref<1000xf32, #tpu.memory_space<vmem>>, vector<16xf32>,
          %get3A_600 = vector.shape_cast %get3A_599 : vector<16xf32> to vector<16xf32>
          %get3A_601 = arith.constant 0 : i32
          %get3A_602 = tpu.memref_slice %arg8[%add3A_127, %get3A_601] : memref<32x1000xf32, #tpu.memory_space<vmem>> -> memref<1x1000xf32, #tpu.memory_space<vmem>>
          %get3A_603 = tpu.memref_squeeze %get3A_602 : memref<1x1000xf32, #tpu.memory_space<vmem>> -> memref<1000xf32, #tpu.memory_space<vmem>>
          %get3A_604 = arith.constant 608 : index
          %get3A_605 = tpu.vector_load %get3A_603[%get3A_604] {strides = array<i32>} : memref<1000xf32, #tpu.memory_space<vmem>>, vector<16xf32>,
          %get3A_606 = vector.shape_cast %get3A_605 : vector<16xf32> to vector<16xf32>
          %get3A_607 = arith.constant 0 : i32
          %get3A_608 = tpu.memref_slice %arg8[%add3A_127, %get3A_607] : memref<32x1000xf32, #tpu.memory_space<vmem>> -> memref<1x1000xf32, #tpu.memory_space<vmem>>
          %get3A_609 = tpu.memref_squeeze %get3A_608 : memref<1x1000xf32, #tpu.memory_space<vmem>> -> memref<1000xf32, #tpu.memory_space<vmem>>
          %get3A_610 = arith.constant 624 : index
          %get3A_611 = tpu.vector_load %get3A_609[%get3A_610] {strides = array<i32>} : memref<1000xf32, #tpu.memory_space<vmem>>, vector<16xf32>,
          %get3A_612 = vector.shape_cast %get3A_611 : vector<16xf32> to vector<16xf32>
          %max3A_613 = arith.maximumf %get3A_594, %get3A_600 : vector<16xf32>
          %max3A_614 = arith.maximumf %max3A_563, %max3A_613 : vector<16xf32>
          %max3A_615 = arith.maximumf %get3A_606, %get3A_612 : vector<16xf32>
          %max3A_616 = arith.maximumf %max3A_565, %max3A_615 : vector<16xf32>
          %exp3A_617 = math.exp %get3A_594 : vector<16xf32>
          %add3A_618 = arith.addf %add3A_567, %exp3A_617 : vector<16xf32>
          %exp3A_619 = math.exp %get3A_600 : vector<16xf32>
          %add3A_620 = arith.addf %add3A_569, %exp3A_619 : vector<16xf32>
          %exp3A_621 = math.exp %get3A_606 : vector<16xf32>
          %add3A_622 = arith.addf %add3A_571, %exp3A_621 : vector<16xf32>
          %exp3A_623 = math.exp %get3A_612 : vector<16xf32>
          %add3A_624 = arith.addf %add3A_573, %exp3A_623 : vector<16xf32>
          %eq3A_625 = arith.cmpi eq, %iota3A, %sub3A_588 : vector<16xi32>
          %select_n3A_626 = arith.select %eq3A_625, %get3A_594, %broadcast_in_dim3A_132 : vector<16xi1>, vector<16xf32>
          %add3A_627 = arith.addf %add3A_585, %select_n3A_626 : vector<16xf32>
          %eq3A_628 = arith.cmpi eq, %add3A_46, %sub3A_588 : vector<16xi32>
          %select_n3A_629 = arith.select %eq3A_628, %get3A_600, %broadcast_in_dim3A_132 : vector<16xi1>, vector<16xf32>
          %add3A_630 = arith.addf %add3A_627, %select_n3A_629 : vector<16xf32>
          %eq3A_631 = arith.cmpi eq, %add3A_49, %sub3A_588 : vector<16xi32>
          %select_n3A_632 = arith.select %eq3A_631, %get3A_606, %broadcast_in_dim3A_132 : vector<16xi1>, vector<16xf32>
          %add3A_633 = arith.addf %add3A_630, %select_n3A_632 : vector<16xf32>
          %eq3A_634 = arith.cmpi eq, %add3A_52, %sub3A_588 : vector<16xi32>
          %select_n3A_635 = arith.select %eq3A_634, %get3A_612, %broadcast_in_dim3A_132 : vector<16xi1>, vector<16xf32>
          %add3A_636 = arith.addf %add3A_633, %select_n3A_635 : vector<16xf32>
          %sub3A_637 = arith.constant 64 : i32
          %sub3A_638 = vector.broadcast %sub3A_637 : i32 to vector<16xi32>
          %sub3A_639 = arith.subi %sub3A_588, %sub3A_638 : vector<16xi32>
          %get3A_640 = arith.constant 0 : i32
          %get3A_641 = tpu.memref_slice %arg8[%add3A_127, %get3A_640] : memref<32x1000xf32, #tpu.memory_space<vmem>> -> memref<1x1000xf32, #tpu.memory_space<vmem>>
          %get3A_642 = tpu.memref_squeeze %get3A_641 : memref<1x1000xf32, #tpu.memory_space<vmem>> -> memref<1000xf32, #tpu.memory_space<vmem>>
          %get3A_643 = arith.constant 640 : index
          %get3A_644 = tpu.vector_load %get3A_642[%get3A_643] {strides = array<i32>} : memref<1000xf32, #tpu.memory_space<vmem>>, vector<16xf32>,
          %get3A_645 = vector.shape_cast %get3A_644 : vector<16xf32> to vector<16xf32>
          %get3A_646 = arith.constant 0 : i32
          %get3A_647 = tpu.memref_slice %arg8[%add3A_127, %get3A_646] : memref<32x1000xf32, #tpu.memory_space<vmem>> -> memref<1x1000xf32, #tpu.memory_space<vmem>>
          %get3A_648 = tpu.memref_squeeze %get3A_647 : memref<1x1000xf32, #tpu.memory_space<vmem>> -> memref<1000xf32, #tpu.memory_space<vmem>>
          %get3A_649 = arith.constant 656 : index
          %get3A_650 = tpu.vector_load %get3A_648[%get3A_649] {strides = array<i32>} : memref<1000xf32, #tpu.memory_space<vmem>>, vector<16xf32>,
          %get3A_651 = vector.shape_cast %get3A_650 : vector<16xf32> to vector<16xf32>
          %get3A_652 = arith.constant 0 : i32
          %get3A_653 = tpu.memref_slice %arg8[%add3A_127, %get3A_652] : memref<32x1000xf32, #tpu.memory_space<vmem>> -> memref<1x1000xf32, #tpu.memory_space<vmem>>
          %get3A_654 = tpu.memref_squeeze %get3A_653 : memref<1x1000xf32, #tpu.memory_space<vmem>> -> memref<1000xf32, #tpu.memory_space<vmem>>
          %get3A_655 = arith.constant 672 : index
          %get3A_656 = tpu.vector_load %get3A_654[%get3A_655] {strides = array<i32>} : memref<1000xf32, #tpu.memory_space<vmem>>, vector<16xf32>,
          %get3A_657 = vector.shape_cast %get3A_656 : vector<16xf32> to vector<16xf32>
          %get3A_658 = arith.constant 0 : i32
          %get3A_659 = tpu.memref_slice %arg8[%add3A_127, %get3A_658] : memref<32x1000xf32, #tpu.memory_space<vmem>> -> memref<1x1000xf32, #tpu.memory_space<vmem>>
          %get3A_660 = tpu.memref_squeeze %get3A_659 : memref<1x1000xf32, #tpu.memory_space<vmem>> -> memref<1000xf32, #tpu.memory_space<vmem>>
          %get3A_661 = arith.constant 688 : index
          %get3A_662 = tpu.vector_load %get3A_660[%get3A_661] {strides = array<i32>} : memref<1000xf32, #tpu.memory_space<vmem>>, vector<16xf32>,
          %get3A_663 = vector.shape_cast %get3A_662 : vector<16xf32> to vector<16xf32>
          %max3A_664 = arith.maximumf %get3A_645, %get3A_651 : vector<16xf32>
          %max3A_665 = arith.maximumf %max3A_614, %max3A_664 : vector<16xf32>
          %max3A_666 = arith.maximumf %get3A_657, %get3A_663 : vector<16xf32>
          %max3A_667 = arith.maximumf %max3A_616, %max3A_666 : vector<16xf32>
          %exp3A_668 = math.exp %get3A_645 : vector<16xf32>
          %add3A_669 = arith.addf %add3A_618, %exp3A_668 : vector<16xf32>
          %exp3A_670 = math.exp %get3A_651 : vector<16xf32>
          %add3A_671 = arith.addf %add3A_620, %exp3A_670 : vector<16xf32>
          %exp3A_672 = math.exp %get3A_657 : vector<16xf32>
          %add3A_673 = arith.addf %add3A_622, %exp3A_672 : vector<16xf32>
          %exp3A_674 = math.exp %get3A_663 : vector<16xf32>
          %add3A_675 = arith.addf %add3A_624, %exp3A_674 : vector<16xf32>
          %eq3A_676 = arith.cmpi eq, %iota3A, %sub3A_639 : vector<16xi32>
          %select_n3A_677 = arith.select %eq3A_676, %get3A_645, %broadcast_in_dim3A_132 : vector<16xi1>, vector<16xf32>
          %add3A_678 = arith.addf %add3A_636, %select_n3A_677 : vector<16xf32>
          %eq3A_679 = arith.cmpi eq, %add3A_46, %sub3A_639 : vector<16xi32>
          %select_n3A_680 = arith.select %eq3A_679, %get3A_651, %broadcast_in_dim3A_132 : vector<16xi1>, vector<16xf32>
          %add3A_681 = arith.addf %add3A_678, %select_n3A_680 : vector<16xf32>
          %eq3A_682 = arith.cmpi eq, %add3A_49, %sub3A_639 : vector<16xi32>
          %select_n3A_683 = arith.select %eq3A_682, %get3A_657, %broadcast_in_dim3A_132 : vector<16xi1>, vector<16xf32>
          %add3A_684 = arith.addf %add3A_681, %select_n3A_683 : vector<16xf32>
          %eq3A_685 = arith.cmpi eq, %add3A_52, %sub3A_639 : vector<16xi32>
          %select_n3A_686 = arith.select %eq3A_685, %get3A_663, %broadcast_in_dim3A_132 : vector<16xi1>, vector<16xf32>
          %add3A_687 = arith.addf %add3A_684, %select_n3A_686 : vector<16xf32>
          %sub3A_688 = arith.constant 64 : i32
          %sub3A_689 = vector.broadcast %sub3A_688 : i32 to vector<16xi32>
          %sub3A_690 = arith.subi %sub3A_639, %sub3A_689 : vector<16xi32>
          %get3A_691 = arith.constant 0 : i32
          %get3A_692 = tpu.memref_slice %arg8[%add3A_127, %get3A_691] : memref<32x1000xf32, #tpu.memory_space<vmem>> -> memref<1x1000xf32, #tpu.memory_space<vmem>>
          %get3A_693 = tpu.memref_squeeze %get3A_692 : memref<1x1000xf32, #tpu.memory_space<vmem>> -> memref<1000xf32, #tpu.memory_space<vmem>>
          %get3A_694 = arith.constant 704 : index
          %get3A_695 = tpu.vector_load %get3A_693[%get3A_694] {strides = array<i32>} : memref<1000xf32, #tpu.memory_space<vmem>>, vector<16xf32>,
          %get3A_696 = vector.shape_cast %get3A_695 : vector<16xf32> to vector<16xf32>
          %get3A_697 = arith.constant 0 : i32
          %get3A_698 = tpu.memref_slice %arg8[%add3A_127, %get3A_697] : memref<32x1000xf32, #tpu.memory_space<vmem>> -> memref<1x1000xf32, #tpu.memory_space<vmem>>
          %get3A_699 = tpu.memref_squeeze %get3A_698 : memref<1x1000xf32, #tpu.memory_space<vmem>> -> memref<1000xf32, #tpu.memory_space<vmem>>
          %get3A_700 = arith.constant 720 : index
          %get3A_701 = tpu.vector_load %get3A_699[%get3A_700] {strides = array<i32>} : memref<1000xf32, #tpu.memory_space<vmem>>, vector<16xf32>,
          %get3A_702 = vector.shape_cast %get3A_701 : vector<16xf32> to vector<16xf32>
          %get3A_703 = arith.constant 0 : i32
          %get3A_704 = tpu.memref_slice %arg8[%add3A_127, %get3A_703] : memref<32x1000xf32, #tpu.memory_space<vmem>> -> memref<1x1000xf32, #tpu.memory_space<vmem>>
          %get3A_705 = tpu.memref_squeeze %get3A_704 : memref<1x1000xf32, #tpu.memory_space<vmem>> -> memref<1000xf32, #tpu.memory_space<vmem>>
          %get3A_706 = arith.constant 736 : index
          %get3A_707 = tpu.vector_load %get3A_705[%get3A_706] {strides = array<i32>} : memref<1000xf32, #tpu.memory_space<vmem>>, vector<16xf32>,
          %get3A_708 = vector.shape_cast %get3A_707 : vector<16xf32> to vector<16xf32>
          %get3A_709 = arith.constant 0 : i32
          %get3A_710 = tpu.memref_slice %arg8[%add3A_127, %get3A_709] : memref<32x1000xf32, #tpu.memory_space<vmem>> -> memref<1x1000xf32, #tpu.memory_space<vmem>>
          %get3A_711 = tpu.memref_squeeze %get3A_710 : memref<1x1000xf32, #tpu.memory_space<vmem>> -> memref<1000xf32, #tpu.memory_space<vmem>>
          %get3A_712 = arith.constant 752 : index
          %get3A_713 = tpu.vector_load %get3A_711[%get3A_712] {strides = array<i32>} : memref<1000xf32, #tpu.memory_space<vmem>>, vector<16xf32>,
          %get3A_714 = vector.shape_cast %get3A_713 : vector<16xf32> to vector<16xf32>
          %max3A_715 = arith.maximumf %get3A_696, %get3A_702 : vector<16xf32>
          %max3A_716 = arith.maximumf %max3A_665, %max3A_715 : vector<16xf32>
          %max3A_717 = arith.maximumf %get3A_708, %get3A_714 : vector<16xf32>
          %max3A_718 = arith.maximumf %max3A_667, %max3A_717 : vector<16xf32>
          %exp3A_719 = math.exp %get3A_696 : vector<16xf32>
          %add3A_720 = arith.addf %add3A_669, %exp3A_719 : vector<16xf32>
          %exp3A_721 = math.exp %get3A_702 : vector<16xf32>
          %add3A_722 = arith.addf %add3A_671, %exp3A_721 : vector<16xf32>
          %exp3A_723 = math.exp %get3A_708 : vector<16xf32>
          %add3A_724 = arith.addf %add3A_673, %exp3A_723 : vector<16xf32>
          %exp3A_725 = math.exp %get3A_714 : vector<16xf32>
          %add3A_726 = arith.addf %add3A_675, %exp3A_725 : vector<16xf32>
          %eq3A_727 = arith.cmpi eq, %iota3A, %sub3A_690 : vector<16xi32>
          %select_n3A_728 = arith.select %eq3A_727, %get3A_696, %broadcast_in_dim3A_132 : vector<16xi1>, vector<16xf32>
          %add3A_729 = arith.addf %add3A_687, %select_n3A_728 : vector<16xf32>
          %eq3A_730 = arith.cmpi eq, %add3A_46, %sub3A_690 : vector<16xi32>
          %select_n3A_731 = arith.select %eq3A_730, %get3A_702, %broadcast_in_dim3A_132 : vector<16xi1>, vector<16xf32>
          %add3A_732 = arith.addf %add3A_729, %select_n3A_731 : vector<16xf32>
          %eq3A_733 = arith.cmpi eq, %add3A_49, %sub3A_690 : vector<16xi32>
          %select_n3A_734 = arith.select %eq3A_733, %get3A_708, %broadcast_in_dim3A_132 : vector<16xi1>, vector<16xf32>
          %add3A_735 = arith.addf %add3A_732, %select_n3A_734 : vector<16xf32>
          %eq3A_736 = arith.cmpi eq, %add3A_52, %sub3A_690 : vector<16xi32>
          %select_n3A_737 = arith.select %eq3A_736, %get3A_714, %broadcast_in_dim3A_132 : vector<16xi1>, vector<16xf32>
          %add3A_738 = arith.addf %add3A_735, %select_n3A_737 : vector<16xf32>
          %sub3A_739 = arith.constant 64 : i32
          %sub3A_740 = vector.broadcast %sub3A_739 : i32 to vector<16xi32>
          %sub3A_741 = arith.subi %sub3A_690, %sub3A_740 : vector<16xi32>
          %get3A_742 = arith.constant 0 : i32
          %get3A_743 = tpu.memref_slice %arg8[%add3A_127, %get3A_742] : memref<32x1000xf32, #tpu.memory_space<vmem>> -> memref<1x1000xf32, #tpu.memory_space<vmem>>
          %get3A_744 = tpu.memref_squeeze %get3A_743 : memref<1x1000xf32, #tpu.memory_space<vmem>> -> memref<1000xf32, #tpu.memory_space<vmem>>
          %get3A_745 = arith.constant 768 : index
          %get3A_746 = tpu.vector_load %get3A_744[%get3A_745] {strides = array<i32>} : memref<1000xf32, #tpu.memory_space<vmem>>, vector<16xf32>,
          %get3A_747 = vector.shape_cast %get3A_746 : vector<16xf32> to vector<16xf32>
          %get3A_748 = arith.constant 0 : i32
          %get3A_749 = tpu.memref_slice %arg8[%add3A_127, %get3A_748] : memref<32x1000xf32, #tpu.memory_space<vmem>> -> memref<1x1000xf32, #tpu.memory_space<vmem>>
          %get3A_750 = tpu.memref_squeeze %get3A_749 : memref<1x1000xf32, #tpu.memory_space<vmem>> -> memref<1000xf32, #tpu.memory_space<vmem>>
          %get3A_751 = arith.constant 784 : index
          %get3A_752 = tpu.vector_load %get3A_750[%get3A_751] {strides = array<i32>} : memref<1000xf32, #tpu.memory_space<vmem>>, vector<16xf32>,
          %get3A_753 = vector.shape_cast %get3A_752 : vector<16xf32> to vector<16xf32>
          %get3A_754 = arith.constant 0 : i32
          %get3A_755 = tpu.memref_slice %arg8[%add3A_127, %get3A_754] : memref<32x1000xf32, #tpu.memory_space<vmem>> -> memref<1x1000xf32, #tpu.memory_space<vmem>>
          %get3A_756 = tpu.memref_squeeze %get3A_755 : memref<1x1000xf32, #tpu.memory_space<vmem>> -> memref<1000xf32, #tpu.memory_space<vmem>>
          %get3A_757 = arith.constant 800 : index
          %get3A_758 = tpu.vector_load %get3A_756[%get3A_757] {strides = array<i32>} : memref<1000xf32, #tpu.memory_space<vmem>>, vector<16xf32>,
          %get3A_759 = vector.shape_cast %get3A_758 : vector<16xf32> to vector<16xf32>
          %get3A_760 = arith.constant 0 : i32
          %get3A_761 = tpu.memref_slice %arg8[%add3A_127, %get3A_760] : memref<32x1000xf32, #tpu.memory_space<vmem>> -> memref<1x1000xf32, #tpu.memory_space<vmem>>
          %get3A_762 = tpu.memref_squeeze %get3A_761 : memref<1x1000xf32, #tpu.memory_space<vmem>> -> memref<1000xf32, #tpu.memory_space<vmem>>
          %get3A_763 = arith.constant 816 : index
          %get3A_764 = tpu.vector_load %get3A_762[%get3A_763] {strides = array<i32>} : memref<1000xf32, #tpu.memory_space<vmem>>, vector<16xf32>,
          %get3A_765 = vector.shape_cast %get3A_764 : vector<16xf32> to vector<16xf32>
          %max3A_766 = arith.maximumf %get3A_747, %get3A_753 : vector<16xf32>
          %max3A_767 = arith.maximumf %max3A_716, %max3A_766 : vector<16xf32>
          %max3A_768 = arith.maximumf %get3A_759, %get3A_765 : vector<16xf32>
          %max3A_769 = arith.maximumf %max3A_718, %max3A_768 : vector<16xf32>
          %exp3A_770 = math.exp %get3A_747 : vector<16xf32>
          %add3A_771 = arith.addf %add3A_720, %exp3A_770 : vector<16xf32>
          %exp3A_772 = math.exp %get3A_753 : vector<16xf32>
          %add3A_773 = arith.addf %add3A_722, %exp3A_772 : vector<16xf32>
          %exp3A_774 = math.exp %get3A_759 : vector<16xf32>
          %add3A_775 = arith.addf %add3A_724, %exp3A_774 : vector<16xf32>
          %exp3A_776 = math.exp %get3A_765 : vector<16xf32>
          %add3A_777 = arith.addf %add3A_726, %exp3A_776 : vector<16xf32>
          %eq3A_778 = arith.cmpi eq, %iota3A, %sub3A_741 : vector<16xi32>
          %select_n3A_779 = arith.select %eq3A_778, %get3A_747, %broadcast_in_dim3A_132 : vector<16xi1>, vector<16xf32>
          %add3A_780 = arith.addf %add3A_738, %select_n3A_779 : vector<16xf32>
          %eq3A_781 = arith.cmpi eq, %add3A_46, %sub3A_741 : vector<16xi32>
          %select_n3A_782 = arith.select %eq3A_781, %get3A_753, %broadcast_in_dim3A_132 : vector<16xi1>, vector<16xf32>
          %add3A_783 = arith.addf %add3A_780, %select_n3A_782 : vector<16xf32>
          %eq3A_784 = arith.cmpi eq, %add3A_49, %sub3A_741 : vector<16xi32>
          %select_n3A_785 = arith.select %eq3A_784, %get3A_759, %broadcast_in_dim3A_132 : vector<16xi1>, vector<16xf32>
          %add3A_786 = arith.addf %add3A_783, %select_n3A_785 : vector<16xf32>
          %eq3A_787 = arith.cmpi eq, %add3A_52, %sub3A_741 : vector<16xi32>
          %select_n3A_788 = arith.select %eq3A_787, %get3A_765, %broadcast_in_dim3A_132 : vector<16xi1>, vector<16xf32>
          %add3A_789 = arith.addf %add3A_786, %select_n3A_788 : vector<16xf32>
          %sub3A_790 = arith.constant 64 : i32
          %sub3A_791 = vector.broadcast %sub3A_790 : i32 to vector<16xi32>
          %sub3A_792 = arith.subi %sub3A_741, %sub3A_791 : vector<16xi32>
          %get3A_793 = arith.constant 0 : i32
          %get3A_794 = tpu.memref_slice %arg8[%add3A_127, %get3A_793] : memref<32x1000xf32, #tpu.memory_space<vmem>> -> memref<1x1000xf32, #tpu.memory_space<vmem>>
          %get3A_795 = tpu.memref_squeeze %get3A_794 : memref<1x1000xf32, #tpu.memory_space<vmem>> -> memref<1000xf32, #tpu.memory_space<vmem>>
          %get3A_796 = arith.constant 832 : index
          %get3A_797 = tpu.vector_load %get3A_795[%get3A_796] {strides = array<i32>} : memref<1000xf32, #tpu.memory_space<vmem>>, vector<16xf32>,
          %get3A_798 = vector.shape_cast %get3A_797 : vector<16xf32> to vector<16xf32>
          %get3A_799 = arith.constant 0 : i32
          %get3A_800 = tpu.memref_slice %arg8[%add3A_127, %get3A_799] : memref<32x1000xf32, #tpu.memory_space<vmem>> -> memref<1x1000xf32, #tpu.memory_space<vmem>>
          %get3A_801 = tpu.memref_squeeze %get3A_800 : memref<1x1000xf32, #tpu.memory_space<vmem>> -> memref<1000xf32, #tpu.memory_space<vmem>>
          %get3A_802 = arith.constant 848 : index
          %get3A_803 = tpu.vector_load %get3A_801[%get3A_802] {strides = array<i32>} : memref<1000xf32, #tpu.memory_space<vmem>>, vector<16xf32>,
          %get3A_804 = vector.shape_cast %get3A_803 : vector<16xf32> to vector<16xf32>
          %get3A_805 = arith.constant 0 : i32
          %get3A_806 = tpu.memref_slice %arg8[%add3A_127, %get3A_805] : memref<32x1000xf32, #tpu.memory_space<vmem>> -> memref<1x1000xf32, #tpu.memory_space<vmem>>
          %get3A_807 = tpu.memref_squeeze %get3A_806 : memref<1x1000xf32, #tpu.memory_space<vmem>> -> memref<1000xf32, #tpu.memory_space<vmem>>
          %get3A_808 = arith.constant 864 : index
          %get3A_809 = tpu.vector_load %get3A_807[%get3A_808] {strides = array<i32>} : memref<1000xf32, #tpu.memory_space<vmem>>, vector<16xf32>,
          %get3A_810 = vector.shape_cast %get3A_809 : vector<16xf32> to vector<16xf32>
          %get3A_811 = arith.constant 0 : i32
          %get3A_812 = tpu.memref_slice %arg8[%add3A_127, %get3A_811] : memref<32x1000xf32, #tpu.memory_space<vmem>> -> memref<1x1000xf32, #tpu.memory_space<vmem>>
          %get3A_813 = tpu.memref_squeeze %get3A_812 : memref<1x1000xf32, #tpu.memory_space<vmem>> -> memref<1000xf32, #tpu.memory_space<vmem>>
          %get3A_814 = arith.constant 880 : index
          %get3A_815 = tpu.vector_load %get3A_813[%get3A_814] {strides = array<i32>} : memref<1000xf32, #tpu.memory_space<vmem>>, vector<16xf32>,
          %get3A_816 = vector.shape_cast %get3A_815 : vector<16xf32> to vector<16xf32>
          %max3A_817 = arith.maximumf %get3A_798, %get3A_804 : vector<16xf32>
          %max3A_818 = arith.maximumf %max3A_767, %max3A_817 : vector<16xf32>
          %max3A_819 = arith.maximumf %get3A_810, %get3A_816 : vector<16xf32>
          %max3A_820 = arith.maximumf %max3A_769, %max3A_819 : vector<16xf32>
          %exp3A_821 = math.exp %get3A_798 : vector<16xf32>
          %add3A_822 = arith.addf %add3A_771, %exp3A_821 : vector<16xf32>
          %exp3A_823 = math.exp %get3A_804 : vector<16xf32>
          %add3A_824 = arith.addf %add3A_773, %exp3A_823 : vector<16xf32>
          %exp3A_825 = math.exp %get3A_810 : vector<16xf32>
          %add3A_826 = arith.addf %add3A_775, %exp3A_825 : vector<16xf32>
          %exp3A_827 = math.exp %get3A_816 : vector<16xf32>
          %add3A_828 = arith.addf %add3A_777, %exp3A_827 : vector<16xf32>
          %eq3A_829 = arith.cmpi eq, %iota3A, %sub3A_792 : vector<16xi32>
          %select_n3A_830 = arith.select %eq3A_829, %get3A_798, %broadcast_in_dim3A_132 : vector<16xi1>, vector<16xf32>
          %add3A_831 = arith.addf %add3A_789, %select_n3A_830 : vector<16xf32>
          %eq3A_832 = arith.cmpi eq, %add3A_46, %sub3A_792 : vector<16xi32>
          %select_n3A_833 = arith.select %eq3A_832, %get3A_804, %broadcast_in_dim3A_132 : vector<16xi1>, vector<16xf32>
          %add3A_834 = arith.addf %add3A_831, %select_n3A_833 : vector<16xf32>
          %eq3A_835 = arith.cmpi eq, %add3A_49, %sub3A_792 : vector<16xi32>
          %select_n3A_836 = arith.select %eq3A_835, %get3A_810, %broadcast_in_dim3A_132 : vector<16xi1>, vector<16xf32>
          %add3A_837 = arith.addf %add3A_834, %select_n3A_836 : vector<16xf32>
          %eq3A_838 = arith.cmpi eq, %add3A_52, %sub3A_792 : vector<16xi32>
          %select_n3A_839 = arith.select %eq3A_838, %get3A_816, %broadcast_in_dim3A_132 : vector<16xi1>, vector<16xf32>
          %add3A_840 = arith.addf %add3A_837, %select_n3A_839 : vector<16xf32>
          %sub3A_841 = arith.constant 64 : i32
          %sub3A_842 = vector.broadcast %sub3A_841 : i32 to vector<16xi32>
          %sub3A_843 = arith.subi %sub3A_792, %sub3A_842 : vector<16xi32>
          %get3A_844 = arith.constant 0 : i32
          %get3A_845 = tpu.memref_slice %arg8[%add3A_127, %get3A_844] : memref<32x1000xf32, #tpu.memory_space<vmem>> -> memref<1x1000xf32, #tpu.memory_space<vmem>>
          %get3A_846 = tpu.memref_squeeze %get3A_845 : memref<1x1000xf32, #tpu.memory_space<vmem>> -> memref<1000xf32, #tpu.memory_space<vmem>>
          %get3A_847 = arith.constant 896 : index
          %get3A_848 = tpu.vector_load %get3A_846[%get3A_847] {strides = array<i32>} : memref<1000xf32, #tpu.memory_space<vmem>>, vector<16xf32>,
          %get3A_849 = vector.shape_cast %get3A_848 : vector<16xf32> to vector<16xf32>
          %get3A_850 = arith.constant 0 : i32
          %get3A_851 = tpu.memref_slice %arg8[%add3A_127, %get3A_850] : memref<32x1000xf32, #tpu.memory_space<vmem>> -> memref<1x1000xf32, #tpu.memory_space<vmem>>
          %get3A_852 = tpu.memref_squeeze %get3A_851 : memref<1x1000xf32, #tpu.memory_space<vmem>> -> memref<1000xf32, #tpu.memory_space<vmem>>
          %get3A_853 = arith.constant 912 : index
          %get3A_854 = tpu.vector_load %get3A_852[%get3A_853] {strides = array<i32>} : memref<1000xf32, #tpu.memory_space<vmem>>, vector<16xf32>,
          %get3A_855 = vector.shape_cast %get3A_854 : vector<16xf32> to vector<16xf32>
          %get3A_856 = arith.constant 0 : i32
          %get3A_857 = tpu.memref_slice %arg8[%add3A_127, %get3A_856] : memref<32x1000xf32, #tpu.memory_space<vmem>> -> memref<1x1000xf32, #tpu.memory_space<vmem>>
          %get3A_858 = tpu.memref_squeeze %get3A_857 : memref<1x1000xf32, #tpu.memory_space<vmem>> -> memref<1000xf32, #tpu.memory_space<vmem>>
          %get3A_859 = arith.constant 928 : index
          %get3A_860 = tpu.vector_load %get3A_858[%get3A_859] {strides = array<i32>} : memref<1000xf32, #tpu.memory_space<vmem>>, vector<16xf32>,
          %get3A_861 = vector.shape_cast %get3A_860 : vector<16xf32> to vector<16xf32>
          %get3A_862 = arith.constant 0 : i32
          %get3A_863 = tpu.memref_slice %arg8[%add3A_127, %get3A_862] : memref<32x1000xf32, #tpu.memory_space<vmem>> -> memref<1x1000xf32, #tpu.memory_space<vmem>>
          %get3A_864 = tpu.memref_squeeze %get3A_863 : memref<1x1000xf32, #tpu.memory_space<vmem>> -> memref<1000xf32, #tpu.memory_space<vmem>>
          %get3A_865 = arith.constant 944 : index
          %get3A_866 = tpu.vector_load %get3A_864[%get3A_865] {strides = array<i32>} : memref<1000xf32, #tpu.memory_space<vmem>>, vector<16xf32>,
          %get3A_867 = vector.shape_cast %get3A_866 : vector<16xf32> to vector<16xf32>
          %max3A_868 = arith.maximumf %get3A_849, %get3A_855 : vector<16xf32>
          %max3A_869 = arith.maximumf %max3A_818, %max3A_868 : vector<16xf32>
          %max3A_870 = arith.maximumf %get3A_861, %get3A_867 : vector<16xf32>
          %max3A_871 = arith.maximumf %max3A_820, %max3A_870 : vector<16xf32>
          %exp3A_872 = math.exp %get3A_849 : vector<16xf32>
          %add3A_873 = arith.addf %add3A_822, %exp3A_872 : vector<16xf32>
          %exp3A_874 = math.exp %get3A_855 : vector<16xf32>
          %add3A_875 = arith.addf %add3A_824, %exp3A_874 : vector<16xf32>
          %exp3A_876 = math.exp %get3A_861 : vector<16xf32>
          %add3A_877 = arith.addf %add3A_826, %exp3A_876 : vector<16xf32>
          %exp3A_878 = math.exp %get3A_867 : vector<16xf32>
          %add3A_879 = arith.addf %add3A_828, %exp3A_878 : vector<16xf32>
          %eq3A_880 = arith.cmpi eq, %iota3A, %sub3A_843 : vector<16xi32>
          %select_n3A_881 = arith.select %eq3A_880, %get3A_849, %broadcast_in_dim3A_132 : vector<16xi1>, vector<16xf32>
          %add3A_882 = arith.addf %add3A_840, %select_n3A_881 : vector<16xf32>
          %eq3A_883 = arith.cmpi eq, %add3A_46, %sub3A_843 : vector<16xi32>
          %select_n3A_884 = arith.select %eq3A_883, %get3A_855, %broadcast_in_dim3A_132 : vector<16xi1>, vector<16xf32>
          %add3A_885 = arith.addf %add3A_882, %select_n3A_884 : vector<16xf32>
          %eq3A_886 = arith.cmpi eq, %add3A_49, %sub3A_843 : vector<16xi32>
          %select_n3A_887 = arith.select %eq3A_886, %get3A_861, %broadcast_in_dim3A_132 : vector<16xi1>, vector<16xf32>
          %add3A_888 = arith.addf %add3A_885, %select_n3A_887 : vector<16xf32>
          %eq3A_889 = arith.cmpi eq, %add3A_52, %sub3A_843 : vector<16xi32>
          %select_n3A_890 = arith.select %eq3A_889, %get3A_867, %broadcast_in_dim3A_132 : vector<16xi1>, vector<16xf32>
          %add3A_891 = arith.addf %add3A_888, %select_n3A_890 : vector<16xf32>
          %sub3A_892 = arith.constant 64 : i32
          %sub3A_893 = vector.broadcast %sub3A_892 : i32 to vector<16xi32>
          %sub3A_894 = arith.subi %sub3A_843, %sub3A_893 : vector<16xi32>
          %get3A_895 = arith.constant 0 : i32
          %get3A_896 = tpu.memref_slice %arg8[%add3A_127, %get3A_895] : memref<32x1000xf32, #tpu.memory_space<vmem>> -> memref<1x1000xf32, #tpu.memory_space<vmem>>
          %get3A_897 = tpu.memref_squeeze %get3A_896 : memref<1x1000xf32, #tpu.memory_space<vmem>> -> memref<1000xf32, #tpu.memory_space<vmem>>
          %get3A_898 = arith.constant 960 : index
          %get3A_899 = tpu.vector_load %get3A_897[%get3A_898] {strides = array<i32>} : memref<1000xf32, #tpu.memory_space<vmem>>, vector<16xf32>,
          %get3A_900 = vector.shape_cast %get3A_899 : vector<16xf32> to vector<16xf32>
          %get3A_901 = arith.constant 0 : i32
          %get3A_902 = tpu.memref_slice %arg8[%add3A_127, %get3A_901] : memref<32x1000xf32, #tpu.memory_space<vmem>> -> memref<1x1000xf32, #tpu.memory_space<vmem>>
          %get3A_903 = tpu.memref_squeeze %get3A_902 : memref<1x1000xf32, #tpu.memory_space<vmem>> -> memref<1000xf32, #tpu.memory_space<vmem>>
          %get3A_904 = arith.constant 976 : index
          %get3A_905 = tpu.vector_load %get3A_903[%get3A_904] {strides = array<i32>} : memref<1000xf32, #tpu.memory_space<vmem>>, vector<16xf32>,
          %get3A_906 = vector.shape_cast %get3A_905 : vector<16xf32> to vector<16xf32>
          %get3A_907 = arith.constant 0 : i32
          %get3A_908 = tpu.memref_slice %arg8[%add3A_127, %get3A_907] : memref<32x1000xf32, #tpu.memory_space<vmem>> -> memref<1x1000xf32, #tpu.memory_space<vmem>>
          %get3A_909 = tpu.memref_squeeze %get3A_908 : memref<1x1000xf32, #tpu.memory_space<vmem>> -> memref<1000xf32, #tpu.memory_space<vmem>>
          %get3A_910 = arith.constant 984 : index
          %get3A_911 = tpu.vector_load %get3A_909[%get3A_910] {strides = array<i32>} : memref<1000xf32, #tpu.memory_space<vmem>>, vector<16xf32>,
          %get3A_912 = vector.shape_cast %get3A_911 : vector<16xf32> to vector<16xf32>
          %ge3A = arith.constant 8 : i32
          %ge3A_913 = vector.broadcast %ge3A : i32 to vector<16xi32>
          %ge3A_914 = arith.cmpi sge, %iota3A, %ge3A_913 : vector<16xi32>
          %select_n3A_915 = arith.select %ge3A_914, %get3A_912, %broadcast_in_dim3A_132 : vector<16xi1>, vector<16xf32>
          %max3A_916 = arith.maximumf %max3A_869, %max3A_871 : vector<16xf32>
          %max3A_917 = arith.maximumf %get3A_900, %get3A_906 : vector<16xf32>
          %max3A_918 = arith.maximumf %max3A_916, %max3A_917 : vector<16xf32>
          %select_n3A_919 = arith.select %ge3A_914, %get3A_912, %broadcast_in_dim3A_134 : vector<16xi1>, vector<16xf32>
          %max3A_920 = arith.maximumf %max3A_918, %select_n3A_919 : vector<16xf32>
          %add3A_921 = arith.addf %add3A_873, %add3A_875 : vector<16xf32>
          %add3A_922 = arith.addf %add3A_877, %add3A_879 : vector<16xf32>
          %add3A_923 = arith.addf %add3A_921, %add3A_922 : vector<16xf32>
          %exp3A_924 = math.exp %get3A_900 : vector<16xf32>
          %exp3A_925 = math.exp %get3A_906 : vector<16xf32>
          %add3A_926 = arith.addf %exp3A_924, %exp3A_925 : vector<16xf32>
          %add3A_927 = arith.addf %add3A_923, %add3A_926 : vector<16xf32>
          %exp3A_928 = math.exp %get3A_912 : vector<16xf32>
          %select_n3A_929 = arith.select %ge3A_914, %exp3A_928, %broadcast_in_dim3A_132 : vector<16xi1>, vector<16xf32>
          %add3A_930 = arith.addf %add3A_927, %select_n3A_929 : vector<16xf32>
          %eq3A_931 = arith.cmpi eq, %iota3A, %sub3A_894 : vector<16xi32>
          %select_n3A_932 = arith.select %eq3A_931, %get3A_900, %broadcast_in_dim3A_132 : vector<16xi1>, vector<16xf32>
          %add3A_933 = arith.addf %add3A_891, %select_n3A_932 : vector<16xf32>
          %eq3A_934 = arith.cmpi eq, %add3A_46, %sub3A_894 : vector<16xi32>
          %select_n3A_935 = arith.select %eq3A_934, %get3A_906, %broadcast_in_dim3A_132 : vector<16xi1>, vector<16xf32>
          %add3A_936 = arith.addf %add3A_933, %select_n3A_935 : vector<16xf32>
          %sub3A_937 = arith.constant 24 : i32
          %sub3A_938 = vector.broadcast %sub3A_937 : i32 to vector<16xi32>
          %sub3A_939 = arith.subi %sub3A_894, %sub3A_938 : vector<16xi32>
          %eq3A_940 = arith.cmpi eq, %iota3A, %sub3A_939 : vector<16xi32>
          %select_n3A_941 = arith.select %eq3A_940, %select_n3A_915, %broadcast_in_dim3A_132 : vector<16xi1>, vector<16xf32>
          %add3A_942 = arith.addf %add3A_936, %select_n3A_941 : vector<16xf32>
          %add3A_943 = arith.addi %mul3A_43, %add3A_127 : i32
          %mul3A_944 = arith.constant 16 : i32
          %mul3A_945 = arith.muli %add3A_943, %mul3A_944 : i32
          %swap3A = arith.index_cast %mul3A_945 : i32 to index
          %swap3A_946 = tpu.vector_load %arg10[%swap3A] {strides = array<i32>} : memref<4096xf32, #tpu.memory_space<vmem>>, vector<16xf32>,
          %swap3A_947 = vector.shape_cast %swap3A_946 : vector<16xf32> to vector<16xf32>
          %swap3A_948 = vector.shape_cast %max3A_920 : vector<16xf32> to vector<16xf32>
          tpu.vector_store %arg10[%swap3A], %swap3A_948 {strides = array<i32>} : memref<4096xf32, #tpu.memory_space<vmem>>, vector<16xf32>,
          %swap3A_949 = arith.index_cast %mul3A_945 : i32 to index
          %swap3A_950 = tpu.vector_load %arg11[%swap3A_949] {strides = array<i32>} : memref<4096xf32, #tpu.memory_space<vmem>>, vector<16xf32>,
          %swap3A_951 = vector.shape_cast %swap3A_950 : vector<16xf32> to vector<16xf32>
          %swap3A_952 = vector.shape_cast %add3A_930 : vector<16xf32> to vector<16xf32>
          tpu.vector_store %arg11[%swap3A_949], %swap3A_952 {strides = array<i32>} : memref<4096xf32, #tpu.memory_space<vmem>>, vector<16xf32>,
          %swap3A_953 = arith.index_cast %mul3A_945 : i32 to index
          %swap3A_954 = tpu.vector_load %arg12[%swap3A_953] {strides = array<i32>} : memref<4096xf32, #tpu.memory_space<vmem>>, vector<16xf32>,
          %swap3A_955 = vector.shape_cast %swap3A_954 : vector<16xf32> to vector<16xf32>
          %swap3A_956 = vector.shape_cast %add3A_942 : vector<16xf32> to vector<16xf32>
          tpu.vector_store %arg12[%swap3A_953], %swap3A_956 {strides = array<i32>} : memref<4096xf32, #tpu.memory_space<vmem>>, vector<16xf32>,
          %add3A_957 = arith.constant 1 : i32
          %add3A_958 = vector.broadcast %add3A_957 : i32 to vector<16xi32>
          %add3A_959 = arith.addi %scan3A_124, %add3A_958 : vector<16xi32>
          scf.yield %add3A_959 : vector<16xi32>
        }
        %scan3A_121 = arith.constant 16 : i32
        %scan3A_122 = arith.constant 0 : i32
        scf.yield %scan3A_122 : i32
      }
      %scan3A_59 = arith.constant 2 : i32
      %add3A_60 = arith.constant 2 : i32
      %add3A_61 = arith.addi %mul3A_37, %add3A_60 : i32
      %min3A_62 = arith.constant 7 : i32
      %min3A_63 = arith.minsi %add3A_61, %min3A_62 : i32
      %mul3A_64 = arith.constant 32 : i32
      %mul3A_65 = arith.muli %min3A_63, %mul3A_64 : i32
      %add3A_66 = arith.addi %mul3A_2, %mul3A_65 : i32
      %dma_start3A_67 = arith.constant 0 : i32
      %dma_start3A_68 = tpu.memref_slice %arg2[%add3A_66, %dma_start3A_67] : memref<16384x1000xf32, #tpu.memory_space<hbm>> -> memref<32x1000xf32, #tpu.memory_space<hbm>>
      %dma_start3A_69 = arith.constant 0 : i32
      %dma_start3A_70 = tpu.memref_slice %arg2[%add3A_66, %dma_start3A_69] : memref<16384x1000xf32, #tpu.memory_space<hbm>> -> memref<32x1000xf32, #tpu.memory_space<hbm>>
      tpu.enqueue_dma source(%dma_start3A_70 : memref<32x1000xf32, #tpu.memory_space<hbm>>) target(%arg8 : memref<32x1000xf32, #tpu.memory_space<vmem>>) target_semaphore(%arg13 : memref<!tpu.dma_semaphore, #tpu.memory_space<semaphore_mem>>)
      %dma_wait3A_71 = arith.constant 0 : i32
      %dma_wait3A_72 = tpu.memref_slice %arg2[%mul3A_2, %dma_wait3A_71] : memref<16384x1000xf32, #tpu.memory_space<hbm>> -> memref<32x1000xf32, #tpu.memory_space<hbm>>
      %dma_wait3A_73 = arith.constant 0 : i32
      %dma_wait3A_74 = tpu.memref_slice %arg2[%mul3A_2, %dma_wait3A_73] : memref<16384x1000xf32, #tpu.memory_space<hbm>> -> memref<32x1000xf32, #tpu.memory_space<hbm>>
      tpu.wait_dma2 semaphore(%arg14 : memref<!tpu.dma_semaphore, #tpu.memory_space<semaphore_mem>>) src(%dma_wait3A_74 : memref<32x1000xf32, #tpu.memory_space<hbm>>) dst(%arg9 : memref<32x1000xf32, #tpu.memory_space<vmem>>)
      %add3A_75 = arith.constant 1 : i32
      %add3A_76 = arith.addi %mul3A_37, %add3A_75 : i32
      %mul3A_77 = arith.constant 32 : i32
      %mul3A_78 = arith.muli %add3A_76, %mul3A_77 : i32
      %iota3A_79 = tpu.iota {dimensions = array<i32: 0>} : vector<16xi32>
      %add3A_80 = arith.constant 16 : i32
      %add3A_81 = vector.broadcast %add3A_80 : i32 to vector<16xi32>
      %add3A_82 = arith.addi %iota3A_79, %add3A_81 : vector<16xi32>
      %add3A_83 = arith.constant 32 : i32
      %add3A_84 = vector.broadcast %add3A_83 : i32 to vector<16xi32>
      %add3A_85 = arith.addi %iota3A_79, %add3A_84 : vector<16xi32>
      %add3A_86 = arith.constant 48 : i32
      %add3A_87 = vector.broadcast %add3A_86 : i32 to vector<16xi32>
      %add3A_88 = arith.addi %iota3A_79, %add3A_87 : vector<16xi32>
      %scan3A_89 = arith.constant 0 : i32
      %scan3A_90 = arith.constant 0 : i32
      %scan3A_91 = arith.constant 2 : i32
      %scan3A_92 = arith.addi %scan3A_90, %scan3A_91 : i32
      %scan3A_93 = arith.constant 1 : i32
      %scan3A_94 = scf.for %scan3A_108 = %scan3A_90 to %scan3A_92 step %scan3A_93 iter_args(%scan3A_109 = %scan3A_89) -> (i32)  : i32 {
        %mul3A_110 = arith.constant 16 : i32
        %mul3A_111 = arith.muli %scan3A_108, %mul3A_110 : i32
        %add3A_112 = arith.addi %mul3A_78, %mul3A_111 : i32
        %get3A = arith.index_cast %add3A_112 : i32 to index
        %get3A_113 = tpu.vector_load %arg7[%get3A] {strides = array<i32>} : memref<256xi32, #tpu.memory_space<vmem>>, vector<16xi32>,
        %get3A_114 = vector.shape_cast %get3A_113 : vector<16xi32> to vector<16xi32>
        %convert_element_type3A = arith.sitofp %get3A_114 : vector<16xi32> to vector<16xf32>
        %broadcast_in_dim3A = arith.constant 0 : i32
        %broadcast_in_dim3A_115 = vector.broadcast %broadcast_in_dim3A : i32 to vector<16xi32>
        %scan3A_116 = arith.constant 0 : i32
        %scan3A_117 = arith.constant 16 : i32
        %scan3A_118 = arith.addi %scan3A_116, %scan3A_117 : i32
        %scan3A_119 = arith.constant 1 : i32
        %scan3A_120 = scf.for %scan3A_123 = %scan3A_116 to %scan3A_118 step %scan3A_119 iter_args(%scan3A_124 = %broadcast_in_dim3A_115) -> (vector<16xi32>)  : i32 {
          %mul3A_125 = arith.constant 16 : i32
          %mul3A_126 = arith.muli %scan3A_108, %mul3A_125 : i32
          %add3A_127 = arith.addi %mul3A_126, %scan3A_123 : i32
          %broadcast_in_dim3A_128 = vector.shape_cast %scan3A_124 : vector<16xi32> to vector<16x1xi32>
          %gather3A = vector.shape_cast %broadcast_in_dim3A_128 : vector<16x1xi32> to vector<16xi32>
          %gather3A_129 = tpu.dynamic_gather %convert_element_type3A[%gather3A] in [0] : vector<16xf32>, vector<16xi32> -> vector<16xf32>
          %convert_element_type3A_130 = arith.fptosi %gather3A_129 : vector<16xf32> to vector<16xi32>
          %broadcast_in_dim3A_131 = arith.constant 0.000000e+00 : f32
          %broadcast_in_dim3A_132 = vector.broadcast %broadcast_in_dim3A_131 : f32 to vector<16xf32>
          %broadcast_in_dim3A_133 = arith.constant 0xFF800000 : f32
          %broadcast_in_dim3A_134 = vector.broadcast %broadcast_in_dim3A_133 : f32 to vector<16xf32>
          %get3A_135 = arith.constant 0 : i32
          %get3A_136 = tpu.memref_slice %arg9[%add3A_127, %get3A_135] : memref<32x1000xf32, #tpu.memory_space<vmem>> -> memref<1x1000xf32, #tpu.memory_space<vmem>>
          %get3A_137 = tpu.memref_squeeze %get3A_136 : memref<1x1000xf32, #tpu.memory_space<vmem>> -> memref<1000xf32, #tpu.memory_space<vmem>>
          %get3A_138 = arith.constant 0 : index
          %get3A_139 = tpu.vector_load %get3A_137[%get3A_138] {strides = array<i32>} : memref<1000xf32, #tpu.memory_space<vmem>>, vector<16xf32>,
          %get3A_140 = vector.shape_cast %get3A_139 : vector<16xf32> to vector<16xf32>
          %get3A_141 = arith.constant 0 : i32
          %get3A_142 = tpu.memref_slice %arg9[%add3A_127, %get3A_141] : memref<32x1000xf32, #tpu.memory_space<vmem>> -> memref<1x1000xf32, #tpu.memory_space<vmem>>
          %get3A_143 = tpu.memref_squeeze %get3A_142 : memref<1x1000xf32, #tpu.memory_space<vmem>> -> memref<1000xf32, #tpu.memory_space<vmem>>
          %get3A_144 = arith.constant 16 : index
          %get3A_145 = tpu.vector_load %get3A_143[%get3A_144] {strides = array<i32>} : memref<1000xf32, #tpu.memory_space<vmem>>, vector<16xf32>,
          %get3A_146 = vector.shape_cast %get3A_145 : vector<16xf32> to vector<16xf32>
          %get3A_147 = arith.constant 0 : i32
          %get3A_148 = tpu.memref_slice %arg9[%add3A_127, %get3A_147] : memref<32x1000xf32, #tpu.memory_space<vmem>> -> memref<1x1000xf32, #tpu.memory_space<vmem>>
          %get3A_149 = tpu.memref_squeeze %get3A_148 : memref<1x1000xf32, #tpu.memory_space<vmem>> -> memref<1000xf32, #tpu.memory_space<vmem>>
          %get3A_150 = arith.constant 32 : index
          %get3A_151 = tpu.vector_load %get3A_149[%get3A_150] {strides = array<i32>} : memref<1000xf32, #tpu.memory_space<vmem>>, vector<16xf32>,
          %get3A_152 = vector.shape_cast %get3A_151 : vector<16xf32> to vector<16xf32>
          %get3A_153 = arith.constant 0 : i32
          %get3A_154 = tpu.memref_slice %arg9[%add3A_127, %get3A_153] : memref<32x1000xf32, #tpu.memory_space<vmem>> -> memref<1x1000xf32, #tpu.memory_space<vmem>>
          %get3A_155 = tpu.memref_squeeze %get3A_154 : memref<1x1000xf32, #tpu.memory_space<vmem>> -> memref<1000xf32, #tpu.memory_space<vmem>>
          %get3A_156 = arith.constant 48 : index
          %get3A_157 = tpu.vector_load %get3A_155[%get3A_156] {strides = array<i32>} : memref<1000xf32, #tpu.memory_space<vmem>>, vector<16xf32>,
          %get3A_158 = vector.shape_cast %get3A_157 : vector<16xf32> to vector<16xf32>
          %max3A = arith.maximumf %get3A_140, %get3A_146 : vector<16xf32>
          %max3A_159 = arith.maximumf %broadcast_in_dim3A_134, %max3A : vector<16xf32>
          %max3A_160 = arith.maximumf %get3A_152, %get3A_158 : vector<16xf32>
          %max3A_161 = arith.maximumf %broadcast_in_dim3A_134, %max3A_160 : vector<16xf32>
          %exp3A = math.exp %get3A_140 : vector<16xf32>
          %add3A_162 = arith.addf %broadcast_in_dim3A_132, %exp3A : vector<16xf32>
          %exp3A_163 = math.exp %get3A_146 : vector<16xf32>
          %add3A_164 = arith.addf %broadcast_in_dim3A_132, %exp3A_163 : vector<16xf32>
          %exp3A_165 = math.exp %get3A_152 : vector<16xf32>
          %add3A_166 = arith.addf %broadcast_in_dim3A_132, %exp3A_165 : vector<16xf32>
          %exp3A_167 = math.exp %get3A_158 : vector<16xf32>
          %add3A_168 = arith.addf %broadcast_in_dim3A_132, %exp3A_167 : vector<16xf32>
          %eq3A = arith.cmpi eq, %iota3A_79, %convert_element_type3A_130 : vector<16xi32>
          %select_n3A = arith.select %eq3A, %get3A_140, %broadcast_in_dim3A_132 : vector<16xi1>, vector<16xf32>
          %add3A_169 = arith.addf %broadcast_in_dim3A_132, %select_n3A : vector<16xf32>
          %eq3A_170 = arith.cmpi eq, %add3A_82, %convert_element_type3A_130 : vector<16xi32>
          %select_n3A_171 = arith.select %eq3A_170, %get3A_146, %broadcast_in_dim3A_132 : vector<16xi1>, vector<16xf32>
          %add3A_172 = arith.addf %add3A_169, %select_n3A_171 : vector<16xf32>
          %eq3A_173 = arith.cmpi eq, %add3A_85, %convert_element_type3A_130 : vector<16xi32>
          %select_n3A_174 = arith.select %eq3A_173, %get3A_152, %broadcast_in_dim3A_132 : vector<16xi1>, vector<16xf32>
          %add3A_175 = arith.addf %add3A_172, %select_n3A_174 : vector<16xf32>
          %eq3A_176 = arith.cmpi eq, %add3A_88, %convert_element_type3A_130 : vector<16xi32>
          %select_n3A_177 = arith.select %eq3A_176, %get3A_158, %broadcast_in_dim3A_132 : vector<16xi1>, vector<16xf32>
          %add3A_178 = arith.addf %add3A_175, %select_n3A_177 : vector<16xf32>
          %sub3A = arith.constant 64 : i32
          %sub3A_179 = vector.broadcast %sub3A : i32 to vector<16xi32>
          %sub3A_180 = arith.subi %convert_element_type3A_130, %sub3A_179 : vector<16xi32>
          %get3A_181 = arith.constant 0 : i32
          %get3A_182 = tpu.memref_slice %arg9[%add3A_127, %get3A_181] : memref<32x1000xf32, #tpu.memory_space<vmem>> -> memref<1x1000xf32, #tpu.memory_space<vmem>>
          %get3A_183 = tpu.memref_squeeze %get3A_182 : memref<1x1000xf32, #tpu.memory_space<vmem>> -> memref<1000xf32, #tpu.memory_space<vmem>>
          %get3A_184 = arith.constant 64 : index
          %get3A_185 = tpu.vector_load %get3A_183[%get3A_184] {strides = array<i32>} : memref<1000xf32, #tpu.memory_space<vmem>>, vector<16xf32>,
          %get3A_186 = vector.shape_cast %get3A_185 : vector<16xf32> to vector<16xf32>
          %get3A_187 = arith.constant 0 : i32
          %get3A_188 = tpu.memref_slice %arg9[%add3A_127, %get3A_187] : memref<32x1000xf32, #tpu.memory_space<vmem>> -> memref<1x1000xf32, #tpu.memory_space<vmem>>
          %get3A_189 = tpu.memref_squeeze %get3A_188 : memref<1x1000xf32, #tpu.memory_space<vmem>> -> memref<1000xf32, #tpu.memory_space<vmem>>
          %get3A_190 = arith.constant 80 : index
          %get3A_191 = tpu.vector_load %get3A_189[%get3A_190] {strides = array<i32>} : memref<1000xf32, #tpu.memory_space<vmem>>, vector<16xf32>,
          %get3A_192 = vector.shape_cast %get3A_191 : vector<16xf32> to vector<16xf32>
          %get3A_193 = arith.constant 0 : i32
          %get3A_194 = tpu.memref_slice %arg9[%add3A_127, %get3A_193] : memref<32x1000xf32, #tpu.memory_space<vmem>> -> memref<1x1000xf32, #tpu.memory_space<vmem>>
          %get3A_195 = tpu.memref_squeeze %get3A_194 : memref<1x1000xf32, #tpu.memory_space<vmem>> -> memref<1000xf32, #tpu.memory_space<vmem>>
          %get3A_196 = arith.constant 96 : index
          %get3A_197 = tpu.vector_load %get3A_195[%get3A_196] {strides = array<i32>} : memref<1000xf32, #tpu.memory_space<vmem>>, vector<16xf32>,
          %get3A_198 = vector.shape_cast %get3A_197 : vector<16xf32> to vector<16xf32>
          %get3A_199 = arith.constant 0 : i32
          %get3A_200 = tpu.memref_slice %arg9[%add3A_127, %get3A_199] : memref<32x1000xf32, #tpu.memory_space<vmem>> -> memref<1x1000xf32, #tpu.memory_space<vmem>>
          %get3A_201 = tpu.memref_squeeze %get3A_200 : memref<1x1000xf32, #tpu.memory_space<vmem>> -> memref<1000xf32, #tpu.memory_space<vmem>>
          %get3A_202 = arith.constant 112 : index
          %get3A_203 = tpu.vector_load %get3A_201[%get3A_202] {strides = array<i32>} : memref<1000xf32, #tpu.memory_space<vmem>>, vector<16xf32>,
          %get3A_204 = vector.shape_cast %get3A_203 : vector<16xf32> to vector<16xf32>
          %max3A_205 = arith.maximumf %get3A_186, %get3A_192 : vector<16xf32>
          %max3A_206 = arith.maximumf %max3A_159, %max3A_205 : vector<16xf32>
          %max3A_207 = arith.maximumf %get3A_198, %get3A_204 : vector<16xf32>
          %max3A_208 = arith.maximumf %max3A_161, %max3A_207 : vector<16xf32>
          %exp3A_209 = math.exp %get3A_186 : vector<16xf32>
          %add3A_210 = arith.addf %add3A_162, %exp3A_209 : vector<16xf32>
          %exp3A_211 = math.exp %get3A_192 : vector<16xf32>
          %add3A_212 = arith.addf %add3A_164, %exp3A_211 : vector<16xf32>
          %exp3A_213 = math.exp %get3A_198 : vector<16xf32>
          %add3A_214 = arith.addf %add3A_166, %exp3A_213 : vector<16xf32>
          %exp3A_215 = math.exp %get3A_204 : vector<16xf32>
          %add3A_216 = arith.addf %add3A_168, %exp3A_215 : vector<16xf32>
          %eq3A_217 = arith.cmpi eq, %iota3A_79, %sub3A_180 : vector<16xi32>
          %select_n3A_218 = arith.select %eq3A_217, %get3A_186, %broadcast_in_dim3A_132 : vector<16xi1>, vector<16xf32>
          %add3A_219 = arith.addf %add3A_178, %select_n3A_218 : vector<16xf32>
          %eq3A_220 = arith.cmpi eq, %add3A_82, %sub3A_180 : vector<16xi32>
          %select_n3A_221 = arith.select %eq3A_220, %get3A_192, %broadcast_in_dim3A_132 : vector<16xi1>, vector<16xf32>
          %add3A_222 = arith.addf %add3A_219, %select_n3A_221 : vector<16xf32>
          %eq3A_223 = arith.cmpi eq, %add3A_85, %sub3A_180 : vector<16xi32>
          %select_n3A_224 = arith.select %eq3A_223, %get3A_198, %broadcast_in_dim3A_132 : vector<16xi1>, vector<16xf32>
          %add3A_225 = arith.addf %add3A_222, %select_n3A_224 : vector<16xf32>
          %eq3A_226 = arith.cmpi eq, %add3A_88, %sub3A_180 : vector<16xi32>
          %select_n3A_227 = arith.select %eq3A_226, %get3A_204, %broadcast_in_dim3A_132 : vector<16xi1>, vector<16xf32>
          %add3A_228 = arith.addf %add3A_225, %select_n3A_227 : vector<16xf32>
          %sub3A_229 = arith.constant 64 : i32
          %sub3A_230 = vector.broadcast %sub3A_229 : i32 to vector<16xi32>
          %sub3A_231 = arith.subi %sub3A_180, %sub3A_230 : vector<16xi32>
          %get3A_232 = arith.constant 0 : i32
          %get3A_233 = tpu.memref_slice %arg9[%add3A_127, %get3A_232] : memref<32x1000xf32, #tpu.memory_space<vmem>> -> memref<1x1000xf32, #tpu.memory_space<vmem>>
          %get3A_234 = tpu.memref_squeeze %get3A_233 : memref<1x1000xf32, #tpu.memory_space<vmem>> -> memref<1000xf32, #tpu.memory_space<vmem>>
          %get3A_235 = arith.constant 128 : index
          %get3A_236 = tpu.vector_load %get3A_234[%get3A_235] {strides = array<i32>} : memref<1000xf32, #tpu.memory_space<vmem>>, vector<16xf32>,
          %get3A_237 = vector.shape_cast %get3A_236 : vector<16xf32> to vector<16xf32>
          %get3A_238 = arith.constant 0 : i32
          %get3A_239 = tpu.memref_slice %arg9[%add3A_127, %get3A_238] : memref<32x1000xf32, #tpu.memory_space<vmem>> -> memref<1x1000xf32, #tpu.memory_space<vmem>>
          %get3A_240 = tpu.memref_squeeze %get3A_239 : memref<1x1000xf32, #tpu.memory_space<vmem>> -> memref<1000xf32, #tpu.memory_space<vmem>>
          %get3A_241 = arith.constant 144 : index
          %get3A_242 = tpu.vector_load %get3A_240[%get3A_241] {strides = array<i32>} : memref<1000xf32, #tpu.memory_space<vmem>>, vector<16xf32>,
          %get3A_243 = vector.shape_cast %get3A_242 : vector<16xf32> to vector<16xf32>
          %get3A_244 = arith.constant 0 : i32
          %get3A_245 = tpu.memref_slice %arg9[%add3A_127, %get3A_244] : memref<32x1000xf32, #tpu.memory_space<vmem>> -> memref<1x1000xf32, #tpu.memory_space<vmem>>
          %get3A_246 = tpu.memref_squeeze %get3A_245 : memref<1x1000xf32, #tpu.memory_space<vmem>> -> memref<1000xf32, #tpu.memory_space<vmem>>
          %get3A_247 = arith.constant 160 : index
          %get3A_248 = tpu.vector_load %get3A_246[%get3A_247] {strides = array<i32>} : memref<1000xf32, #tpu.memory_space<vmem>>, vector<16xf32>,
          %get3A_249 = vector.shape_cast %get3A_248 : vector<16xf32> to vector<16xf32>
          %get3A_250 = arith.constant 0 : i32
          %get3A_251 = tpu.memref_slice %arg9[%add3A_127, %get3A_250] : memref<32x1000xf32, #tpu.memory_space<vmem>> -> memref<1x1000xf32, #tpu.memory_space<vmem>>
          %get3A_252 = tpu.memref_squeeze %get3A_251 : memref<1x1000xf32, #tpu.memory_space<vmem>> -> memref<1000xf32, #tpu.memory_space<vmem>>
          %get3A_253 = arith.constant 176 : index
          %get3A_254 = tpu.vector_load %get3A_252[%get3A_253] {strides = array<i32>} : memref<1000xf32, #tpu.memory_space<vmem>>, vector<16xf32>,
          %get3A_255 = vector.shape_cast %get3A_254 : vector<16xf32> to vector<16xf32>
          %max3A_256 = arith.maximumf %get3A_237, %get3A_243 : vector<16xf32>
          %max3A_257 = arith.maximumf %max3A_206, %max3A_256 : vector<16xf32>
          %max3A_258 = arith.maximumf %get3A_249, %get3A_255 : vector<16xf32>
          %max3A_259 = arith.maximumf %max3A_208, %max3A_258 : vector<16xf32>
          %exp3A_260 = math.exp %get3A_237 : vector<16xf32>
          %add3A_261 = arith.addf %add3A_210, %exp3A_260 : vector<16xf32>
          %exp3A_262 = math.exp %get3A_243 : vector<16xf32>
          %add3A_263 = arith.addf %add3A_212, %exp3A_262 : vector<16xf32>
          %exp3A_264 = math.exp %get3A_249 : vector<16xf32>
          %add3A_265 = arith.addf %add3A_214, %exp3A_264 : vector<16xf32>
          %exp3A_266 = math.exp %get3A_255 : vector<16xf32>
          %add3A_267 = arith.addf %add3A_216, %exp3A_266 : vector<16xf32>
          %eq3A_268 = arith.cmpi eq, %iota3A_79, %sub3A_231 : vector<16xi32>
          %select_n3A_269 = arith.select %eq3A_268, %get3A_237, %broadcast_in_dim3A_132 : vector<16xi1>, vector<16xf32>
          %add3A_270 = arith.addf %add3A_228, %select_n3A_269 : vector<16xf32>
          %eq3A_271 = arith.cmpi eq, %add3A_82, %sub3A_231 : vector<16xi32>
          %select_n3A_272 = arith.select %eq3A_271, %get3A_243, %broadcast_in_dim3A_132 : vector<16xi1>, vector<16xf32>
          %add3A_273 = arith.addf %add3A_270, %select_n3A_272 : vector<16xf32>
          %eq3A_274 = arith.cmpi eq, %add3A_85, %sub3A_231 : vector<16xi32>
          %select_n3A_275 = arith.select %eq3A_274, %get3A_249, %broadcast_in_dim3A_132 : vector<16xi1>, vector<16xf32>
          %add3A_276 = arith.addf %add3A_273, %select_n3A_275 : vector<16xf32>
          %eq3A_277 = arith.cmpi eq, %add3A_88, %sub3A_231 : vector<16xi32>
          %select_n3A_278 = arith.select %eq3A_277, %get3A_255, %broadcast_in_dim3A_132 : vector<16xi1>, vector<16xf32>
          %add3A_279 = arith.addf %add3A_276, %select_n3A_278 : vector<16xf32>
          %sub3A_280 = arith.constant 64 : i32
          %sub3A_281 = vector.broadcast %sub3A_280 : i32 to vector<16xi32>
          %sub3A_282 = arith.subi %sub3A_231, %sub3A_281 : vector<16xi32>
          %get3A_283 = arith.constant 0 : i32
          %get3A_284 = tpu.memref_slice %arg9[%add3A_127, %get3A_283] : memref<32x1000xf32, #tpu.memory_space<vmem>> -> memref<1x1000xf32, #tpu.memory_space<vmem>>
          %get3A_285 = tpu.memref_squeeze %get3A_284 : memref<1x1000xf32, #tpu.memory_space<vmem>> -> memref<1000xf32, #tpu.memory_space<vmem>>
          %get3A_286 = arith.constant 192 : index
          %get3A_287 = tpu.vector_load %get3A_285[%get3A_286] {strides = array<i32>} : memref<1000xf32, #tpu.memory_space<vmem>>, vector<16xf32>,
          %get3A_288 = vector.shape_cast %get3A_287 : vector<16xf32> to vector<16xf32>
          %get3A_289 = arith.constant 0 : i32
          %get3A_290 = tpu.memref_slice %arg9[%add3A_127, %get3A_289] : memref<32x1000xf32, #tpu.memory_space<vmem>> -> memref<1x1000xf32, #tpu.memory_space<vmem>>
          %get3A_291 = tpu.memref_squeeze %get3A_290 : memref<1x1000xf32, #tpu.memory_space<vmem>> -> memref<1000xf32, #tpu.memory_space<vmem>>
          %get3A_292 = arith.constant 208 : index
          %get3A_293 = tpu.vector_load %get3A_291[%get3A_292] {strides = array<i32>} : memref<1000xf32, #tpu.memory_space<vmem>>, vector<16xf32>,
          %get3A_294 = vector.shape_cast %get3A_293 : vector<16xf32> to vector<16xf32>
          %get3A_295 = arith.constant 0 : i32
          %get3A_296 = tpu.memref_slice %arg9[%add3A_127, %get3A_295] : memref<32x1000xf32, #tpu.memory_space<vmem>> -> memref<1x1000xf32, #tpu.memory_space<vmem>>
          %get3A_297 = tpu.memref_squeeze %get3A_296 : memref<1x1000xf32, #tpu.memory_space<vmem>> -> memref<1000xf32, #tpu.memory_space<vmem>>
          %get3A_298 = arith.constant 224 : index
          %get3A_299 = tpu.vector_load %get3A_297[%get3A_298] {strides = array<i32>} : memref<1000xf32, #tpu.memory_space<vmem>>, vector<16xf32>,
          %get3A_300 = vector.shape_cast %get3A_299 : vector<16xf32> to vector<16xf32>
          %get3A_301 = arith.constant 0 : i32
          %get3A_302 = tpu.memref_slice %arg9[%add3A_127, %get3A_301] : memref<32x1000xf32, #tpu.memory_space<vmem>> -> memref<1x1000xf32, #tpu.memory_space<vmem>>
          %get3A_303 = tpu.memref_squeeze %get3A_302 : memref<1x1000xf32, #tpu.memory_space<vmem>> -> memref<1000xf32, #tpu.memory_space<vmem>>
          %get3A_304 = arith.constant 240 : index
          %get3A_305 = tpu.vector_load %get3A_303[%get3A_304] {strides = array<i32>} : memref<1000xf32, #tpu.memory_space<vmem>>, vector<16xf32>,
          %get3A_306 = vector.shape_cast %get3A_305 : vector<16xf32> to vector<16xf32>
          %max3A_307 = arith.maximumf %get3A_288, %get3A_294 : vector<16xf32>
          %max3A_308 = arith.maximumf %max3A_257, %max3A_307 : vector<16xf32>
          %max3A_309 = arith.maximumf %get3A_300, %get3A_306 : vector<16xf32>
          %max3A_310 = arith.maximumf %max3A_259, %max3A_309 : vector<16xf32>
          %exp3A_311 = math.exp %get3A_288 : vector<16xf32>
          %add3A_312 = arith.addf %add3A_261, %exp3A_311 : vector<16xf32>
          %exp3A_313 = math.exp %get3A_294 : vector<16xf32>
          %add3A_314 = arith.addf %add3A_263, %exp3A_313 : vector<16xf32>
          %exp3A_315 = math.exp %get3A_300 : vector<16xf32>
          %add3A_316 = arith.addf %add3A_265, %exp3A_315 : vector<16xf32>
          %exp3A_317 = math.exp %get3A_306 : vector<16xf32>
          %add3A_318 = arith.addf %add3A_267, %exp3A_317 : vector<16xf32>
          %eq3A_319 = arith.cmpi eq, %iota3A_79, %sub3A_282 : vector<16xi32>
          %select_n3A_320 = arith.select %eq3A_319, %get3A_288, %broadcast_in_dim3A_132 : vector<16xi1>, vector<16xf32>
          %add3A_321 = arith.addf %add3A_279, %select_n3A_320 : vector<16xf32>
          %eq3A_322 = arith.cmpi eq, %add3A_82, %sub3A_282 : vector<16xi32>
          %select_n3A_323 = arith.select %eq3A_322, %get3A_294, %broadcast_in_dim3A_132 : vector<16xi1>, vector<16xf32>
          %add3A_324 = arith.addf %add3A_321, %select_n3A_323 : vector<16xf32>
          %eq3A_325 = arith.cmpi eq, %add3A_85, %sub3A_282 : vector<16xi32>
          %select_n3A_326 = arith.select %eq3A_325, %get3A_300, %broadcast_in_dim3A_132 : vector<16xi1>, vector<16xf32>
          %add3A_327 = arith.addf %add3A_324, %select_n3A_326 : vector<16xf32>
          %eq3A_328 = arith.cmpi eq, %add3A_88, %sub3A_282 : vector<16xi32>
          %select_n3A_329 = arith.select %eq3A_328, %get3A_306, %broadcast_in_dim3A_132 : vector<16xi1>, vector<16xf32>
          %add3A_330 = arith.addf %add3A_327, %select_n3A_329 : vector<16xf32>
          %sub3A_331 = arith.constant 64 : i32
          %sub3A_332 = vector.broadcast %sub3A_331 : i32 to vector<16xi32>
          %sub3A_333 = arith.subi %sub3A_282, %sub3A_332 : vector<16xi32>
          %get3A_334 = arith.constant 0 : i32
          %get3A_335 = tpu.memref_slice %arg9[%add3A_127, %get3A_334] : memref<32x1000xf32, #tpu.memory_space<vmem>> -> memref<1x1000xf32, #tpu.memory_space<vmem>>
          %get3A_336 = tpu.memref_squeeze %get3A_335 : memref<1x1000xf32, #tpu.memory_space<vmem>> -> memref<1000xf32, #tpu.memory_space<vmem>>
          %get3A_337 = arith.constant 256 : index
          %get3A_338 = tpu.vector_load %get3A_336[%get3A_337] {strides = array<i32>} : memref<1000xf32, #tpu.memory_space<vmem>>, vector<16xf32>,
          %get3A_339 = vector.shape_cast %get3A_338 : vector<16xf32> to vector<16xf32>
          %get3A_340 = arith.constant 0 : i32
          %get3A_341 = tpu.memref_slice %arg9[%add3A_127, %get3A_340] : memref<32x1000xf32, #tpu.memory_space<vmem>> -> memref<1x1000xf32, #tpu.memory_space<vmem>>
          %get3A_342 = tpu.memref_squeeze %get3A_341 : memref<1x1000xf32, #tpu.memory_space<vmem>> -> memref<1000xf32, #tpu.memory_space<vmem>>
          %get3A_343 = arith.constant 272 : index
          %get3A_344 = tpu.vector_load %get3A_342[%get3A_343] {strides = array<i32>} : memref<1000xf32, #tpu.memory_space<vmem>>, vector<16xf32>,
          %get3A_345 = vector.shape_cast %get3A_344 : vector<16xf32> to vector<16xf32>
          %get3A_346 = arith.constant 0 : i32
          %get3A_347 = tpu.memref_slice %arg9[%add3A_127, %get3A_346] : memref<32x1000xf32, #tpu.memory_space<vmem>> -> memref<1x1000xf32, #tpu.memory_space<vmem>>
          %get3A_348 = tpu.memref_squeeze %get3A_347 : memref<1x1000xf32, #tpu.memory_space<vmem>> -> memref<1000xf32, #tpu.memory_space<vmem>>
          %get3A_349 = arith.constant 288 : index
          %get3A_350 = tpu.vector_load %get3A_348[%get3A_349] {strides = array<i32>} : memref<1000xf32, #tpu.memory_space<vmem>>, vector<16xf32>,
          %get3A_351 = vector.shape_cast %get3A_350 : vector<16xf32> to vector<16xf32>
          %get3A_352 = arith.constant 0 : i32
          %get3A_353 = tpu.memref_slice %arg9[%add3A_127, %get3A_352] : memref<32x1000xf32, #tpu.memory_space<vmem>> -> memref<1x1000xf32, #tpu.memory_space<vmem>>
          %get3A_354 = tpu.memref_squeeze %get3A_353 : memref<1x1000xf32, #tpu.memory_space<vmem>> -> memref<1000xf32, #tpu.memory_space<vmem>>
          %get3A_355 = arith.constant 304 : index
          %get3A_356 = tpu.vector_load %get3A_354[%get3A_355] {strides = array<i32>} : memref<1000xf32, #tpu.memory_space<vmem>>, vector<16xf32>,
          %get3A_357 = vector.shape_cast %get3A_356 : vector<16xf32> to vector<16xf32>
          %max3A_358 = arith.maximumf %get3A_339, %get3A_345 : vector<16xf32>
          %max3A_359 = arith.maximumf %max3A_308, %max3A_358 : vector<16xf32>
          %max3A_360 = arith.maximumf %get3A_351, %get3A_357 : vector<16xf32>
          %max3A_361 = arith.maximumf %max3A_310, %max3A_360 : vector<16xf32>
          %exp3A_362 = math.exp %get3A_339 : vector<16xf32>
          %add3A_363 = arith.addf %add3A_312, %exp3A_362 : vector<16xf32>
          %exp3A_364 = math.exp %get3A_345 : vector<16xf32>
          %add3A_365 = arith.addf %add3A_314, %exp3A_364 : vector<16xf32>
          %exp3A_366 = math.exp %get3A_351 : vector<16xf32>
          %add3A_367 = arith.addf %add3A_316, %exp3A_366 : vector<16xf32>
          %exp3A_368 = math.exp %get3A_357 : vector<16xf32>
          %add3A_369 = arith.addf %add3A_318, %exp3A_368 : vector<16xf32>
          %eq3A_370 = arith.cmpi eq, %iota3A_79, %sub3A_333 : vector<16xi32>
          %select_n3A_371 = arith.select %eq3A_370, %get3A_339, %broadcast_in_dim3A_132 : vector<16xi1>, vector<16xf32>
          %add3A_372 = arith.addf %add3A_330, %select_n3A_371 : vector<16xf32>
          %eq3A_373 = arith.cmpi eq, %add3A_82, %sub3A_333 : vector<16xi32>
          %select_n3A_374 = arith.select %eq3A_373, %get3A_345, %broadcast_in_dim3A_132 : vector<16xi1>, vector<16xf32>
          %add3A_375 = arith.addf %add3A_372, %select_n3A_374 : vector<16xf32>
          %eq3A_376 = arith.cmpi eq, %add3A_85, %sub3A_333 : vector<16xi32>
          %select_n3A_377 = arith.select %eq3A_376, %get3A_351, %broadcast_in_dim3A_132 : vector<16xi1>, vector<16xf32>
          %add3A_378 = arith.addf %add3A_375, %select_n3A_377 : vector<16xf32>
          %eq3A_379 = arith.cmpi eq, %add3A_88, %sub3A_333 : vector<16xi32>
          %select_n3A_380 = arith.select %eq3A_379, %get3A_357, %broadcast_in_dim3A_132 : vector<16xi1>, vector<16xf32>
          %add3A_381 = arith.addf %add3A_378, %select_n3A_380 : vector<16xf32>
          %sub3A_382 = arith.constant 64 : i32
          %sub3A_383 = vector.broadcast %sub3A_382 : i32 to vector<16xi32>
          %sub3A_384 = arith.subi %sub3A_333, %sub3A_383 : vector<16xi32>
          %get3A_385 = arith.constant 0 : i32
          %get3A_386 = tpu.memref_slice %arg9[%add3A_127, %get3A_385] : memref<32x1000xf32, #tpu.memory_space<vmem>> -> memref<1x1000xf32, #tpu.memory_space<vmem>>
          %get3A_387 = tpu.memref_squeeze %get3A_386 : memref<1x1000xf32, #tpu.memory_space<vmem>> -> memref<1000xf32, #tpu.memory_space<vmem>>
          %get3A_388 = arith.constant 320 : index
          %get3A_389 = tpu.vector_load %get3A_387[%get3A_388] {strides = array<i32>} : memref<1000xf32, #tpu.memory_space<vmem>>, vector<16xf32>,
          %get3A_390 = vector.shape_cast %get3A_389 : vector<16xf32> to vector<16xf32>
          %get3A_391 = arith.constant 0 : i32
          %get3A_392 = tpu.memref_slice %arg9[%add3A_127, %get3A_391] : memref<32x1000xf32, #tpu.memory_space<vmem>> -> memref<1x1000xf32, #tpu.memory_space<vmem>>
          %get3A_393 = tpu.memref_squeeze %get3A_392 : memref<1x1000xf32, #tpu.memory_space<vmem>> -> memref<1000xf32, #tpu.memory_space<vmem>>
          %get3A_394 = arith.constant 336 : index
          %get3A_395 = tpu.vector_load %get3A_393[%get3A_394] {strides = array<i32>} : memref<1000xf32, #tpu.memory_space<vmem>>, vector<16xf32>,
          %get3A_396 = vector.shape_cast %get3A_395 : vector<16xf32> to vector<16xf32>
          %get3A_397 = arith.constant 0 : i32
          %get3A_398 = tpu.memref_slice %arg9[%add3A_127, %get3A_397] : memref<32x1000xf32, #tpu.memory_space<vmem>> -> memref<1x1000xf32, #tpu.memory_space<vmem>>
          %get3A_399 = tpu.memref_squeeze %get3A_398 : memref<1x1000xf32, #tpu.memory_space<vmem>> -> memref<1000xf32, #tpu.memory_space<vmem>>
          %get3A_400 = arith.constant 352 : index
          %get3A_401 = tpu.vector_load %get3A_399[%get3A_400] {strides = array<i32>} : memref<1000xf32, #tpu.memory_space<vmem>>, vector<16xf32>,
          %get3A_402 = vector.shape_cast %get3A_401 : vector<16xf32> to vector<16xf32>
          %get3A_403 = arith.constant 0 : i32
          %get3A_404 = tpu.memref_slice %arg9[%add3A_127, %get3A_403] : memref<32x1000xf32, #tpu.memory_space<vmem>> -> memref<1x1000xf32, #tpu.memory_space<vmem>>
          %get3A_405 = tpu.memref_squeeze %get3A_404 : memref<1x1000xf32, #tpu.memory_space<vmem>> -> memref<1000xf32, #tpu.memory_space<vmem>>
          %get3A_406 = arith.constant 368 : index
          %get3A_407 = tpu.vector_load %get3A_405[%get3A_406] {strides = array<i32>} : memref<1000xf32, #tpu.memory_space<vmem>>, vector<16xf32>,
          %get3A_408 = vector.shape_cast %get3A_407 : vector<16xf32> to vector<16xf32>
          %max3A_409 = arith.maximumf %get3A_390, %get3A_396 : vector<16xf32>
          %max3A_410 = arith.maximumf %max3A_359, %max3A_409 : vector<16xf32>
          %max3A_411 = arith.maximumf %get3A_402, %get3A_408 : vector<16xf32>
          %max3A_412 = arith.maximumf %max3A_361, %max3A_411 : vector<16xf32>
          %exp3A_413 = math.exp %get3A_390 : vector<16xf32>
          %add3A_414 = arith.addf %add3A_363, %exp3A_413 : vector<16xf32>
          %exp3A_415 = math.exp %get3A_396 : vector<16xf32>
          %add3A_416 = arith.addf %add3A_365, %exp3A_415 : vector<16xf32>
          %exp3A_417 = math.exp %get3A_402 : vector<16xf32>
          %add3A_418 = arith.addf %add3A_367, %exp3A_417 : vector<16xf32>
          %exp3A_419 = math.exp %get3A_408 : vector<16xf32>
          %add3A_420 = arith.addf %add3A_369, %exp3A_419 : vector<16xf32>
          %eq3A_421 = arith.cmpi eq, %iota3A_79, %sub3A_384 : vector<16xi32>
          %select_n3A_422 = arith.select %eq3A_421, %get3A_390, %broadcast_in_dim3A_132 : vector<16xi1>, vector<16xf32>
          %add3A_423 = arith.addf %add3A_381, %select_n3A_422 : vector<16xf32>
          %eq3A_424 = arith.cmpi eq, %add3A_82, %sub3A_384 : vector<16xi32>
          %select_n3A_425 = arith.select %eq3A_424, %get3A_396, %broadcast_in_dim3A_132 : vector<16xi1>, vector<16xf32>
          %add3A_426 = arith.addf %add3A_423, %select_n3A_425 : vector<16xf32>
          %eq3A_427 = arith.cmpi eq, %add3A_85, %sub3A_384 : vector<16xi32>
          %select_n3A_428 = arith.select %eq3A_427, %get3A_402, %broadcast_in_dim3A_132 : vector<16xi1>, vector<16xf32>
          %add3A_429 = arith.addf %add3A_426, %select_n3A_428 : vector<16xf32>
          %eq3A_430 = arith.cmpi eq, %add3A_88, %sub3A_384 : vector<16xi32>
          %select_n3A_431 = arith.select %eq3A_430, %get3A_408, %broadcast_in_dim3A_132 : vector<16xi1>, vector<16xf32>
          %add3A_432 = arith.addf %add3A_429, %select_n3A_431 : vector<16xf32>
          %sub3A_433 = arith.constant 64 : i32
          %sub3A_434 = vector.broadcast %sub3A_433 : i32 to vector<16xi32>
          %sub3A_435 = arith.subi %sub3A_384, %sub3A_434 : vector<16xi32>
          %get3A_436 = arith.constant 0 : i32
          %get3A_437 = tpu.memref_slice %arg9[%add3A_127, %get3A_436] : memref<32x1000xf32, #tpu.memory_space<vmem>> -> memref<1x1000xf32, #tpu.memory_space<vmem>>
          %get3A_438 = tpu.memref_squeeze %get3A_437 : memref<1x1000xf32, #tpu.memory_space<vmem>> -> memref<1000xf32, #tpu.memory_space<vmem>>
          %get3A_439 = arith.constant 384 : index
          %get3A_440 = tpu.vector_load %get3A_438[%get3A_439] {strides = array<i32>} : memref<1000xf32, #tpu.memory_space<vmem>>, vector<16xf32>,
          %get3A_441 = vector.shape_cast %get3A_440 : vector<16xf32> to vector<16xf32>
          %get3A_442 = arith.constant 0 : i32
          %get3A_443 = tpu.memref_slice %arg9[%add3A_127, %get3A_442] : memref<32x1000xf32, #tpu.memory_space<vmem>> -> memref<1x1000xf32, #tpu.memory_space<vmem>>
          %get3A_444 = tpu.memref_squeeze %get3A_443 : memref<1x1000xf32, #tpu.memory_space<vmem>> -> memref<1000xf32, #tpu.memory_space<vmem>>
          %get3A_445 = arith.constant 400 : index
          %get3A_446 = tpu.vector_load %get3A_444[%get3A_445] {strides = array<i32>} : memref<1000xf32, #tpu.memory_space<vmem>>, vector<16xf32>,
          %get3A_447 = vector.shape_cast %get3A_446 : vector<16xf32> to vector<16xf32>
          %get3A_448 = arith.constant 0 : i32
          %get3A_449 = tpu.memref_slice %arg9[%add3A_127, %get3A_448] : memref<32x1000xf32, #tpu.memory_space<vmem>> -> memref<1x1000xf32, #tpu.memory_space<vmem>>
          %get3A_450 = tpu.memref_squeeze %get3A_449 : memref<1x1000xf32, #tpu.memory_space<vmem>> -> memref<1000xf32, #tpu.memory_space<vmem>>
          %get3A_451 = arith.constant 416 : index
          %get3A_452 = tpu.vector_load %get3A_450[%get3A_451] {strides = array<i32>} : memref<1000xf32, #tpu.memory_space<vmem>>, vector<16xf32>,
          %get3A_453 = vector.shape_cast %get3A_452 : vector<16xf32> to vector<16xf32>
          %get3A_454 = arith.constant 0 : i32
          %get3A_455 = tpu.memref_slice %arg9[%add3A_127, %get3A_454] : memref<32x1000xf32, #tpu.memory_space<vmem>> -> memref<1x1000xf32, #tpu.memory_space<vmem>>
          %get3A_456 = tpu.memref_squeeze %get3A_455 : memref<1x1000xf32, #tpu.memory_space<vmem>> -> memref<1000xf32, #tpu.memory_space<vmem>>
          %get3A_457 = arith.constant 432 : index
          %get3A_458 = tpu.vector_load %get3A_456[%get3A_457] {strides = array<i32>} : memref<1000xf32, #tpu.memory_space<vmem>>, vector<16xf32>,
          %get3A_459 = vector.shape_cast %get3A_458 : vector<16xf32> to vector<16xf32>
          %max3A_460 = arith.maximumf %get3A_441, %get3A_447 : vector<16xf32>
          %max3A_461 = arith.maximumf %max3A_410, %max3A_460 : vector<16xf32>
          %max3A_462 = arith.maximumf %get3A_453, %get3A_459 : vector<16xf32>
          %max3A_463 = arith.maximumf %max3A_412, %max3A_462 : vector<16xf32>
          %exp3A_464 = math.exp %get3A_441 : vector<16xf32>
          %add3A_465 = arith.addf %add3A_414, %exp3A_464 : vector<16xf32>
          %exp3A_466 = math.exp %get3A_447 : vector<16xf32>
          %add3A_467 = arith.addf %add3A_416, %exp3A_466 : vector<16xf32>
          %exp3A_468 = math.exp %get3A_453 : vector<16xf32>
          %add3A_469 = arith.addf %add3A_418, %exp3A_468 : vector<16xf32>
          %exp3A_470 = math.exp %get3A_459 : vector<16xf32>
          %add3A_471 = arith.addf %add3A_420, %exp3A_470 : vector<16xf32>
          %eq3A_472 = arith.cmpi eq, %iota3A_79, %sub3A_435 : vector<16xi32>
          %select_n3A_473 = arith.select %eq3A_472, %get3A_441, %broadcast_in_dim3A_132 : vector<16xi1>, vector<16xf32>
          %add3A_474 = arith.addf %add3A_432, %select_n3A_473 : vector<16xf32>
          %eq3A_475 = arith.cmpi eq, %add3A_82, %sub3A_435 : vector<16xi32>
          %select_n3A_476 = arith.select %eq3A_475, %get3A_447, %broadcast_in_dim3A_132 : vector<16xi1>, vector<16xf32>
          %add3A_477 = arith.addf %add3A_474, %select_n3A_476 : vector<16xf32>
          %eq3A_478 = arith.cmpi eq, %add3A_85, %sub3A_435 : vector<16xi32>
          %select_n3A_479 = arith.select %eq3A_478, %get3A_453, %broadcast_in_dim3A_132 : vector<16xi1>, vector<16xf32>
          %add3A_480 = arith.addf %add3A_477, %select_n3A_479 : vector<16xf32>
          %eq3A_481 = arith.cmpi eq, %add3A_88, %sub3A_435 : vector<16xi32>
          %select_n3A_482 = arith.select %eq3A_481, %get3A_459, %broadcast_in_dim3A_132 : vector<16xi1>, vector<16xf32>
          %add3A_483 = arith.addf %add3A_480, %select_n3A_482 : vector<16xf32>
          %sub3A_484 = arith.constant 64 : i32
          %sub3A_485 = vector.broadcast %sub3A_484 : i32 to vector<16xi32>
          %sub3A_486 = arith.subi %sub3A_435, %sub3A_485 : vector<16xi32>
          %get3A_487 = arith.constant 0 : i32
          %get3A_488 = tpu.memref_slice %arg9[%add3A_127, %get3A_487] : memref<32x1000xf32, #tpu.memory_space<vmem>> -> memref<1x1000xf32, #tpu.memory_space<vmem>>
          %get3A_489 = tpu.memref_squeeze %get3A_488 : memref<1x1000xf32, #tpu.memory_space<vmem>> -> memref<1000xf32, #tpu.memory_space<vmem>>
          %get3A_490 = arith.constant 448 : index
          %get3A_491 = tpu.vector_load %get3A_489[%get3A_490] {strides = array<i32>} : memref<1000xf32, #tpu.memory_space<vmem>>, vector<16xf32>,
          %get3A_492 = vector.shape_cast %get3A_491 : vector<16xf32> to vector<16xf32>
          %get3A_493 = arith.constant 0 : i32
          %get3A_494 = tpu.memref_slice %arg9[%add3A_127, %get3A_493] : memref<32x1000xf32, #tpu.memory_space<vmem>> -> memref<1x1000xf32, #tpu.memory_space<vmem>>
          %get3A_495 = tpu.memref_squeeze %get3A_494 : memref<1x1000xf32, #tpu.memory_space<vmem>> -> memref<1000xf32, #tpu.memory_space<vmem>>
          %get3A_496 = arith.constant 464 : index
          %get3A_497 = tpu.vector_load %get3A_495[%get3A_496] {strides = array<i32>} : memref<1000xf32, #tpu.memory_space<vmem>>, vector<16xf32>,
          %get3A_498 = vector.shape_cast %get3A_497 : vector<16xf32> to vector<16xf32>
          %get3A_499 = arith.constant 0 : i32
          %get3A_500 = tpu.memref_slice %arg9[%add3A_127, %get3A_499] : memref<32x1000xf32, #tpu.memory_space<vmem>> -> memref<1x1000xf32, #tpu.memory_space<vmem>>
          %get3A_501 = tpu.memref_squeeze %get3A_500 : memref<1x1000xf32, #tpu.memory_space<vmem>> -> memref<1000xf32, #tpu.memory_space<vmem>>
          %get3A_502 = arith.constant 480 : index
          %get3A_503 = tpu.vector_load %get3A_501[%get3A_502] {strides = array<i32>} : memref<1000xf32, #tpu.memory_space<vmem>>, vector<16xf32>,
          %get3A_504 = vector.shape_cast %get3A_503 : vector<16xf32> to vector<16xf32>
          %get3A_505 = arith.constant 0 : i32
          %get3A_506 = tpu.memref_slice %arg9[%add3A_127, %get3A_505] : memref<32x1000xf32, #tpu.memory_space<vmem>> -> memref<1x1000xf32, #tpu.memory_space<vmem>>
          %get3A_507 = tpu.memref_squeeze %get3A_506 : memref<1x1000xf32, #tpu.memory_space<vmem>> -> memref<1000xf32, #tpu.memory_space<vmem>>
          %get3A_508 = arith.constant 496 : index
          %get3A_509 = tpu.vector_load %get3A_507[%get3A_508] {strides = array<i32>} : memref<1000xf32, #tpu.memory_space<vmem>>, vector<16xf32>,
          %get3A_510 = vector.shape_cast %get3A_509 : vector<16xf32> to vector<16xf32>
          %max3A_511 = arith.maximumf %get3A_492, %get3A_498 : vector<16xf32>
          %max3A_512 = arith.maximumf %max3A_461, %max3A_511 : vector<16xf32>
          %max3A_513 = arith.maximumf %get3A_504, %get3A_510 : vector<16xf32>
          %max3A_514 = arith.maximumf %max3A_463, %max3A_513 : vector<16xf32>
          %exp3A_515 = math.exp %get3A_492 : vector<16xf32>
          %add3A_516 = arith.addf %add3A_465, %exp3A_515 : vector<16xf32>
          %exp3A_517 = math.exp %get3A_498 : vector<16xf32>
          %add3A_518 = arith.addf %add3A_467, %exp3A_517 : vector<16xf32>
          %exp3A_519 = math.exp %get3A_504 : vector<16xf32>
          %add3A_520 = arith.addf %add3A_469, %exp3A_519 : vector<16xf32>
          %exp3A_521 = math.exp %get3A_510 : vector<16xf32>
          %add3A_522 = arith.addf %add3A_471, %exp3A_521 : vector<16xf32>
          %eq3A_523 = arith.cmpi eq, %iota3A_79, %sub3A_486 : vector<16xi32>
          %select_n3A_524 = arith.select %eq3A_523, %get3A_492, %broadcast_in_dim3A_132 : vector<16xi1>, vector<16xf32>
          %add3A_525 = arith.addf %add3A_483, %select_n3A_524 : vector<16xf32>
          %eq3A_526 = arith.cmpi eq, %add3A_82, %sub3A_486 : vector<16xi32>
          %select_n3A_527 = arith.select %eq3A_526, %get3A_498, %broadcast_in_dim3A_132 : vector<16xi1>, vector<16xf32>
          %add3A_528 = arith.addf %add3A_525, %select_n3A_527 : vector<16xf32>
          %eq3A_529 = arith.cmpi eq, %add3A_85, %sub3A_486 : vector<16xi32>
          %select_n3A_530 = arith.select %eq3A_529, %get3A_504, %broadcast_in_dim3A_132 : vector<16xi1>, vector<16xf32>
          %add3A_531 = arith.addf %add3A_528, %select_n3A_530 : vector<16xf32>
          %eq3A_532 = arith.cmpi eq, %add3A_88, %sub3A_486 : vector<16xi32>
          %select_n3A_533 = arith.select %eq3A_532, %get3A_510, %broadcast_in_dim3A_132 : vector<16xi1>, vector<16xf32>
          %add3A_534 = arith.addf %add3A_531, %select_n3A_533 : vector<16xf32>
          %sub3A_535 = arith.constant 64 : i32
          %sub3A_536 = vector.broadcast %sub3A_535 : i32 to vector<16xi32>
          %sub3A_537 = arith.subi %sub3A_486, %sub3A_536 : vector<16xi32>
          %get3A_538 = arith.constant 0 : i32
          %get3A_539 = tpu.memref_slice %arg9[%add3A_127, %get3A_538] : memref<32x1000xf32, #tpu.memory_space<vmem>> -> memref<1x1000xf32, #tpu.memory_space<vmem>>
          %get3A_540 = tpu.memref_squeeze %get3A_539 : memref<1x1000xf32, #tpu.memory_space<vmem>> -> memref<1000xf32, #tpu.memory_space<vmem>>
          %get3A_541 = arith.constant 512 : index
          %get3A_542 = tpu.vector_load %get3A_540[%get3A_541] {strides = array<i32>} : memref<1000xf32, #tpu.memory_space<vmem>>, vector<16xf32>,
          %get3A_543 = vector.shape_cast %get3A_542 : vector<16xf32> to vector<16xf32>
          %get3A_544 = arith.constant 0 : i32
          %get3A_545 = tpu.memref_slice %arg9[%add3A_127, %get3A_544] : memref<32x1000xf32, #tpu.memory_space<vmem>> -> memref<1x1000xf32, #tpu.memory_space<vmem>>
          %get3A_546 = tpu.memref_squeeze %get3A_545 : memref<1x1000xf32, #tpu.memory_space<vmem>> -> memref<1000xf32, #tpu.memory_space<vmem>>
          %get3A_547 = arith.constant 528 : index
          %get3A_548 = tpu.vector_load %get3A_546[%get3A_547] {strides = array<i32>} : memref<1000xf32, #tpu.memory_space<vmem>>, vector<16xf32>,
          %get3A_549 = vector.shape_cast %get3A_548 : vector<16xf32> to vector<16xf32>
          %get3A_550 = arith.constant 0 : i32
          %get3A_551 = tpu.memref_slice %arg9[%add3A_127, %get3A_550] : memref<32x1000xf32, #tpu.memory_space<vmem>> -> memref<1x1000xf32, #tpu.memory_space<vmem>>
          %get3A_552 = tpu.memref_squeeze %get3A_551 : memref<1x1000xf32, #tpu.memory_space<vmem>> -> memref<1000xf32, #tpu.memory_space<vmem>>
          %get3A_553 = arith.constant 544 : index
          %get3A_554 = tpu.vector_load %get3A_552[%get3A_553] {strides = array<i32>} : memref<1000xf32, #tpu.memory_space<vmem>>, vector<16xf32>,
          %get3A_555 = vector.shape_cast %get3A_554 : vector<16xf32> to vector<16xf32>
          %get3A_556 = arith.constant 0 : i32
          %get3A_557 = tpu.memref_slice %arg9[%add3A_127, %get3A_556] : memref<32x1000xf32, #tpu.memory_space<vmem>> -> memref<1x1000xf32, #tpu.memory_space<vmem>>
          %get3A_558 = tpu.memref_squeeze %get3A_557 : memref<1x1000xf32, #tpu.memory_space<vmem>> -> memref<1000xf32, #tpu.memory_space<vmem>>
          %get3A_559 = arith.constant 560 : index
          %get3A_560 = tpu.vector_load %get3A_558[%get3A_559] {strides = array<i32>} : memref<1000xf32, #tpu.memory_space<vmem>>, vector<16xf32>,
          %get3A_561 = vector.shape_cast %get3A_560 : vector<16xf32> to vector<16xf32>
          %max3A_562 = arith.maximumf %get3A_543, %get3A_549 : vector<16xf32>
          %max3A_563 = arith.maximumf %max3A_512, %max3A_562 : vector<16xf32>
          %max3A_564 = arith.maximumf %get3A_555, %get3A_561 : vector<16xf32>
          %max3A_565 = arith.maximumf %max3A_514, %max3A_564 : vector<16xf32>
          %exp3A_566 = math.exp %get3A_543 : vector<16xf32>
          %add3A_567 = arith.addf %add3A_516, %exp3A_566 : vector<16xf32>
          %exp3A_568 = math.exp %get3A_549 : vector<16xf32>
          %add3A_569 = arith.addf %add3A_518, %exp3A_568 : vector<16xf32>
          %exp3A_570 = math.exp %get3A_555 : vector<16xf32>
          %add3A_571 = arith.addf %add3A_520, %exp3A_570 : vector<16xf32>
          %exp3A_572 = math.exp %get3A_561 : vector<16xf32>
          %add3A_573 = arith.addf %add3A_522, %exp3A_572 : vector<16xf32>
          %eq3A_574 = arith.cmpi eq, %iota3A_79, %sub3A_537 : vector<16xi32>
          %select_n3A_575 = arith.select %eq3A_574, %get3A_543, %broadcast_in_dim3A_132 : vector<16xi1>, vector<16xf32>
          %add3A_576 = arith.addf %add3A_534, %select_n3A_575 : vector<16xf32>
          %eq3A_577 = arith.cmpi eq, %add3A_82, %sub3A_537 : vector<16xi32>
          %select_n3A_578 = arith.select %eq3A_577, %get3A_549, %broadcast_in_dim3A_132 : vector<16xi1>, vector<16xf32>
          %add3A_579 = arith.addf %add3A_576, %select_n3A_578 : vector<16xf32>
          %eq3A_580 = arith.cmpi eq, %add3A_85, %sub3A_537 : vector<16xi32>
          %select_n3A_581 = arith.select %eq3A_580, %get3A_555, %broadcast_in_dim3A_132 : vector<16xi1>, vector<16xf32>
          %add3A_582 = arith.addf %add3A_579, %select_n3A_581 : vector<16xf32>
          %eq3A_583 = arith.cmpi eq, %add3A_88, %sub3A_537 : vector<16xi32>
          %select_n3A_584 = arith.select %eq3A_583, %get3A_561, %broadcast_in_dim3A_132 : vector<16xi1>, vector<16xf32>
          %add3A_585 = arith.addf %add3A_582, %select_n3A_584 : vector<16xf32>
          %sub3A_586 = arith.constant 64 : i32
          %sub3A_587 = vector.broadcast %sub3A_586 : i32 to vector<16xi32>
          %sub3A_588 = arith.subi %sub3A_537, %sub3A_587 : vector<16xi32>
          %get3A_589 = arith.constant 0 : i32
          %get3A_590 = tpu.memref_slice %arg9[%add3A_127, %get3A_589] : memref<32x1000xf32, #tpu.memory_space<vmem>> -> memref<1x1000xf32, #tpu.memory_space<vmem>>
          %get3A_591 = tpu.memref_squeeze %get3A_590 : memref<1x1000xf32, #tpu.memory_space<vmem>> -> memref<1000xf32, #tpu.memory_space<vmem>>
          %get3A_592 = arith.constant 576 : index
          %get3A_593 = tpu.vector_load %get3A_591[%get3A_592] {strides = array<i32>} : memref<1000xf32, #tpu.memory_space<vmem>>, vector<16xf32>,
          %get3A_594 = vector.shape_cast %get3A_593 : vector<16xf32> to vector<16xf32>
          %get3A_595 = arith.constant 0 : i32
          %get3A_596 = tpu.memref_slice %arg9[%add3A_127, %get3A_595] : memref<32x1000xf32, #tpu.memory_space<vmem>> -> memref<1x1000xf32, #tpu.memory_space<vmem>>
          %get3A_597 = tpu.memref_squeeze %get3A_596 : memref<1x1000xf32, #tpu.memory_space<vmem>> -> memref<1000xf32, #tpu.memory_space<vmem>>
          %get3A_598 = arith.constant 592 : index
          %get3A_599 = tpu.vector_load %get3A_597[%get3A_598] {strides = array<i32>} : memref<1000xf32, #tpu.memory_space<vmem>>, vector<16xf32>,
          %get3A_600 = vector.shape_cast %get3A_599 : vector<16xf32> to vector<16xf32>
          %get3A_601 = arith.constant 0 : i32
          %get3A_602 = tpu.memref_slice %arg9[%add3A_127, %get3A_601] : memref<32x1000xf32, #tpu.memory_space<vmem>> -> memref<1x1000xf32, #tpu.memory_space<vmem>>
          %get3A_603 = tpu.memref_squeeze %get3A_602 : memref<1x1000xf32, #tpu.memory_space<vmem>> -> memref<1000xf32, #tpu.memory_space<vmem>>
          %get3A_604 = arith.constant 608 : index
          %get3A_605 = tpu.vector_load %get3A_603[%get3A_604] {strides = array<i32>} : memref<1000xf32, #tpu.memory_space<vmem>>, vector<16xf32>,
          %get3A_606 = vector.shape_cast %get3A_605 : vector<16xf32> to vector<16xf32>
          %get3A_607 = arith.constant 0 : i32
          %get3A_608 = tpu.memref_slice %arg9[%add3A_127, %get3A_607] : memref<32x1000xf32, #tpu.memory_space<vmem>> -> memref<1x1000xf32, #tpu.memory_space<vmem>>
          %get3A_609 = tpu.memref_squeeze %get3A_608 : memref<1x1000xf32, #tpu.memory_space<vmem>> -> memref<1000xf32, #tpu.memory_space<vmem>>
          %get3A_610 = arith.constant 624 : index
          %get3A_611 = tpu.vector_load %get3A_609[%get3A_610] {strides = array<i32>} : memref<1000xf32, #tpu.memory_space<vmem>>, vector<16xf32>,
          %get3A_612 = vector.shape_cast %get3A_611 : vector<16xf32> to vector<16xf32>
          %max3A_613 = arith.maximumf %get3A_594, %get3A_600 : vector<16xf32>
          %max3A_614 = arith.maximumf %max3A_563, %max3A_613 : vector<16xf32>
          %max3A_615 = arith.maximumf %get3A_606, %get3A_612 : vector<16xf32>
          %max3A_616 = arith.maximumf %max3A_565, %max3A_615 : vector<16xf32>
          %exp3A_617 = math.exp %get3A_594 : vector<16xf32>
          %add3A_618 = arith.addf %add3A_567, %exp3A_617 : vector<16xf32>
          %exp3A_619 = math.exp %get3A_600 : vector<16xf32>
          %add3A_620 = arith.addf %add3A_569, %exp3A_619 : vector<16xf32>
          %exp3A_621 = math.exp %get3A_606 : vector<16xf32>
          %add3A_622 = arith.addf %add3A_571, %exp3A_621 : vector<16xf32>
          %exp3A_623 = math.exp %get3A_612 : vector<16xf32>
          %add3A_624 = arith.addf %add3A_573, %exp3A_623 : vector<16xf32>
          %eq3A_625 = arith.cmpi eq, %iota3A_79, %sub3A_588 : vector<16xi32>
          %select_n3A_626 = arith.select %eq3A_625, %get3A_594, %broadcast_in_dim3A_132 : vector<16xi1>, vector<16xf32>
          %add3A_627 = arith.addf %add3A_585, %select_n3A_626 : vector<16xf32>
          %eq3A_628 = arith.cmpi eq, %add3A_82, %sub3A_588 : vector<16xi32>
          %select_n3A_629 = arith.select %eq3A_628, %get3A_600, %broadcast_in_dim3A_132 : vector<16xi1>, vector<16xf32>
          %add3A_630 = arith.addf %add3A_627, %select_n3A_629 : vector<16xf32>
          %eq3A_631 = arith.cmpi eq, %add3A_85, %sub3A_588 : vector<16xi32>
          %select_n3A_632 = arith.select %eq3A_631, %get3A_606, %broadcast_in_dim3A_132 : vector<16xi1>, vector<16xf32>
          %add3A_633 = arith.addf %add3A_630, %select_n3A_632 : vector<16xf32>
          %eq3A_634 = arith.cmpi eq, %add3A_88, %sub3A_588 : vector<16xi32>
          %select_n3A_635 = arith.select %eq3A_634, %get3A_612, %broadcast_in_dim3A_132 : vector<16xi1>, vector<16xf32>
          %add3A_636 = arith.addf %add3A_633, %select_n3A_635 : vector<16xf32>
          %sub3A_637 = arith.constant 64 : i32
          %sub3A_638 = vector.broadcast %sub3A_637 : i32 to vector<16xi32>
          %sub3A_639 = arith.subi %sub3A_588, %sub3A_638 : vector<16xi32>
          %get3A_640 = arith.constant 0 : i32
          %get3A_641 = tpu.memref_slice %arg9[%add3A_127, %get3A_640] : memref<32x1000xf32, #tpu.memory_space<vmem>> -> memref<1x1000xf32, #tpu.memory_space<vmem>>
          %get3A_642 = tpu.memref_squeeze %get3A_641 : memref<1x1000xf32, #tpu.memory_space<vmem>> -> memref<1000xf32, #tpu.memory_space<vmem>>
          %get3A_643 = arith.constant 640 : index
          %get3A_644 = tpu.vector_load %get3A_642[%get3A_643] {strides = array<i32>} : memref<1000xf32, #tpu.memory_space<vmem>>, vector<16xf32>,
          %get3A_645 = vector.shape_cast %get3A_644 : vector<16xf32> to vector<16xf32>
          %get3A_646 = arith.constant 0 : i32
          %get3A_647 = tpu.memref_slice %arg9[%add3A_127, %get3A_646] : memref<32x1000xf32, #tpu.memory_space<vmem>> -> memref<1x1000xf32, #tpu.memory_space<vmem>>
          %get3A_648 = tpu.memref_squeeze %get3A_647 : memref<1x1000xf32, #tpu.memory_space<vmem>> -> memref<1000xf32, #tpu.memory_space<vmem>>
          %get3A_649 = arith.constant 656 : index
          %get3A_650 = tpu.vector_load %get3A_648[%get3A_649] {strides = array<i32>} : memref<1000xf32, #tpu.memory_space<vmem>>, vector<16xf32>,
          %get3A_651 = vector.shape_cast %get3A_650 : vector<16xf32> to vector<16xf32>
          %get3A_652 = arith.constant 0 : i32
          %get3A_653 = tpu.memref_slice %arg9[%add3A_127, %get3A_652] : memref<32x1000xf32, #tpu.memory_space<vmem>> -> memref<1x1000xf32, #tpu.memory_space<vmem>>
          %get3A_654 = tpu.memref_squeeze %get3A_653 : memref<1x1000xf32, #tpu.memory_space<vmem>> -> memref<1000xf32, #tpu.memory_space<vmem>>
          %get3A_655 = arith.constant 672 : index
          %get3A_656 = tpu.vector_load %get3A_654[%get3A_655] {strides = array<i32>} : memref<1000xf32, #tpu.memory_space<vmem>>, vector<16xf32>,
          %get3A_657 = vector.shape_cast %get3A_656 : vector<16xf32> to vector<16xf32>
          %get3A_658 = arith.constant 0 : i32
          %get3A_659 = tpu.memref_slice %arg9[%add3A_127, %get3A_658] : memref<32x1000xf32, #tpu.memory_space<vmem>> -> memref<1x1000xf32, #tpu.memory_space<vmem>>
          %get3A_660 = tpu.memref_squeeze %get3A_659 : memref<1x1000xf32, #tpu.memory_space<vmem>> -> memref<1000xf32, #tpu.memory_space<vmem>>
          %get3A_661 = arith.constant 688 : index
          %get3A_662 = tpu.vector_load %get3A_660[%get3A_661] {strides = array<i32>} : memref<1000xf32, #tpu.memory_space<vmem>>, vector<16xf32>,
          %get3A_663 = vector.shape_cast %get3A_662 : vector<16xf32> to vector<16xf32>
          %max3A_664 = arith.maximumf %get3A_645, %get3A_651 : vector<16xf32>
          %max3A_665 = arith.maximumf %max3A_614, %max3A_664 : vector<16xf32>
          %max3A_666 = arith.maximumf %get3A_657, %get3A_663 : vector<16xf32>
          %max3A_667 = arith.maximumf %max3A_616, %max3A_666 : vector<16xf32>
          %exp3A_668 = math.exp %get3A_645 : vector<16xf32>
          %add3A_669 = arith.addf %add3A_618, %exp3A_668 : vector<16xf32>
          %exp3A_670 = math.exp %get3A_651 : vector<16xf32>
          %add3A_671 = arith.addf %add3A_620, %exp3A_670 : vector<16xf32>
          %exp3A_672 = math.exp %get3A_657 : vector<16xf32>
          %add3A_673 = arith.addf %add3A_622, %exp3A_672 : vector<16xf32>
          %exp3A_674 = math.exp %get3A_663 : vector<16xf32>
          %add3A_675 = arith.addf %add3A_624, %exp3A_674 : vector<16xf32>
          %eq3A_676 = arith.cmpi eq, %iota3A_79, %sub3A_639 : vector<16xi32>
          %select_n3A_677 = arith.select %eq3A_676, %get3A_645, %broadcast_in_dim3A_132 : vector<16xi1>, vector<16xf32>
          %add3A_678 = arith.addf %add3A_636, %select_n3A_677 : vector<16xf32>
          %eq3A_679 = arith.cmpi eq, %add3A_82, %sub3A_639 : vector<16xi32>
          %select_n3A_680 = arith.select %eq3A_679, %get3A_651, %broadcast_in_dim3A_132 : vector<16xi1>, vector<16xf32>
          %add3A_681 = arith.addf %add3A_678, %select_n3A_680 : vector<16xf32>
          %eq3A_682 = arith.cmpi eq, %add3A_85, %sub3A_639 : vector<16xi32>
          %select_n3A_683 = arith.select %eq3A_682, %get3A_657, %broadcast_in_dim3A_132 : vector<16xi1>, vector<16xf32>
          %add3A_684 = arith.addf %add3A_681, %select_n3A_683 : vector<16xf32>
          %eq3A_685 = arith.cmpi eq, %add3A_88, %sub3A_639 : vector<16xi32>
          %select_n3A_686 = arith.select %eq3A_685, %get3A_663, %broadcast_in_dim3A_132 : vector<16xi1>, vector<16xf32>
          %add3A_687 = arith.addf %add3A_684, %select_n3A_686 : vector<16xf32>
          %sub3A_688 = arith.constant 64 : i32
          %sub3A_689 = vector.broadcast %sub3A_688 : i32 to vector<16xi32>
          %sub3A_690 = arith.subi %sub3A_639, %sub3A_689 : vector<16xi32>
          %get3A_691 = arith.constant 0 : i32
          %get3A_692 = tpu.memref_slice %arg9[%add3A_127, %get3A_691] : memref<32x1000xf32, #tpu.memory_space<vmem>> -> memref<1x1000xf32, #tpu.memory_space<vmem>>
          %get3A_693 = tpu.memref_squeeze %get3A_692 : memref<1x1000xf32, #tpu.memory_space<vmem>> -> memref<1000xf32, #tpu.memory_space<vmem>>
          %get3A_694 = arith.constant 704 : index
          %get3A_695 = tpu.vector_load %get3A_693[%get3A_694] {strides = array<i32>} : memref<1000xf32, #tpu.memory_space<vmem>>, vector<16xf32>,
          %get3A_696 = vector.shape_cast %get3A_695 : vector<16xf32> to vector<16xf32>
          %get3A_697 = arith.constant 0 : i32
          %get3A_698 = tpu.memref_slice %arg9[%add3A_127, %get3A_697] : memref<32x1000xf32, #tpu.memory_space<vmem>> -> memref<1x1000xf32, #tpu.memory_space<vmem>>
          %get3A_699 = tpu.memref_squeeze %get3A_698 : memref<1x1000xf32, #tpu.memory_space<vmem>> -> memref<1000xf32, #tpu.memory_space<vmem>>
          %get3A_700 = arith.constant 720 : index
          %get3A_701 = tpu.vector_load %get3A_699[%get3A_700] {strides = array<i32>} : memref<1000xf32, #tpu.memory_space<vmem>>, vector<16xf32>,
          %get3A_702 = vector.shape_cast %get3A_701 : vector<16xf32> to vector<16xf32>
          %get3A_703 = arith.constant 0 : i32
          %get3A_704 = tpu.memref_slice %arg9[%add3A_127, %get3A_703] : memref<32x1000xf32, #tpu.memory_space<vmem>> -> memref<1x1000xf32, #tpu.memory_space<vmem>>
          %get3A_705 = tpu.memref_squeeze %get3A_704 : memref<1x1000xf32, #tpu.memory_space<vmem>> -> memref<1000xf32, #tpu.memory_space<vmem>>
          %get3A_706 = arith.constant 736 : index
          %get3A_707 = tpu.vector_load %get3A_705[%get3A_706] {strides = array<i32>} : memref<1000xf32, #tpu.memory_space<vmem>>, vector<16xf32>,
          %get3A_708 = vector.shape_cast %get3A_707 : vector<16xf32> to vector<16xf32>
          %get3A_709 = arith.constant 0 : i32
          %get3A_710 = tpu.memref_slice %arg9[%add3A_127, %get3A_709] : memref<32x1000xf32, #tpu.memory_space<vmem>> -> memref<1x1000xf32, #tpu.memory_space<vmem>>
          %get3A_711 = tpu.memref_squeeze %get3A_710 : memref<1x1000xf32, #tpu.memory_space<vmem>> -> memref<1000xf32, #tpu.memory_space<vmem>>
          %get3A_712 = arith.constant 752 : index
          %get3A_713 = tpu.vector_load %get3A_711[%get3A_712] {strides = array<i32>} : memref<1000xf32, #tpu.memory_space<vmem>>, vector<16xf32>,
          %get3A_714 = vector.shape_cast %get3A_713 : vector<16xf32> to vector<16xf32>
          %max3A_715 = arith.maximumf %get3A_696, %get3A_702 : vector<16xf32>
          %max3A_716 = arith.maximumf %max3A_665, %max3A_715 : vector<16xf32>
          %max3A_717 = arith.maximumf %get3A_708, %get3A_714 : vector<16xf32>
          %max3A_718 = arith.maximumf %max3A_667, %max3A_717 : vector<16xf32>
          %exp3A_719 = math.exp %get3A_696 : vector<16xf32>
          %add3A_720 = arith.addf %add3A_669, %exp3A_719 : vector<16xf32>
          %exp3A_721 = math.exp %get3A_702 : vector<16xf32>
          %add3A_722 = arith.addf %add3A_671, %exp3A_721 : vector<16xf32>
          %exp3A_723 = math.exp %get3A_708 : vector<16xf32>
          %add3A_724 = arith.addf %add3A_673, %exp3A_723 : vector<16xf32>
          %exp3A_725 = math.exp %get3A_714 : vector<16xf32>
          %add3A_726 = arith.addf %add3A_675, %exp3A_725 : vector<16xf32>
          %eq3A_727 = arith.cmpi eq, %iota3A_79, %sub3A_690 : vector<16xi32>
          %select_n3A_728 = arith.select %eq3A_727, %get3A_696, %broadcast_in_dim3A_132 : vector<16xi1>, vector<16xf32>
          %add3A_729 = arith.addf %add3A_687, %select_n3A_728 : vector<16xf32>
          %eq3A_730 = arith.cmpi eq, %add3A_82, %sub3A_690 : vector<16xi32>
          %select_n3A_731 = arith.select %eq3A_730, %get3A_702, %broadcast_in_dim3A_132 : vector<16xi1>, vector<16xf32>
          %add3A_732 = arith.addf %add3A_729, %select_n3A_731 : vector<16xf32>
          %eq3A_733 = arith.cmpi eq, %add3A_85, %sub3A_690 : vector<16xi32>
          %select_n3A_734 = arith.select %eq3A_733, %get3A_708, %broadcast_in_dim3A_132 : vector<16xi1>, vector<16xf32>
          %add3A_735 = arith.addf %add3A_732, %select_n3A_734 : vector<16xf32>
          %eq3A_736 = arith.cmpi eq, %add3A_88, %sub3A_690 : vector<16xi32>
          %select_n3A_737 = arith.select %eq3A_736, %get3A_714, %broadcast_in_dim3A_132 : vector<16xi1>, vector<16xf32>
          %add3A_738 = arith.addf %add3A_735, %select_n3A_737 : vector<16xf32>
          %sub3A_739 = arith.constant 64 : i32
          %sub3A_740 = vector.broadcast %sub3A_739 : i32 to vector<16xi32>
          %sub3A_741 = arith.subi %sub3A_690, %sub3A_740 : vector<16xi32>
          %get3A_742 = arith.constant 0 : i32
          %get3A_743 = tpu.memref_slice %arg9[%add3A_127, %get3A_742] : memref<32x1000xf32, #tpu.memory_space<vmem>> -> memref<1x1000xf32, #tpu.memory_space<vmem>>
          %get3A_744 = tpu.memref_squeeze %get3A_743 : memref<1x1000xf32, #tpu.memory_space<vmem>> -> memref<1000xf32, #tpu.memory_space<vmem>>
          %get3A_745 = arith.constant 768 : index
          %get3A_746 = tpu.vector_load %get3A_744[%get3A_745] {strides = array<i32>} : memref<1000xf32, #tpu.memory_space<vmem>>, vector<16xf32>,
          %get3A_747 = vector.shape_cast %get3A_746 : vector<16xf32> to vector<16xf32>
          %get3A_748 = arith.constant 0 : i32
          %get3A_749 = tpu.memref_slice %arg9[%add3A_127, %get3A_748] : memref<32x1000xf32, #tpu.memory_space<vmem>> -> memref<1x1000xf32, #tpu.memory_space<vmem>>
          %get3A_750 = tpu.memref_squeeze %get3A_749 : memref<1x1000xf32, #tpu.memory_space<vmem>> -> memref<1000xf32, #tpu.memory_space<vmem>>
          %get3A_751 = arith.constant 784 : index
          %get3A_752 = tpu.vector_load %get3A_750[%get3A_751] {strides = array<i32>} : memref<1000xf32, #tpu.memory_space<vmem>>, vector<16xf32>,
          %get3A_753 = vector.shape_cast %get3A_752 : vector<16xf32> to vector<16xf32>
          %get3A_754 = arith.constant 0 : i32
          %get3A_755 = tpu.memref_slice %arg9[%add3A_127, %get3A_754] : memref<32x1000xf32, #tpu.memory_space<vmem>> -> memref<1x1000xf32, #tpu.memory_space<vmem>>
          %get3A_756 = tpu.memref_squeeze %get3A_755 : memref<1x1000xf32, #tpu.memory_space<vmem>> -> memref<1000xf32, #tpu.memory_space<vmem>>
          %get3A_757 = arith.constant 800 : index
          %get3A_758 = tpu.vector_load %get3A_756[%get3A_757] {strides = array<i32>} : memref<1000xf32, #tpu.memory_space<vmem>>, vector<16xf32>,
          %get3A_759 = vector.shape_cast %get3A_758 : vector<16xf32> to vector<16xf32>
          %get3A_760 = arith.constant 0 : i32
          %get3A_761 = tpu.memref_slice %arg9[%add3A_127, %get3A_760] : memref<32x1000xf32, #tpu.memory_space<vmem>> -> memref<1x1000xf32, #tpu.memory_space<vmem>>
          %get3A_762 = tpu.memref_squeeze %get3A_761 : memref<1x1000xf32, #tpu.memory_space<vmem>> -> memref<1000xf32, #tpu.memory_space<vmem>>
          %get3A_763 = arith.constant 816 : index
          %get3A_764 = tpu.vector_load %get3A_762[%get3A_763] {strides = array<i32>} : memref<1000xf32, #tpu.memory_space<vmem>>, vector<16xf32>,
          %get3A_765 = vector.shape_cast %get3A_764 : vector<16xf32> to vector<16xf32>
          %max3A_766 = arith.maximumf %get3A_747, %get3A_753 : vector<16xf32>
          %max3A_767 = arith.maximumf %max3A_716, %max3A_766 : vector<16xf32>
          %max3A_768 = arith.maximumf %get3A_759, %get3A_765 : vector<16xf32>
          %max3A_769 = arith.maximumf %max3A_718, %max3A_768 : vector<16xf32>
          %exp3A_770 = math.exp %get3A_747 : vector<16xf32>
          %add3A_771 = arith.addf %add3A_720, %exp3A_770 : vector<16xf32>
          %exp3A_772 = math.exp %get3A_753 : vector<16xf32>
          %add3A_773 = arith.addf %add3A_722, %exp3A_772 : vector<16xf32>
          %exp3A_774 = math.exp %get3A_759 : vector<16xf32>
          %add3A_775 = arith.addf %add3A_724, %exp3A_774 : vector<16xf32>
          %exp3A_776 = math.exp %get3A_765 : vector<16xf32>
          %add3A_777 = arith.addf %add3A_726, %exp3A_776 : vector<16xf32>
          %eq3A_778 = arith.cmpi eq, %iota3A_79, %sub3A_741 : vector<16xi32>
          %select_n3A_779 = arith.select %eq3A_778, %get3A_747, %broadcast_in_dim3A_132 : vector<16xi1>, vector<16xf32>
          %add3A_780 = arith.addf %add3A_738, %select_n3A_779 : vector<16xf32>
          %eq3A_781 = arith.cmpi eq, %add3A_82, %sub3A_741 : vector<16xi32>
          %select_n3A_782 = arith.select %eq3A_781, %get3A_753, %broadcast_in_dim3A_132 : vector<16xi1>, vector<16xf32>
          %add3A_783 = arith.addf %add3A_780, %select_n3A_782 : vector<16xf32>
          %eq3A_784 = arith.cmpi eq, %add3A_85, %sub3A_741 : vector<16xi32>
          %select_n3A_785 = arith.select %eq3A_784, %get3A_759, %broadcast_in_dim3A_132 : vector<16xi1>, vector<16xf32>
          %add3A_786 = arith.addf %add3A_783, %select_n3A_785 : vector<16xf32>
          %eq3A_787 = arith.cmpi eq, %add3A_88, %sub3A_741 : vector<16xi32>
          %select_n3A_788 = arith.select %eq3A_787, %get3A_765, %broadcast_in_dim3A_132 : vector<16xi1>, vector<16xf32>
          %add3A_789 = arith.addf %add3A_786, %select_n3A_788 : vector<16xf32>
          %sub3A_790 = arith.constant 64 : i32
          %sub3A_791 = vector.broadcast %sub3A_790 : i32 to vector<16xi32>
          %sub3A_792 = arith.subi %sub3A_741, %sub3A_791 : vector<16xi32>
          %get3A_793 = arith.constant 0 : i32
          %get3A_794 = tpu.memref_slice %arg9[%add3A_127, %get3A_793] : memref<32x1000xf32, #tpu.memory_space<vmem>> -> memref<1x1000xf32, #tpu.memory_space<vmem>>
          %get3A_795 = tpu.memref_squeeze %get3A_794 : memref<1x1000xf32, #tpu.memory_space<vmem>> -> memref<1000xf32, #tpu.memory_space<vmem>>
          %get3A_796 = arith.constant 832 : index
          %get3A_797 = tpu.vector_load %get3A_795[%get3A_796] {strides = array<i32>} : memref<1000xf32, #tpu.memory_space<vmem>>, vector<16xf32>,
          %get3A_798 = vector.shape_cast %get3A_797 : vector<16xf32> to vector<16xf32>
          %get3A_799 = arith.constant 0 : i32
          %get3A_800 = tpu.memref_slice %arg9[%add3A_127, %get3A_799] : memref<32x1000xf32, #tpu.memory_space<vmem>> -> memref<1x1000xf32, #tpu.memory_space<vmem>>
          %get3A_801 = tpu.memref_squeeze %get3A_800 : memref<1x1000xf32, #tpu.memory_space<vmem>> -> memref<1000xf32, #tpu.memory_space<vmem>>
          %get3A_802 = arith.constant 848 : index
          %get3A_803 = tpu.vector_load %get3A_801[%get3A_802] {strides = array<i32>} : memref<1000xf32, #tpu.memory_space<vmem>>, vector<16xf32>,
          %get3A_804 = vector.shape_cast %get3A_803 : vector<16xf32> to vector<16xf32>
          %get3A_805 = arith.constant 0 : i32
          %get3A_806 = tpu.memref_slice %arg9[%add3A_127, %get3A_805] : memref<32x1000xf32, #tpu.memory_space<vmem>> -> memref<1x1000xf32, #tpu.memory_space<vmem>>
          %get3A_807 = tpu.memref_squeeze %get3A_806 : memref<1x1000xf32, #tpu.memory_space<vmem>> -> memref<1000xf32, #tpu.memory_space<vmem>>
          %get3A_808 = arith.constant 864 : index
          %get3A_809 = tpu.vector_load %get3A_807[%get3A_808] {strides = array<i32>} : memref<1000xf32, #tpu.memory_space<vmem>>, vector<16xf32>,
          %get3A_810 = vector.shape_cast %get3A_809 : vector<16xf32> to vector<16xf32>
          %get3A_811 = arith.constant 0 : i32
          %get3A_812 = tpu.memref_slice %arg9[%add3A_127, %get3A_811] : memref<32x1000xf32, #tpu.memory_space<vmem>> -> memref<1x1000xf32, #tpu.memory_space<vmem>>
          %get3A_813 = tpu.memref_squeeze %get3A_812 : memref<1x1000xf32, #tpu.memory_space<vmem>> -> memref<1000xf32, #tpu.memory_space<vmem>>
          %get3A_814 = arith.constant 880 : index
          %get3A_815 = tpu.vector_load %get3A_813[%get3A_814] {strides = array<i32>} : memref<1000xf32, #tpu.memory_space<vmem>>, vector<16xf32>,
          %get3A_816 = vector.shape_cast %get3A_815 : vector<16xf32> to vector<16xf32>
          %max3A_817 = arith.maximumf %get3A_798, %get3A_804 : vector<16xf32>
          %max3A_818 = arith.maximumf %max3A_767, %max3A_817 : vector<16xf32>
          %max3A_819 = arith.maximumf %get3A_810, %get3A_816 : vector<16xf32>
          %max3A_820 = arith.maximumf %max3A_769, %max3A_819 : vector<16xf32>
          %exp3A_821 = math.exp %get3A_798 : vector<16xf32>
          %add3A_822 = arith.addf %add3A_771, %exp3A_821 : vector<16xf32>
          %exp3A_823 = math.exp %get3A_804 : vector<16xf32>
          %add3A_824 = arith.addf %add3A_773, %exp3A_823 : vector<16xf32>
          %exp3A_825 = math.exp %get3A_810 : vector<16xf32>
          %add3A_826 = arith.addf %add3A_775, %exp3A_825 : vector<16xf32>
          %exp3A_827 = math.exp %get3A_816 : vector<16xf32>
          %add3A_828 = arith.addf %add3A_777, %exp3A_827 : vector<16xf32>
          %eq3A_829 = arith.cmpi eq, %iota3A_79, %sub3A_792 : vector<16xi32>
          %select_n3A_830 = arith.select %eq3A_829, %get3A_798, %broadcast_in_dim3A_132 : vector<16xi1>, vector<16xf32>
          %add3A_831 = arith.addf %add3A_789, %select_n3A_830 : vector<16xf32>
          %eq3A_832 = arith.cmpi eq, %add3A_82, %sub3A_792 : vector<16xi32>
          %select_n3A_833 = arith.select %eq3A_832, %get3A_804, %broadcast_in_dim3A_132 : vector<16xi1>, vector<16xf32>
          %add3A_834 = arith.addf %add3A_831, %select_n3A_833 : vector<16xf32>
          %eq3A_835 = arith.cmpi eq, %add3A_85, %sub3A_792 : vector<16xi32>
          %select_n3A_836 = arith.select %eq3A_835, %get3A_810, %broadcast_in_dim3A_132 : vector<16xi1>, vector<16xf32>
          %add3A_837 = arith.addf %add3A_834, %select_n3A_836 : vector<16xf32>
          %eq3A_838 = arith.cmpi eq, %add3A_88, %sub3A_792 : vector<16xi32>
          %select_n3A_839 = arith.select %eq3A_838, %get3A_816, %broadcast_in_dim3A_132 : vector<16xi1>, vector<16xf32>
          %add3A_840 = arith.addf %add3A_837, %select_n3A_839 : vector<16xf32>
          %sub3A_841 = arith.constant 64 : i32
          %sub3A_842 = vector.broadcast %sub3A_841 : i32 to vector<16xi32>
          %sub3A_843 = arith.subi %sub3A_792, %sub3A_842 : vector<16xi32>
          %get3A_844 = arith.constant 0 : i32
          %get3A_845 = tpu.memref_slice %arg9[%add3A_127, %get3A_844] : memref<32x1000xf32, #tpu.memory_space<vmem>> -> memref<1x1000xf32, #tpu.memory_space<vmem>>
          %get3A_846 = tpu.memref_squeeze %get3A_845 : memref<1x1000xf32, #tpu.memory_space<vmem>> -> memref<1000xf32, #tpu.memory_space<vmem>>
          %get3A_847 = arith.constant 896 : index
          %get3A_848 = tpu.vector_load %get3A_846[%get3A_847] {strides = array<i32>} : memref<1000xf32, #tpu.memory_space<vmem>>, vector<16xf32>,
          %get3A_849 = vector.shape_cast %get3A_848 : vector<16xf32> to vector<16xf32>
          %get3A_850 = arith.constant 0 : i32
          %get3A_851 = tpu.memref_slice %arg9[%add3A_127, %get3A_850] : memref<32x1000xf32, #tpu.memory_space<vmem>> -> memref<1x1000xf32, #tpu.memory_space<vmem>>
          %get3A_852 = tpu.memref_squeeze %get3A_851 : memref<1x1000xf32, #tpu.memory_space<vmem>> -> memref<1000xf32, #tpu.memory_space<vmem>>
          %get3A_853 = arith.constant 912 : index
          %get3A_854 = tpu.vector_load %get3A_852[%get3A_853] {strides = array<i32>} : memref<1000xf32, #tpu.memory_space<vmem>>, vector<16xf32>,
          %get3A_855 = vector.shape_cast %get3A_854 : vector<16xf32> to vector<16xf32>
          %get3A_856 = arith.constant 0 : i32
          %get3A_857 = tpu.memref_slice %arg9[%add3A_127, %get3A_856] : memref<32x1000xf32, #tpu.memory_space<vmem>> -> memref<1x1000xf32, #tpu.memory_space<vmem>>
          %get3A_858 = tpu.memref_squeeze %get3A_857 : memref<1x1000xf32, #tpu.memory_space<vmem>> -> memref<1000xf32, #tpu.memory_space<vmem>>
          %get3A_859 = arith.constant 928 : index
          %get3A_860 = tpu.vector_load %get3A_858[%get3A_859] {strides = array<i32>} : memref<1000xf32, #tpu.memory_space<vmem>>, vector<16xf32>,
          %get3A_861 = vector.shape_cast %get3A_860 : vector<16xf32> to vector<16xf32>
          %get3A_862 = arith.constant 0 : i32
          %get3A_863 = tpu.memref_slice %arg9[%add3A_127, %get3A_862] : memref<32x1000xf32, #tpu.memory_space<vmem>> -> memref<1x1000xf32, #tpu.memory_space<vmem>>
          %get3A_864 = tpu.memref_squeeze %get3A_863 : memref<1x1000xf32, #tpu.memory_space<vmem>> -> memref<1000xf32, #tpu.memory_space<vmem>>
          %get3A_865 = arith.constant 944 : index
          %get3A_866 = tpu.vector_load %get3A_864[%get3A_865] {strides = array<i32>} : memref<1000xf32, #tpu.memory_space<vmem>>, vector<16xf32>,
          %get3A_867 = vector.shape_cast %get3A_866 : vector<16xf32> to vector<16xf32>
          %max3A_868 = arith.maximumf %get3A_849, %get3A_855 : vector<16xf32>
          %max3A_869 = arith.maximumf %max3A_818, %max3A_868 : vector<16xf32>
          %max3A_870 = arith.maximumf %get3A_861, %get3A_867 : vector<16xf32>
          %max3A_871 = arith.maximumf %max3A_820, %max3A_870 : vector<16xf32>
          %exp3A_872 = math.exp %get3A_849 : vector<16xf32>
          %add3A_873 = arith.addf %add3A_822, %exp3A_872 : vector<16xf32>
          %exp3A_874 = math.exp %get3A_855 : vector<16xf32>
          %add3A_875 = arith.addf %add3A_824, %exp3A_874 : vector<16xf32>
          %exp3A_876 = math.exp %get3A_861 : vector<16xf32>
          %add3A_877 = arith.addf %add3A_826, %exp3A_876 : vector<16xf32>
          %exp3A_878 = math.exp %get3A_867 : vector<16xf32>
          %add3A_879 = arith.addf %add3A_828, %exp3A_878 : vector<16xf32>
          %eq3A_880 = arith.cmpi eq, %iota3A_79, %sub3A_843 : vector<16xi32>
          %select_n3A_881 = arith.select %eq3A_880, %get3A_849, %broadcast_in_dim3A_132 : vector<16xi1>, vector<16xf32>
          %add3A_882 = arith.addf %add3A_840, %select_n3A_881 : vector<16xf32>
          %eq3A_883 = arith.cmpi eq, %add3A_82, %sub3A_843 : vector<16xi32>
          %select_n3A_884 = arith.select %eq3A_883, %get3A_855, %broadcast_in_dim3A_132 : vector<16xi1>, vector<16xf32>
          %add3A_885 = arith.addf %add3A_882, %select_n3A_884 : vector<16xf32>
          %eq3A_886 = arith.cmpi eq, %add3A_85, %sub3A_843 : vector<16xi32>
          %select_n3A_887 = arith.select %eq3A_886, %get3A_861, %broadcast_in_dim3A_132 : vector<16xi1>, vector<16xf32>
          %add3A_888 = arith.addf %add3A_885, %select_n3A_887 : vector<16xf32>
          %eq3A_889 = arith.cmpi eq, %add3A_88, %sub3A_843 : vector<16xi32>
          %select_n3A_890 = arith.select %eq3A_889, %get3A_867, %broadcast_in_dim3A_132 : vector<16xi1>, vector<16xf32>
          %add3A_891 = arith.addf %add3A_888, %select_n3A_890 : vector<16xf32>
          %sub3A_892 = arith.constant 64 : i32
          %sub3A_893 = vector.broadcast %sub3A_892 : i32 to vector<16xi32>
          %sub3A_894 = arith.subi %sub3A_843, %sub3A_893 : vector<16xi32>
          %get3A_895 = arith.constant 0 : i32
          %get3A_896 = tpu.memref_slice %arg9[%add3A_127, %get3A_895] : memref<32x1000xf32, #tpu.memory_space<vmem>> -> memref<1x1000xf32, #tpu.memory_space<vmem>>
          %get3A_897 = tpu.memref_squeeze %get3A_896 : memref<1x1000xf32, #tpu.memory_space<vmem>> -> memref<1000xf32, #tpu.memory_space<vmem>>
          %get3A_898 = arith.constant 960 : index
          %get3A_899 = tpu.vector_load %get3A_897[%get3A_898] {strides = array<i32>} : memref<1000xf32, #tpu.memory_space<vmem>>, vector<16xf32>,
          %get3A_900 = vector.shape_cast %get3A_899 : vector<16xf32> to vector<16xf32>
          %get3A_901 = arith.constant 0 : i32
          %get3A_902 = tpu.memref_slice %arg9[%add3A_127, %get3A_901] : memref<32x1000xf32, #tpu.memory_space<vmem>> -> memref<1x1000xf32, #tpu.memory_space<vmem>>
          %get3A_903 = tpu.memref_squeeze %get3A_902 : memref<1x1000xf32, #tpu.memory_space<vmem>> -> memref<1000xf32, #tpu.memory_space<vmem>>
          %get3A_904 = arith.constant 976 : index
          %get3A_905 = tpu.vector_load %get3A_903[%get3A_904] {strides = array<i32>} : memref<1000xf32, #tpu.memory_space<vmem>>, vector<16xf32>,
          %get3A_906 = vector.shape_cast %get3A_905 : vector<16xf32> to vector<16xf32>
          %get3A_907 = arith.constant 0 : i32
          %get3A_908 = tpu.memref_slice %arg9[%add3A_127, %get3A_907] : memref<32x1000xf32, #tpu.memory_space<vmem>> -> memref<1x1000xf32, #tpu.memory_space<vmem>>
          %get3A_909 = tpu.memref_squeeze %get3A_908 : memref<1x1000xf32, #tpu.memory_space<vmem>> -> memref<1000xf32, #tpu.memory_space<vmem>>
          %get3A_910 = arith.constant 984 : index
          %get3A_911 = tpu.vector_load %get3A_909[%get3A_910] {strides = array<i32>} : memref<1000xf32, #tpu.memory_space<vmem>>, vector<16xf32>,
          %get3A_912 = vector.shape_cast %get3A_911 : vector<16xf32> to vector<16xf32>
          %ge3A = arith.constant 8 : i32
          %ge3A_913 = vector.broadcast %ge3A : i32 to vector<16xi32>
          %ge3A_914 = arith.cmpi sge, %iota3A_79, %ge3A_913 : vector<16xi32>
          %select_n3A_915 = arith.select %ge3A_914, %get3A_912, %broadcast_in_dim3A_132 : vector<16xi1>, vector<16xf32>
          %max3A_916 = arith.maximumf %max3A_869, %max3A_871 : vector<16xf32>
          %max3A_917 = arith.maximumf %get3A_900, %get3A_906 : vector<16xf32>
          %max3A_918 = arith.maximumf %max3A_916, %max3A_917 : vector<16xf32>
          %select_n3A_919 = arith.select %ge3A_914, %get3A_912, %broadcast_in_dim3A_134 : vector<16xi1>, vector<16xf32>
          %max3A_920 = arith.maximumf %max3A_918, %select_n3A_919 : vector<16xf32>
          %add3A_921 = arith.addf %add3A_873, %add3A_875 : vector<16xf32>
          %add3A_922 = arith.addf %add3A_877, %add3A_879 : vector<16xf32>
          %add3A_923 = arith.addf %add3A_921, %add3A_922 : vector<16xf32>
          %exp3A_924 = math.exp %get3A_900 : vector<16xf32>
          %exp3A_925 = math.exp %get3A_906 : vector<16xf32>
          %add3A_926 = arith.addf %exp3A_924, %exp3A_925 : vector<16xf32>
          %add3A_927 = arith.addf %add3A_923, %add3A_926 : vector<16xf32>
          %exp3A_928 = math.exp %get3A_912 : vector<16xf32>
          %select_n3A_929 = arith.select %ge3A_914, %exp3A_928, %broadcast_in_dim3A_132 : vector<16xi1>, vector<16xf32>
          %add3A_930 = arith.addf %add3A_927, %select_n3A_929 : vector<16xf32>
          %eq3A_931 = arith.cmpi eq, %iota3A_79, %sub3A_894 : vector<16xi32>
          %select_n3A_932 = arith.select %eq3A_931, %get3A_900, %broadcast_in_dim3A_132 : vector<16xi1>, vector<16xf32>
          %add3A_933 = arith.addf %add3A_891, %select_n3A_932 : vector<16xf32>
          %eq3A_934 = arith.cmpi eq, %add3A_82, %sub3A_894 : vector<16xi32>
          %select_n3A_935 = arith.select %eq3A_934, %get3A_906, %broadcast_in_dim3A_132 : vector<16xi1>, vector<16xf32>
          %add3A_936 = arith.addf %add3A_933, %select_n3A_935 : vector<16xf32>
          %sub3A_937 = arith.constant 24 : i32
          %sub3A_938 = vector.broadcast %sub3A_937 : i32 to vector<16xi32>
          %sub3A_939 = arith.subi %sub3A_894, %sub3A_938 : vector<16xi32>
          %eq3A_940 = arith.cmpi eq, %iota3A_79, %sub3A_939 : vector<16xi32>
          %select_n3A_941 = arith.select %eq3A_940, %select_n3A_915, %broadcast_in_dim3A_132 : vector<16xi1>, vector<16xf32>
          %add3A_942 = arith.addf %add3A_936, %select_n3A_941 : vector<16xf32>
          %add3A_943 = arith.addi %mul3A_78, %add3A_127 : i32
          %mul3A_944 = arith.constant 16 : i32
          %mul3A_945 = arith.muli %add3A_943, %mul3A_944 : i32
          %swap3A = arith.index_cast %mul3A_945 : i32 to index
          %swap3A_946 = tpu.vector_load %arg10[%swap3A] {strides = array<i32>} : memref<4096xf32, #tpu.memory_space<vmem>>, vector<16xf32>,
          %swap3A_947 = vector.shape_cast %swap3A_946 : vector<16xf32> to vector<16xf32>
          %swap3A_948 = vector.shape_cast %max3A_920 : vector<16xf32> to vector<16xf32>
          tpu.vector_store %arg10[%swap3A], %swap3A_948 {strides = array<i32>} : memref<4096xf32, #tpu.memory_space<vmem>>, vector<16xf32>,
          %swap3A_949 = arith.index_cast %mul3A_945 : i32 to index
          %swap3A_950 = tpu.vector_load %arg11[%swap3A_949] {strides = array<i32>} : memref<4096xf32, #tpu.memory_space<vmem>>, vector<16xf32>,
          %swap3A_951 = vector.shape_cast %swap3A_950 : vector<16xf32> to vector<16xf32>
          %swap3A_952 = vector.shape_cast %add3A_930 : vector<16xf32> to vector<16xf32>
          tpu.vector_store %arg11[%swap3A_949], %swap3A_952 {strides = array<i32>} : memref<4096xf32, #tpu.memory_space<vmem>>, vector<16xf32>,
          %swap3A_953 = arith.index_cast %mul3A_945 : i32 to index
          %swap3A_954 = tpu.vector_load %arg12[%swap3A_953] {strides = array<i32>} : memref<4096xf32, #tpu.memory_space<vmem>>, vector<16xf32>,
          %swap3A_955 = vector.shape_cast %swap3A_954 : vector<16xf32> to vector<16xf32>
          %swap3A_956 = vector.shape_cast %add3A_942 : vector<16xf32> to vector<16xf32>
          tpu.vector_store %arg12[%swap3A_953], %swap3A_956 {strides = array<i32>} : memref<4096xf32, #tpu.memory_space<vmem>>, vector<16xf32>,
          %add3A_957 = arith.constant 1 : i32
          %add3A_958 = vector.broadcast %add3A_957 : i32 to vector<16xi32>
          %add3A_959 = arith.addi %scan3A_124, %add3A_958 : vector<16xi32>
          scf.yield %add3A_959 : vector<16xi32>
        }
        %scan3A_121 = arith.constant 16 : i32
        %scan3A_122 = arith.constant 0 : i32
        scf.yield %scan3A_122 : i32
      }
      %scan3A_95 = arith.constant 2 : i32
      %add3A_96 = arith.constant 3 : i32
      %add3A_97 = arith.addi %mul3A_37, %add3A_96 : i32
      %min3A_98 = arith.constant 7 : i32
      %min3A_99 = arith.minsi %add3A_97, %min3A_98 : i32
      %mul3A_100 = arith.constant 32 : i32
      %mul3A_101 = arith.muli %min3A_99, %mul3A_100 : i32
      %add3A_102 = arith.addi %mul3A_2, %mul3A_101 : i32
      %dma_start3A_103 = arith.constant 0 : i32
      %dma_start3A_104 = tpu.memref_slice %arg2[%add3A_102, %dma_start3A_103] : memref<16384x1000xf32, #tpu.memory_space<hbm>> -> memref<32x1000xf32, #tpu.memory_space<hbm>>
      %dma_start3A_105 = arith.constant 0 : i32
      %dma_start3A_106 = tpu.memref_slice %arg2[%add3A_102, %dma_start3A_105] : memref<16384x1000xf32, #tpu.memory_space<hbm>> -> memref<32x1000xf32, #tpu.memory_space<hbm>>
      tpu.enqueue_dma source(%dma_start3A_106 : memref<32x1000xf32, #tpu.memory_space<hbm>>) target(%arg9 : memref<32x1000xf32, #tpu.memory_space<vmem>>) target_semaphore(%arg14 : memref<!tpu.dma_semaphore, #tpu.memory_space<semaphore_mem>>)
      %scan3A_107 = arith.constant 0 : i32
      scf.yield %scan3A_107 : i32
    }
    %scan3A_26 = arith.constant 4 : i32
    %dma_wait3A = arith.constant 0 : i32
    %dma_wait3A_27 = tpu.memref_slice %arg2[%mul3A_2, %dma_wait3A] : memref<16384x1000xf32, #tpu.memory_space<hbm>> -> memref<32x1000xf32, #tpu.memory_space<hbm>>
    %dma_wait3A_28 = arith.constant 0 : i32
    %dma_wait3A_29 = tpu.memref_slice %arg2[%mul3A_2, %dma_wait3A_28] : memref<16384x1000xf32, #tpu.memory_space<hbm>> -> memref<32x1000xf32, #tpu.memory_space<hbm>>
    tpu.wait_dma2 semaphore(%arg13 : memref<!tpu.dma_semaphore, #tpu.memory_space<semaphore_mem>>) src(%dma_wait3A_29 : memref<32x1000xf32, #tpu.memory_space<hbm>>) dst(%arg8 : memref<32x1000xf32, #tpu.memory_space<vmem>>)
    %dma_wait3A_30 = arith.constant 0 : i32
    %dma_wait3A_31 = tpu.memref_slice %arg2[%mul3A_2, %dma_wait3A_30] : memref<16384x1000xf32, #tpu.memory_space<hbm>> -> memref<32x1000xf32, #tpu.memory_space<hbm>>
    %dma_wait3A_32 = arith.constant 0 : i32
    %dma_wait3A_33 = tpu.memref_slice %arg2[%mul3A_2, %dma_wait3A_32] : memref<16384x1000xf32, #tpu.memory_space<hbm>> -> memref<32x1000xf32, #tpu.memory_space<hbm>>
    tpu.wait_dma2 semaphore(%arg14 : memref<!tpu.dma_semaphore, #tpu.memory_space<semaphore_mem>>) src(%dma_wait3A_33 : memref<32x1000xf32, #tpu.memory_space<hbm>>) dst(%arg9 : memref<32x1000xf32, #tpu.memory_space<vmem>>)
    "tpu.region"() ({
      %run_scoped3A = tpu.sem_alloc : memref<!tpu.dma_semaphore, #tpu.memory_space<semaphore_mem>>
      %dma_start3A_34 = arith.constant 0 : i32
      %dma_start3A_35 = tpu.memref_slice %arg4[%add3A, %dma_start3A_34] : memref<32x4096xf32, #tpu.memory_space<hbm>> -> memref<1x4096xf32, #tpu.memory_space<hbm>>
      %dma_start3A_36 = tpu.memref_squeeze %dma_start3A_35 : memref<1x4096xf32, #tpu.memory_space<hbm>> -> memref<4096xf32, #tpu.memory_space<hbm>>
      %dma_start3A_37 = arith.constant 0 : i32
      %dma_start3A_38 = tpu.memref_slice %arg4[%add3A, %dma_start3A_37] : memref<32x4096xf32, #tpu.memory_space<hbm>> -> memref<1x4096xf32, #tpu.memory_space<hbm>>
      %dma_start3A_39 = tpu.memref_squeeze %dma_start3A_38 : memref<1x4096xf32, #tpu.memory_space<hbm>> -> memref<4096xf32, #tpu.memory_space<hbm>>
      tpu.enqueue_dma source(%arg10 : memref<4096xf32, #tpu.memory_space<vmem>>) target(%dma_start3A_39 : memref<4096xf32, #tpu.memory_space<hbm>>) target_semaphore(%run_scoped3A : memref<!tpu.dma_semaphore, #tpu.memory_space<semaphore_mem>>)
      %dma_wait3A_40 = arith.constant 0 : i32
      %dma_wait3A_41 = tpu.memref_slice %arg4[%add3A, %dma_wait3A_40] : memref<32x4096xf32, #tpu.memory_space<hbm>> -> memref<1x4096xf32, #tpu.memory_space<hbm>>
      %dma_wait3A_42 = tpu.memref_squeeze %dma_wait3A_41 : memref<1x4096xf32, #tpu.memory_space<hbm>> -> memref<4096xf32, #tpu.memory_space<hbm>>
      %dma_wait3A_43 = arith.constant 0 : i32
      %dma_wait3A_44 = tpu.memref_slice %arg4[%add3A, %dma_wait3A_43] : memref<32x4096xf32, #tpu.memory_space<hbm>> -> memref<1x4096xf32, #tpu.memory_space<hbm>>
      %dma_wait3A_45 = tpu.memref_squeeze %dma_wait3A_44 : memref<1x4096xf32, #tpu.memory_space<hbm>> -> memref<4096xf32, #tpu.memory_space<hbm>>
      tpu.wait_dma2 semaphore(%run_scoped3A : memref<!tpu.dma_semaphore, #tpu.memory_space<semaphore_mem>>) src(%arg10 : memref<4096xf32, #tpu.memory_space<vmem>>) dst(%dma_wait3A_45 : memref<4096xf32, #tpu.memory_space<hbm>>)
      tpu.yield
    }) : () -> ()
    "tpu.region"() ({
      %run_scoped3A = tpu.sem_alloc : memref<!tpu.dma_semaphore, #tpu.memory_space<semaphore_mem>>
      %dma_start3A_34 = arith.constant 0 : i32
      %dma_start3A_35 = tpu.memref_slice %arg5[%add3A, %dma_start3A_34] : memref<32x4096xf32, #tpu.memory_space<hbm>> -> memref<1x4096xf32, #tpu.memory_space<hbm>>
      %dma_start3A_36 = tpu.memref_squeeze %dma_start3A_35 : memref<1x4096xf32, #tpu.memory_space<hbm>> -> memref<4096xf32, #tpu.memory_space<hbm>>
      %dma_start3A_37 = arith.constant 0 : i32
      %dma_start3A_38 = tpu.memref_slice %arg5[%add3A, %dma_start3A_37] : memref<32x4096xf32, #tpu.memory_space<hbm>> -> memref<1x4096xf32, #tpu.memory_space<hbm>>
      %dma_start3A_39 = tpu.memref_squeeze %dma_start3A_38 : memref<1x4096xf32, #tpu.memory_space<hbm>> -> memref<4096xf32, #tpu.memory_space<hbm>>
      tpu.enqueue_dma source(%arg11 : memref<4096xf32, #tpu.memory_space<vmem>>) target(%dma_start3A_39 : memref<4096xf32, #tpu.memory_space<hbm>>) target_semaphore(%run_scoped3A : memref<!tpu.dma_semaphore, #tpu.memory_space<semaphore_mem>>)
      %dma_wait3A_40 = arith.constant 0 : i32
      %dma_wait3A_41 = tpu.memref_slice %arg5[%add3A, %dma_wait3A_40] : memref<32x4096xf32, #tpu.memory_space<hbm>> -> memref<1x4096xf32, #tpu.memory_space<hbm>>
      %dma_wait3A_42 = tpu.memref_squeeze %dma_wait3A_41 : memref<1x4096xf32, #tpu.memory_space<hbm>> -> memref<4096xf32, #tpu.memory_space<hbm>>
      %dma_wait3A_43 = arith.constant 0 : i32
      %dma_wait3A_44 = tpu.memref_slice %arg5[%add3A, %dma_wait3A_43] : memref<32x4096xf32, #tpu.memory_space<hbm>> -> memref<1x4096xf32, #tpu.memory_space<hbm>>
      %dma_wait3A_45 = tpu.memref_squeeze %dma_wait3A_44 : memref<1x4096xf32, #tpu.memory_space<hbm>> -> memref<4096xf32, #tpu.memory_space<hbm>>
      tpu.wait_dma2 semaphore(%run_scoped3A : memref<!tpu.dma_semaphore, #tpu.memory_space<semaphore_mem>>) src(%arg11 : memref<4096xf32, #tpu.memory_space<vmem>>) dst(%dma_wait3A_45 : memref<4096xf32, #tpu.memory_space<hbm>>)
      tpu.yield
    }) : () -> ()
    "tpu.region"() ({
      %run_scoped3A = tpu.sem_alloc : memref<!tpu.dma_semaphore, #tpu.memory_space<semaphore_mem>>
      %dma_start3A_34 = arith.constant 0 : i32
      %dma_start3A_35 = tpu.memref_slice %arg6[%add3A, %dma_start3A_34] : memref<32x4096xf32, #tpu.memory_space<hbm>> -> memref<1x4096xf32, #tpu.memory_space<hbm>>
      %dma_start3A_36 = tpu.memref_squeeze %dma_start3A_35 : memref<1x4096xf32, #tpu.memory_space<hbm>> -> memref<4096xf32, #tpu.memory_space<hbm>>
      %dma_start3A_37 = arith.constant 0 : i32
      %dma_start3A_38 = tpu.memref_slice %arg6[%add3A, %dma_start3A_37] : memref<32x4096xf32, #tpu.memory_space<hbm>> -> memref<1x4096xf32, #tpu.memory_space<hbm>>
      %dma_start3A_39 = tpu.memref_squeeze %dma_start3A_38 : memref<1x4096xf32, #tpu.memory_space<hbm>> -> memref<4096xf32, #tpu.memory_space<hbm>>
      tpu.enqueue_dma source(%arg12 : memref<4096xf32, #tpu.memory_space<vmem>>) target(%dma_start3A_39 : memref<4096xf32, #tpu.memory_space<hbm>>) target_semaphore(%run_scoped3A : memref<!tpu.dma_semaphore, #tpu.memory_space<semaphore_mem>>)
      %dma_wait3A_40 = arith.constant 0 : i32
      %dma_wait3A_41 = tpu.memref_slice %arg6[%add3A, %dma_wait3A_40] : memref<32x4096xf32, #tpu.memory_space<hbm>> -> memref<1x4096xf32, #tpu.memory_space<hbm>>
      %dma_wait3A_42 = tpu.memref_squeeze %dma_wait3A_41 : memref<1x4096xf32, #tpu.memory_space<hbm>> -> memref<4096xf32, #tpu.memory_space<hbm>>
      %dma_wait3A_43 = arith.constant 0 : i32
      %dma_wait3A_44 = tpu.memref_slice %arg6[%add3A, %dma_wait3A_43] : memref<32x4096xf32, #tpu.memory_space<hbm>> -> memref<1x4096xf32, #tpu.memory_space<hbm>>
      %dma_wait3A_45 = tpu.memref_squeeze %dma_wait3A_44 : memref<1x4096xf32, #tpu.memory_space<hbm>> -> memref<4096xf32, #tpu.memory_space<hbm>>
      tpu.wait_dma2 semaphore(%run_scoped3A : memref<!tpu.dma_semaphore, #tpu.memory_space<semaphore_mem>>) src(%arg12 : memref<4096xf32, #tpu.memory_space<vmem>>) dst(%dma_wait3A_45 : memref<4096xf32, #tpu.memory_space<hbm>>)
      tpu.yield
    }) : () -> ()
    return
  }
}

module attributes {stable_mosaic.version = 14 : i64} {
  func.func @_tc_body(%arg0: i32, %arg1: memref<2048x1000xf32, #tpu.memory_space<vmem>>, %arg2: memref<1x1x2048xi32, #tpu.memory_space<vmem>>, %arg3: memref<2xf32, #tpu.memory_space<smem>>, %arg4: memref<2xf32, #tpu.memory_space<smem>>) attributes {dimension_semantics = [#tpu.dimension_semantics<arbitrary>], iteration_bounds = array<i64: 4>, scalar_prefetch = 0 : i64, scratch_operands = 1 : i64, tpu.core_type = #tpu.core_type<tc>, window_params = [{transform_indices = @transform_0, window_bounds = array<i64: 2048, 1000>}, {transform_indices = @transform_1, window_bounds = array<i64: 1, 1, 2048>}, {transform_indices = @transform_2, window_bounds = array<i64: 2>}]} {
    %eq3A = arith.constant 0 : i32
    %eq3A_0 = arith.cmpi eq, %arg0, %eq3A : i32
    %convert_element_type3A = arith.extui %eq3A_0 : i1 to i32
    %cond3A = arith.constant 0 : i32
    %cond3A_1 = arith.cmpi ne, %convert_element_type3A, %cond3A : i32
    scf.if %cond3A_1 {
      %swap3A_43 = arith.constant 0.000000e+00 : f32
      %swap3A_44 = arith.constant 0 : index
      %swap3A_45 = memref.load %arg4[%swap3A_44] : memref<2xf32, #tpu.memory_space<smem>>
      memref.store %swap3A_43, %arg4[%swap3A_44] : memref<2xf32, #tpu.memory_space<smem>>
      %swap3A_46 = arith.constant 0.000000e+00 : f32
      %swap3A_47 = arith.constant 1 : index
      %swap3A_48 = memref.load %arg4[%swap3A_47] : memref<2xf32, #tpu.memory_space<smem>>
      memref.store %swap3A_46, %arg4[%swap3A_47] : memref<2xf32, #tpu.memory_space<smem>>
    } else {
    }
    %get3A = arith.constant 0 : index
    %get3A_2 = arith.constant 0 : index
    %get3A_3 = vector.load %arg1[%get3A, %get3A_2] : memref<2048x1000xf32, #tpu.memory_space<vmem>>, vector<2048x1000xf32>
    %get3A_4 = arith.constant 0 : index
    %get3A_5 = arith.constant 0 : index
    %get3A_6 = arith.constant 0 : index
    %get3A_7 = vector.load %arg2[%get3A_4, %get3A_5, %get3A_6] : memref<1x1x2048xi32, #tpu.memory_space<vmem>>, vector<1x1x2048xi32>
    %get3A_8 = vector.shape_cast %get3A_7 : vector<1x1x2048xi32> to vector<2048xi32>
    %reduce_max3A = arith.constant dense<0xFF800000> : vector<2048xf32>
    %reduce_max3A_9 = vector.multi_reduction <maximumf>, %get3A_3, %reduce_max3A [1] : vector<2048x1000xf32> to vector<2048xf32>
    %exp3A = math.exp %get3A_3 : vector<2048x1000xf32>
    %reduce_sum3A = arith.constant dense<0.000000e+00> : vector<2048xf32>
    %reduce_sum3A_10 = vector.multi_reduction <add>, %exp3A, %reduce_sum3A [1] : vector<2048x1000xf32> to vector<2048xf32>
    %iota3A = tpu.iota {dimensions = array<i32: 1>} : vector<2048x1000xi32>
    %broadcast_in_dim3A = vector.shape_cast %get3A_8 : vector<2048xi32> to vector<2048x1xi32>
    %eq3A_11 = vector.broadcast %broadcast_in_dim3A : vector<2048x1xi32> to vector<2048x1000xi32>
    %eq3A_12 = arith.cmpi eq, %iota3A, %eq3A_11 : vector<2048x1000xi32>
    %jit3A = arith.constant 0.000000e+00 : f32
    %broadcast_in_dim3A_13 = vector.broadcast %jit3A : f32 to vector<2048x1000xf32>
    %select_n3A = arith.select %eq3A_12, %get3A_3, %broadcast_in_dim3A_13 : vector<2048x1000xi1>, vector<2048x1000xf32>
    %reduce_sum3A_14 = arith.constant dense<0.000000e+00> : vector<2048xf32>
    %reduce_sum3A_15 = vector.multi_reduction <add>, %select_n3A, %reduce_sum3A_14 [1] : vector<2048x1000xf32> to vector<2048xf32>
    %exp3A_16 = math.exp %reduce_max3A_9 : vector<2048xf32>
    %div3A = arith.divf %exp3A_16, %reduce_sum3A_10 : vector<2048xf32>
    %eq3A_17 = arith.cmpf oeq, %reduce_sum3A_15, %reduce_max3A_9 : vector<2048xf32>
    %convert_element_type3A_18 = arith.extui %eq3A_17 : vector<2048xi1> to vector<2048xi32>
    %convert_element_type3A_19 = arith.sitofp %convert_element_type3A_18 : vector<2048xi32> to vector<2048xf32>
    %get3A_20 = arith.constant 0 : index
    %get3A_21 = memref.load %arg4[%get3A_20] : memref<2xf32, #tpu.memory_space<smem>>
    %reduce_sum3A_22 = vector.shape_cast %div3A : vector<2048xf32> to vector<1x2048xf32>
    %reduce_sum3A_23 = arith.constant dense<0.000000e+00> : vector<1xf32>
    %reduce_sum3A_24 = vector.multi_reduction <add>, %reduce_sum3A_22, %reduce_sum3A_23 [1] : vector<1x2048xf32> to vector<1xf32>
    %reduce_sum3A_25 = vector.shape_cast %reduce_sum3A_24 : vector<1xf32> to vector<1x1xf32>
    %reduce_sum3A_26 = vector.extract %reduce_sum3A_25[0, 0] : f32 from vector<1x1xf32>
    %add3A = arith.addf %get3A_21, %reduce_sum3A_26 : f32
    %swap3A = arith.constant 0 : index
    %swap3A_27 = memref.load %arg4[%swap3A] : memref<2xf32, #tpu.memory_space<smem>>
    memref.store %add3A, %arg4[%swap3A] : memref<2xf32, #tpu.memory_space<smem>>
    %get3A_28 = arith.constant 1 : index
    %get3A_29 = memref.load %arg4[%get3A_28] : memref<2xf32, #tpu.memory_space<smem>>
    %reduce_sum3A_30 = vector.shape_cast %convert_element_type3A_19 : vector<2048xf32> to vector<1x2048xf32>
    %reduce_sum3A_31 = arith.constant dense<0.000000e+00> : vector<1xf32>
    %reduce_sum3A_32 = vector.multi_reduction <add>, %reduce_sum3A_30, %reduce_sum3A_31 [1] : vector<1x2048xf32> to vector<1xf32>
    %reduce_sum3A_33 = vector.shape_cast %reduce_sum3A_32 : vector<1xf32> to vector<1x1xf32>
    %reduce_sum3A_34 = vector.extract %reduce_sum3A_33[0, 0] : f32 from vector<1x1xf32>
    %add3A_35 = arith.addf %get3A_29, %reduce_sum3A_34 : f32
    %swap3A_36 = arith.constant 1 : index
    %swap3A_37 = memref.load %arg4[%swap3A_36] : memref<2xf32, #tpu.memory_space<smem>>
    memref.store %add3A_35, %arg4[%swap3A_36] : memref<2xf32, #tpu.memory_space<smem>>
    %eq3A_38 = arith.constant 3 : i32
    %eq3A_39 = arith.cmpi eq, %arg0, %eq3A_38 : i32
    %convert_element_type3A_40 = arith.extui %eq3A_39 : i1 to i32
    %cond3A_41 = arith.constant 0 : i32
    %cond3A_42 = arith.cmpi ne, %convert_element_type3A_40, %cond3A_41 : i32
    scf.if %cond3A_42 {
      %get3A_43 = arith.constant 0 : index
      %get3A_44 = memref.load %arg4[%get3A_43] : memref<2xf32, #tpu.memory_space<smem>>
      %swap3A_45 = arith.constant 0 : index
      %swap3A_46 = memref.load %arg3[%swap3A_45] : memref<2xf32, #tpu.memory_space<smem>>
      memref.store %get3A_44, %arg3[%swap3A_45] : memref<2xf32, #tpu.memory_space<smem>>
      %get3A_47 = arith.constant 1 : index
      %get3A_48 = memref.load %arg4[%get3A_47] : memref<2xf32, #tpu.memory_space<smem>>
      %swap3A_49 = arith.constant 1 : index
      %swap3A_50 = memref.load %arg3[%swap3A_49] : memref<2xf32, #tpu.memory_space<smem>>
      memref.store %get3A_48, %arg3[%swap3A_49] : memref<2xf32, #tpu.memory_space<smem>>
    } else {
    }
    return
  }
  func.func @transform_0(%arg0: i32) -> (i32, i32) {
    %add3A = arith.constant 4 : i32
    %add3A_0 = arith.addi %arg0, %add3A : i32
    %c0_i32 = arith.constant 0 : i32
    %c0_i32_1 = arith.constant 0 : i32
    return %add3A_0, %c0_i32 : i32, i32
  }
  func.func @transform_1(%arg0: i32) -> (i32, i32, i32) {
    %add3A = arith.constant 4 : i32
    %add3A_0 = arith.addi %arg0, %add3A : i32
    %c0_i32 = arith.constant 0 : i32
    %c0_i32_1 = arith.constant 0 : i32
    %c0_i32_2 = arith.constant 0 : i32
    return %add3A_0, %c0_i32, %c0_i32_1 : i32, i32, i32
  }
  func.func @transform_2(%arg0: i32) -> i32 {
    %c0_i32 = arith.constant 0 : i32
    %c0_i32_0 = arith.constant 0 : i32
    return %c0_i32 : i32
  }
}

module attributes {stable_mosaic.version = 14 : i64} {
  func.func @_final_body(%arg0: memref<8192x16xf32, #tpu.memory_space<vmem>>, %arg1: memref<8192x16xf32, #tpu.memory_space<vmem>>, %arg2: memref<8192x16xf32, #tpu.memory_space<vmem>>, %arg3: memref<2xf32, #tpu.memory_space<smem>>, %arg4: memref<1xf32, #tpu.memory_space<smem>>) attributes {dimension_semantics = [], scalar_prefetch = 0 : i64, scratch_operands = 0 : i64, tpu.core_type = #tpu.core_type<tc>} {
    %get3A = arith.constant 0 : index
    %get3A_0 = arith.constant 0 : index
    %get3A_1 = vector.load %arg0[%get3A, %get3A_0] : memref<8192x16xf32, #tpu.memory_space<vmem>>, vector<8192x16xf32>
    %get3A_2 = arith.constant 0 : index
    %get3A_3 = arith.constant 0 : index
    %get3A_4 = vector.load %arg1[%get3A_2, %get3A_3] : memref<8192x16xf32, #tpu.memory_space<vmem>>, vector<8192x16xf32>
    %get3A_5 = arith.constant 0 : index
    %get3A_6 = arith.constant 0 : index
    %get3A_7 = vector.load %arg2[%get3A_5, %get3A_6] : memref<8192x16xf32, #tpu.memory_space<vmem>>, vector<8192x16xf32>
    %reduce_max3A = arith.constant dense<0xFF800000> : vector<8192xf32>
    %reduce_max3A_8 = vector.multi_reduction <maximumf>, %get3A_1, %reduce_max3A [1] : vector<8192x16xf32> to vector<8192xf32>
    %reduce_sum3A = arith.constant dense<0.000000e+00> : vector<8192xf32>
    %reduce_sum3A_9 = vector.multi_reduction <add>, %get3A_4, %reduce_sum3A [1] : vector<8192x16xf32> to vector<8192xf32>
    %reduce_sum3A_10 = arith.constant dense<0.000000e+00> : vector<8192xf32>
    %reduce_sum3A_11 = vector.multi_reduction <add>, %get3A_7, %reduce_sum3A_10 [1] : vector<8192x16xf32> to vector<8192xf32>
    %exp3A = math.exp %reduce_max3A_8 : vector<8192xf32>
    %div3A = arith.divf %exp3A, %reduce_sum3A_9 : vector<8192xf32>
    %reduce_sum3A_12 = vector.shape_cast %div3A : vector<8192xf32> to vector<1x8192xf32>
    %reduce_sum3A_13 = arith.constant dense<0.000000e+00> : vector<1xf32>
    %reduce_sum3A_14 = vector.multi_reduction <add>, %reduce_sum3A_12, %reduce_sum3A_13 [1] : vector<1x8192xf32> to vector<1xf32>
    %reduce_sum3A_15 = vector.shape_cast %reduce_sum3A_14 : vector<1xf32> to vector<1x1xf32>
    %reduce_sum3A_16 = vector.extract %reduce_sum3A_15[0, 0] : f32 from vector<1x1xf32>
    %get3A_17 = arith.constant 0 : index
    %get3A_18 = memref.load %arg3[%get3A_17] : memref<2xf32, #tpu.memory_space<smem>>
    %add3A = arith.addf %reduce_sum3A_16, %get3A_18 : f32
    %eq3A = arith.cmpf oeq, %reduce_sum3A_11, %reduce_max3A_8 : vector<8192xf32>
    %convert_element_type3A = arith.extui %eq3A : vector<8192xi1> to vector<8192xi32>
    %convert_element_type3A_19 = arith.sitofp %convert_element_type3A : vector<8192xi32> to vector<8192xf32>
    %reduce_sum3A_20 = vector.shape_cast %convert_element_type3A_19 : vector<8192xf32> to vector<1x8192xf32>
    %reduce_sum3A_21 = arith.constant dense<0.000000e+00> : vector<1xf32>
    %reduce_sum3A_22 = vector.multi_reduction <add>, %reduce_sum3A_20, %reduce_sum3A_21 [1] : vector<1x8192xf32> to vector<1xf32>
    %reduce_sum3A_23 = vector.shape_cast %reduce_sum3A_22 : vector<1xf32> to vector<1x1xf32>
    %reduce_sum3A_24 = vector.extract %reduce_sum3A_23[0, 0] : f32 from vector<1x1xf32>
    %get3A_25 = arith.constant 1 : index
    %get3A_26 = memref.load %arg3[%get3A_25] : memref<2xf32, #tpu.memory_space<smem>>
    %add3A_27 = arith.addf %reduce_sum3A_24, %get3A_26 : f32
    %mul3A = arith.constant 6.10351563E-5 : f32
    %mul3A_28 = arith.mulf %add3A_27, %mul3A : f32
    %mul3A_29 = arith.constant 6.10351563E-5 : f32
    %mul3A_30 = arith.mulf %add3A, %mul3A_29 : f32
    %sub3A = arith.subf %mul3A_28, %mul3A_30 : f32
    %abs3A = math.absf %sub3A : f32
    %swap3A = arith.constant 0 : index
    %swap3A_31 = memref.load %arg4[%swap3A] : memref<1xf32, #tpu.memory_space<smem>>
    memref.store %abs3A, %arg4[%swap3A] : memref<1xf32, #tpu.memory_space<smem>>
    return
  }
}

</mosaic_0001>

<sc_bundles>
// kernel: kernel.5.cloned.1.call-start
scs
__scs_entry_jumppad:
0x0: {  	(pc) =	sbr.rel $0x88, $3  }
0x1: {  	(tag) =	ssettag $0x0;
	lr =	simm.s32 $0x1  }
0x2: {  	[smem:$0x3F9F] =	sst lr;
	_ =	strace $0xD0000000  }
0x3: {  	_ = 	snop  }
0x4: {  	_ = 	snop  }
0x5: {  	_ = 	snop  }
0x6: {  	_ = 	snop  }
0x7: {  	_ = 	snop  }
__scs_overlays_trampoline_lowered:
0x8: {  	[smem:$0x3FAE] =	sst s0  }
0x9: {  	[smem:$0x3FAF] =	sst s1  }
0xa: {  	[smem:$0x3FB0] =	sst s2  }
0xb: {  	[smem:$0x3FB1] =	sst s3  }
0xc: {  	[smem:$0x3FB2] =	sst s4  }
0xd: {  	[smem:$0x3FB3] =	sst s5  }
0xe: {  	[smem:$0x3FB4] =	sst s6  }
0xf: {  	[smem:$0x3FB5] =	sst s7  }
0x10: {  	[smem:$0x3FB6] =	sst s8  }
0x11: {  	[smem:$0x3FB7] =	sst s9;
	s0 =	simm.s32 @!p0 $0x0  }
0x12: {  	s1 =	sld [smem:$0x3F9D];
	s0 =	simm.s32 @p0 $0x1  }
0x13: {  	[smem:$0x3FB8] =	sst s0;
	s0 =	simm.s32 @!p1 $0x0  }
0x14: {  	s2 =	sld [smem:$0x3F9C];
	s0 =	simm.s32 @p1 $0x1  }
0x15: {  	[smem:$0x3FB9] =	sst s0;
	s0 =	simm.s32 @!p2 $0x0  }
0x16: {  	s3 =	sld [smem:$0x3FDB];
	s0 =	simm.s32 @p2 $0x1  }
0x17: {  	s4 =	simm.s32 $0x1BF5;
	[smem:$0x3FBB] =	sst s0  }
0x18: {  	s0 =	sld [smem:$0x3F9E];
	_ =	swait.ge [sflag:s4], $0x0  }
0x19: {  	s7 =	sld [smem:$0x3F9F]  }
0x1a: {  	s8 =	sadd.s32 $0xFFFFE003, lr  }
0x1b: {  	s9 =	sadd.s32 $0xFFFFFEF7, lr;
	s5 =	simm.s32 $0xFFFFFFFF;
	p2 =	slt.u32 s8, $0xFFFFF086  }
0x1c: {  	p1 =	slt.u32 s9, $0xF7A;
	s5 =	simm.s32 @!p2 $0x0  }
0x1d: {  	s5 =	simm.s32 @p1 $0x1;
	p0 =	seq.s32 s7, s2  }
0x1e: {  	s7 =	smul.u32 @!p0 $0xF7A, s2;
	p2 =	seq.s32 @!p0 s5, $0x0  }
0x1f: {  	s9 =	smul.u32 $0xF7A, s1;
	s8 =	simm.s32 @!p0 $0x1BF5;
	p2 =	por !p2, p0  }
0x20: {  	[sflag:s8] =	ssyncset.s32 @!p0 $0xFFFFF086;
	s6 =	sadd.s32 @!p0 s3, s7;
	s7 =	simm.s32 @!p0 $0x108  }
0x21: {  	s3 =	sadd.s32 s3, s9;
	s6 =	sadd.s32 @!p0 $0x88, s6;
	s7 =	simm.s32 @p2 $0x1082  }
0x22: {  	[simem:s7], [sflag:s8] =	dma.local @!p0 [hbm:s6], $0xF7A  }
0x23: {  	s9 =	sor.u32 $0xD0000000, s2;
	s6 =	simm.s32 $0x108;
	_ =	swait.ge @!p0 [sflag:s8], $0x0  }
0x24: {  	s3 =	sadd.s32 $0x88, s3;
	s6 =	simm.s32 @!p1 $0x1082;
	[sflag:s4] =	ssyncset.s32 $0xFFFFF086  }
0x25: {  	[simem:s6], [sflag:s4] =	dma.local [hbm:s3], $0xF7A  }
0x26: {  	[smem:$0x3F9F] =	sst s1;
	(tag) =	ssettag s2;
	_ =	strace s9  }
0x27: {  	s1 =	sld [smem:$0x3FAF]  }
0x28: {  	s2 =	sld [smem:$0x3FB0]  }
0x29: {  	s4 =	sld [smem:$0x3FB2]  }
0x2a: {  	p0 =	seq.s32 s5, $0x0;
	s5 =	sld [smem:$0x3FB3]  }
0x2b: {  	s6 =	sld [smem:$0x3FB4]  }
0x2c: {  	s7 =	sld [smem:$0x3FB5]  }
0x2d: {  	s3 =	simm.s32 $0x108;
	s8 =	sld [smem:$0x3FB6]  }
0x2e: {  	s3 =	simm.s32 @!p0 $0x1082;
	s9 =	sld [smem:$0x3FB7]  }
0x2f: {  	lr =	sadd.s32 s0, s3;
	s0 =	sld [smem:$0x3FAE]  }
0x30: {  	s3 =	sld [smem:$0x3FB1]  }
0x31: {  	[smem:$0x3FBA] =	sst s10  }
0x32: {  	s10 =	sld [smem:$0x3FB8];
	_ =	sdelay $0x3  }
0x33: {  	p0 =	seq.s32 s10, $0x1;
	s10 =	sld [smem:$0x3FBA];
	_ =	sdelay $0x3  }
0x34: {  	[smem:$0x3FBA] =	sst s10  }
0x35: {  	s10 =	sld [smem:$0x3FB9];
	_ =	sdelay $0x3  }
0x36: {  	p1 =	seq.s32 s10, $0x1;
	s10 =	sld [smem:$0x3FBA];
	_ =	sdelay $0x3  }
0x37: {  	[smem:$0x3FBA] =	sst s10  }
0x38: {  	s10 =	sld [smem:$0x3FBB]  }
0x39: {  	_ = 	snop;
	(pc) =	sbr.ind lr, $3  }
0x3a: {  	_ = 	snop  }
0x3b: {  	_ = 	snop  }
0x3c: {  	p2 =	seq.s32 s10, $0x1;
	s10 =	sld [smem:$0x3FBA]  }
0x3d: {  	_ =	shalt  }
0x3e: {  	_ =	shalt  }
0x3f: {  	_ =	shalt  }
0x40: {  	_ =	shalt  }
0x41: {  	_ =	shalt  }
0x42: {  	_ =	shalt  }
0x43: {  	_ =	shalt  }
0x44: {  	_ =	shalt  }
0x45: {  	_ =	shalt  }
0x46: {  	_ =	shalt  }
0x47: {  	_ =	shalt  }
0x48: {  	_ =	shalt  }
0x49: {  	_ =	shalt  }
0x4a: {  	_ =	shalt  }
0x4b: {  	_ =	shalt  }
0x4c: {  	_ =	shalt  }
0x4d: {  	_ =	shalt  }
0x4e: {  	_ =	shalt  }
0x4f: {  	_ =	shalt  }
0x50: {  	_ =	shalt  }
0x51: {  	_ =	shalt  }
0x52: {  	_ =	shalt  }
0x53: {  	_ =	shalt  }
0x54: {  	_ =	shalt  }
0x55: {  	_ =	shalt  }
0x56: {  	_ =	shalt  }
0x57: {  	_ =	shalt  }
0x58: {  	_ =	shalt  }
0x59: {  	_ =	shalt  }
0x5a: {  	_ =	shalt  }
0x5b: {  	_ =	shalt  }
0x5c: {  	_ =	shalt  }
0x5d: {  	_ =	shalt  }
0x5e: {  	_ =	shalt  }
0x5f: {  	_ =	shalt  }
0x60: {  	_ =	shalt  }
0x61: {  	_ =	shalt  }
0x62: {  	_ =	shalt  }
0x63: {  	_ =	shalt  }
0x64: {  	_ =	shalt  }
0x65: {  	_ =	shalt  }
0x66: {  	_ =	shalt  }
0x67: {  	_ =	shalt  }
0x68: {  	_ =	shalt  }
0x69: {  	_ =	shalt  }
0x6a: {  	_ =	shalt  }
0x6b: {  	_ =	shalt  }
0x6c: {  	_ =	shalt  }
0x6d: {  	_ =	shalt  }
0x6e: {  	_ =	shalt  }
0x6f: {  	_ =	shalt  }
0x70: {  	_ =	shalt  }
0x71: {  	_ =	shalt  }
0x72: {  	_ =	shalt  }
0x73: {  	_ =	shalt  }
0x74: {  	_ =	shalt  }
0x75: {  	_ =	shalt  }
0x76: {  	_ =	shalt  }
0x77: {  	_ =	shalt  }
0x78: {  	_ =	shalt  }
0x79: {  	_ =	shalt  }
0x7a: {  	_ =	shalt  }
0x7b: {  	_ =	shalt  }
0x7c: {  	_ =	shalt  }
0x7d: {  	_ =	shalt  }
0x7e: {  	_ =	shalt  }
0x7f: {  	_ =	shalt  }
0x80: {  	_ =	shalt  }
0x81: {  	_ =	shalt  }
0x82: {  	_ =	shalt  }
0x83: {  	_ =	shalt  }
0x84: {  	_ =	shalt  }
0x85: {  	_ =	shalt  }
0x86: {  	_ =	shalt  }
0x87: {  	_ =	shalt  }
.Lfunc_end0:
.L_simem_size_0:
called_computation_lowered:
.L_overlay_start_0:
0x88: {  	s2 =	sld [smem:$0x3FD9]  }
0x89: {  	s3 =	sld [smem:$0x3FFE];
	_ =	sdelay $0x1  }
0x8a: {  	s1 =	srdreg.scid  }
0x8b: {  	s0 =	sand.u32 $0x1, s1  }
0x8c: {  	s17 =	sshll.u32 s0, $0xA;
	s2 =	sadd.s32 s3, s2  }
0x8d: {  	s2 =	sadd.s32 s2, s17  }
0x8e: {  	[smem:$0x3FC6] =	sst s2  }
0x8f: {  	_ = 	snop  }
0x90: {  	s2 =	sld [smem:$0x3FC8];
	(tm) =	ssettm $0x1  }
0x91: {  	s18 =	sld [smem:$0x3FFB];
	_ =	sdelay $0x3  }
0x92: {  	_ =	strace s18  }
0x93: {  	s3 =	sld [smem:$0x3FFC];
	_ =	sdelay $0x3  }
0x94: {  	_ =	strace s3  }
0x95: {  	s3 =	sld [smem:$0x3FFD];
	_ =	sdelay $0x3  }
0x96: {  	_ =	strace s3  }
0x97: {  	_ =	strace $0x8FFFFFFF  }
0x98: {  	s19 =	sld [smem:$0x3FDB];
	_ =	sdelay $0x1  }
0x99: {  	s4 =	simm.s32 $_scs_section_size  }
0x9a: {  	s5 =	simm.s32 $_size__tile_overlayer_lowered;
	s6 =	simm.s32 $_tile_overlayer_lowered  }
0x9b: {  	s22 =	simm.s32 $0x1BFF;
	s21 =	sshll.u32 s6, $0x1;
	s3 =	sadd.s32 s4, s19  }
0x9c: {  	s7 =	simm.s32 $0x0;
	s20 =	sshll.u32 s5, $0x1;
	s5 =	sadd.s32 s21, s3  }
0x9d: {  	[timem:s7], [sflag:s22] =	dma.local [hbm:s5], s20  }
0x9e: {  	_ =	swait.ge [sflag:s22], s20  }
0x9f: {  	s4 =	ssub.s32 $0x0, s20;
	[sflag:s22] =	ssyncset.done $0x0  }
0xa0: {  	[sflag:s22] =	ssyncadd.s32 s4;
	_ =	sdelay $0x1  }
0xa1: {  	s23 =	simm.s32 $0x1B8B  }
0xa2: {  	_ =	swait.ge [sflag:s23], $0x1  }
0xa3: {  	[sflag:s23] =	ssyncset.done $0x0  }
0xa4: {  	s25 =	simm.s32 $0x1B8E;
	s24 =	sld [smem:$0x3FFE];
	[sflag:s23] =	ssyncadd.s32 $0xFFFFFFFF  }
0xa5: {  	s26 =	simm.s32 $execute0_lowered;
	[smem:$0x3FD2] =	sst s25  }
0xa6: {  	s5 =	sshll.u32 s26, $0x1;
	_ =	strace $0x80000046;
	[dreg:$0x1] =	wrdreg $0xFFFFFFFF  }
0xa7: {  	s28 =	simm.s32 $_size_execute0_lowered;
	s3 =	sadd.s32 s3, s5;
	[dreg:$0x0] =	wrdreg $0x0  }
0xa8: {  	s5 =	sshll.u32 s28, $0x1;
	[dreg:$0x2] =	wrdreg s3  }
0xa9: {  	[dreg:$0x3] =	wrdreg s5  }
0xaa: {  	[dreg:$0x4] =	wrdreg $0xC0  }
0xab: {  	_ =	task [dreg:s7], $0x5FFFF  }
0xac: {  	[dreg:$0x1] =	wrdreg $0xFFFFFFFF  }
0xad: {  	[dreg:$0x0] =	wrdreg $0x60  }
0xae: {  	[dreg:$0x2] =	wrdreg s24  }
0xaf: {  	[dreg:$0x3] =	wrdreg s2  }
0xb0: {  	[dreg:$0x4] =	wrdreg $0x9  }
0xb1: {  	_ =	task.clear_ibuf [dreg:s7], $0x5FFFF;
	_ =	strace $0x90000046  }
0xb2: {  	s29 =	simm.s32 $0x9;
	_ =	strace $0x80000048  }
0xb3: {  	_ =	swait.ge [sflag:s29], $0x1  }
0xb4: {  	[sflag:s29] =	ssyncadd.s32 $0xFFFFFFFF  }
0xb5: {  	_ =	strace $0x90000048  }
0xb6: {  	_ =	sfence  }
0xb7: {  	s30 =	sld [smem:$0x0];
	_ =	sdelay $0x2  }
0xb8: {  	s31 =	sshll.u32 s1, $0xD;
	s1 =	sshrl.u32 s1, $0x2  }
0xb9: {  	s3 =	sand.u32 $0x4000, s31;
	s1 =	sadd.s32 s1, s30  }
0xba: {  	s0 =	sor.u32 s3, s0;
	s1 =	sshll.u32 s1, $0x11  }
0xbb: {  	s0 =	sor.u32 s1, s0  }
0xbc: {  	s0 =	sadd.s32 $0x8F2B, s0  }
0xbd: {  	[sflag:s0] =	ssyncadd.remote.s32 $0x1  }
0xbe: {  	_ =	sfence.sel $0xFFFF  }
0xbf: {  	[dreg:$0x0] =	wrdreg $0xFFFFFFFF;
	(pc) =	sbr.abs _section_cstart, $3  }
0xc0: {  	[dreg:$0x1] =	wrdreg $0xFFFFFFFF  }
0xc1: {  	_ =	task.clear_ibuf [dreg:s7], $0x2FFFF;
	_ =	strace $0x9FFFFFFF  }
0xc2: {  	(tm) =	ssettm $0x7FFFFFFF  }
0xc3: {  	_ =	shalt  }
tec
execute0_lowered:
.L_overlay_start_1:
0x0: {  	(tag) =	ssettag $0x1  }
0x1: {  	s0 =	rddreg [dreg:$0x0];
	s1 =	srdreg.scid  }
0x2: {  	s4 =	stileid.u32;
	s8 =	rddreg [dreg:$0x1]  }
0x3: {  	s2 =	simm.s32 $0x0;
	s12 =	simm.s32 $0x3;
	s13 =	simm.s32 $0x100  }
0x4: {  	s14 =	simm.s32 $0x8100;
	s15 =	simm.s32 $0x1;
	s16 =	simm.s32 $0x2  }
0x5: {  	s17 =	simm.s32 $0x80;
	s18 =	simm.s32 $0x400;
	s20 =	simm.s32 $0x11100  }
0x6: {  	s21 =	simm.s32 $0x12100;
	s22 =	simm.s32 $0x0;
	s1 =	sand.u32 $0x1, s1  }
0x7: {  	s3 =	sshll.u32 s4, $0x1;
	[smem:$0x7FF] =	sst s2;
	s4 =	sshll.u32 s4, $0xA  }
0x8: {  	v0 =	vimm.s32 $0xFEDCBA98;
	s3 =	sor.u32 s1, s3;
	_ =	strace $0x80000047;
	s1 =	ssub.s32 $0x2, s1  }
0x9: {  	v1 =	vimm.s32 $0x76543210;
	v2 =	vunpack.c.l.s4.s8 v0;
	s5 =	sshll.u32 s3, $0x4;
	s31 =	sshll.u32 s3, $0xF;
	s6 =	sshrl.u32 s1, $0x1  }
0xa: {  	v3 =	vunpack.c.l.s4.s8 v1;
	s9 =	sshll.u32 s3, $0x5;
	s4 =	sor.u32 s4, s5;
	s7 =	sadd.s32 s31, s0  }
0xb: {  	v4 =	vunpack.c.0.s8.s32 v2;
	s1 =	ssub.s32 s1, s6;
	s8 =	sadd.s32 s8, s9;
	s4 =	sand.u32 $0x3070, s4  }
0xc: {  	vm0 =	vmmov $0xff;
	v0 =	vlaneseq.u32;
	v5 =	vunpack.c.0.s8.s32 v3;
	s3 =	sadd.s32 $0xE00, s7;
	s5 =	sadd.s32 $0x2E00, s7;
	s0 =	sadd.s32 s4, s0  }
0xd: {  	v1 =	vor.u32 $0x10, v0;
	v2 =	vor.u32 $0x20, v0;
	s6 =	sadd.s32 $0x3E00, s7;
	v4 =	vand.u32 $0xF, v4;
	s4 =	sadd.s32 $0x1E00, s7;
	s7 =	sadd.s32 $0x200E00, s0  }
0xe: {  	v3 =	vor.u32 $0x30, v0;
	s11 =	smax.u32 s1, $0x1;
	v4 =	vcombine.low v4, v5;
	v5 =	vadd.s32 $0x3D8, v0;
	s9 =	sadd.s32 $0x204E00, s0;
	s10 =	sadd.s32 $0x208E00, s0  }
.LBB2_1:
0xf: {  	[tilespmem:s2], [sflag:$0x3] =	stream.linear.gather [hbm4b:s8+s2], $0x100, $0x38;
	[tilespmem:$0x13100] =	vst v63  }
0x10: {  	_ =	swait.ge [sflag:s12], $0x100  }
0x11: {  	[sflag:s12] =	ssyncset.done $0x0  }
0x12: {  	[sflag:s12] =	ssyncadd.s32 $0xFFFFFF00  }
0x13: {  	[tilespmem:s13], [sflag:$0x1] =	stream.linear.gather [hbm4b:s3+s2], $0x8000, $0x38;
	[tilespmem:$0x13100] =	vst v63  }
0x14: {  	s23 =	simm.s32 $0x20;
	s24 =	simm.s32 $0x0;
	s25 =	simm.s32 $0x0  }
0x15: {  	[tilespmem:s14], [sflag:$0x2] =	stream.linear.gather [hbm4b:s4+s2], $0x8000, $0x38;
	[tilespmem:$0x13100] =	vst v63  }
.LBB2_2:
0x16: {  	_ =	swait.ge [sflag:s15], $0x8000  }
0x17: {  	s26 =	sshll.u32 s25, $0x6;
	[sflag:s15] =	ssyncset.done $0x0  }
0x18: {  	s0 =	simm.s32 $0x0;
	p1 =	por $0x1, $0x1;
	v6 =	vmov s26;
	[sflag:s15] =	ssyncadd.s32 $0xFFFF8000  }
.LBB2_3:
0x19: {  	_ =	sdelay $0x3  }
0x1a: {  	v7 =	vld.idx.msk [tilespmem:v6+s0+$0x0 ss:$0x1], $0xffff  }
0x1b: {  	s1 =	sadd.s32 s0, s24  }
0x1c: {  	s1 =	sshll.u32 s1, $0x4  }
0x1d: {  	s1 =	sand.u32 $0x3FFFFFF0, s1  }
0x1e: {  	p0 =	por p1, p1;
	s31 =	sshll.u32 s0, $0xA;
	s28 =	sadd.s32 $0x10100, s1  }
0x1f: {  	v8 =	vimm.s32 $0x0;
	s29 =	sadd.s32 $0x11100, s1;
	s30 =	sadd.s32 $0x12100, s1;
	s1 =	simm.s32 $0x0;
	v7 =	vcvt.s32.f32 v7  }
.LBB2_4:
0x20: {  	s0 =	sand.u32 $0x6000, s31;
	s19 =	sand.u32 $0x380, s1  }
0x21: {  	s0 =	sor.u32 s19, s0  }
0x22: {  	v10 =	vld [tilespmem:s0+$0x100]  }
0x23: {  	v11 =	vld [tilespmem:s0+$0x110]  }
0x24: {  	v12 =	vld [tilespmem:s0+$0x120]  }
0x25: {  	v13 =	vld [tilespmem:s0+$0x130]  }
0x26: {  	v55 =	vld [tilespmem:s0+$0x140]  }
0x27: {  	v56 =	vld [tilespmem:s0+$0x150]  }
0x28: {  	v17 =	vld [tilespmem:s0+$0x160]  }
0x29: {  	v18 =	vld [tilespmem:s0+$0x170]  }
0x2a: {  	v23 =	vld [tilespmem:s0+$0x500]  }
0x2b: {  	v24 =	vld [tilespmem:s0+$0x510]  }
0x2c: {  	v60 =	vld [tilespmem:s0+$0x520];
	v9 =	vmul.f32 $1.442695020e+00, v10  }
0x2d: {  	v32 =	vld [tilespmem:s0+$0x530];
	v14 =	vmul.f32 $1.442695020e+00, v11;
	v54 =	vmul.f32 $1.442695020e+00, v12  }
0x2e: {  	v38 =	vld [tilespmem:s0+$0x540];
	v15 =	vmul.f32 $1.442695020e+00, v13;
	v22 =	vmul.f32 $1.442695020e+00, v55  }
0x2f: {  	v16 =	vadd.f32 $0.0e+00, v10;
	v57 =	vmul.f32 $1.442695020e+00, v56;
	v58 =	vmul.f32 $1.442695020e+00, v17  }
0x30: {  	v40 =	vld [tilespmem:s0+$0x550];
	v10 =	vmax.f32 v10, v11;
	v59 =	vmul.f32 $1.442695020e+00, v18;
	v33 =	vmul.f32 $1.442695020e+00, v23  }
0x31: {  	v19 =	vmax.f32 v12, v13;
	v28 =	vmul.f32 $1.442695020e+00, v24;
	v34 =	vmul.f32 $1.442695020e+00, v60  }
0x32: {  	v31 =	vmax.f32 v55, v56;
	(erf) = vpow2.f32 v9;
	v9 =	vperm.xlane v7, v8  }
0x33: {  	v27 =	vmax.f32 v17, v18;
	v36 =	vmul.f32 $1.442695020e+00, v32;
	v47 =	vmul.f32 $1.442695020e+00, v38  }
0x34: {  	v44 =	vmax.f32 v23, v24;
	(erf) = vpow2.f32 v14;
	v9 =	vtrunc.f32 v9  }
0x35: {  	v45 =	vmax.f32 v60, v32;
	v50 =	vmul.f32 $1.442695020e+00, v40;
	v9 =	vcvt.f32.s32 v9  }
0x36: {  	v10 =	vmax.f32 v10, v31;
	v19 =	vmax.f32 v19, v27;
	(erf) = vpow2.f32 v54  }
0x37: {  	v10 =	vmax.f32 v10, v44;
	v19 =	vmax.f32 v19, v45;
	vm1 =	veq.s32 v9, v0  }
0x38: {  	(erf) = vpow2.f32 v15;
	v16 =	vnsel vm1, $0x0, v16;
	vm1 =	veq.s32 v9, v1  }
0x39: {  	v46 =	vld [tilespmem:s0+$0x560];
	v26 =	vadd.s32 $0xFFFFFFC0, v9;
	v43 =	vadd.s32 $0xFFFFFF80, v9;
	v11 =	vnsel vm1, $0x0, v11  }
0x3a: {  	v44 =	vadd.s32 $0xFFFFFF00, v9;
	vm1 =	veq.s32 v9, v2;
	v11 =	vadd.f32 v11, v16  }
0x3b: {  	v49 =	vld [tilespmem:s0+$0x570];
	v12 =	vnsel vm1, $0x0, v12;
	vm1 =	veq.s32 v9, v3;
	v20 =	vpop (erf);
	(erf) = vpow2.f32 v22  }
0x3c: {  	v13 =	vnsel vm1, $0x0, v13;
	vm1 =	veq.s32 v26, v0;
	v20 =	vadd.f32 $0.0e+00, v20  }
0x3d: {  	v21 =	vpop (erf);
	(erf) = vpow2.f32 v57;
	v11 =	vadd.f32 v12, v11;
	v14 =	vnsel vm1, $0x0, v55  }
0x3e: {  	vm1 =	veq.s32 v26, v1;
	v55 =	vmul.f32 $1.442695020e+00, v46;
	v21 =	vadd.f32 $0.0e+00, v21  }
0x3f: {  	v25 =	vpop (erf);
	(erf) = vpow2.f32 v58;
	v15 =	vnsel vm1, $0x0, v56;
	vm1 =	veq.s32 v26, v2  }
0x40: {  	v56 =	vmul.f32 $1.442695020e+00, v49;
	v58 =	vadd.s32 $0xFFFFFF40, v9;
	v61 =	vadd.f32 $0.0e+00, v25  }
0x41: {  	v57 =	vld [tilespmem:s0+$0x900];
	v62 =	vpop (erf);
	(erf) = vpow2.f32 v59;
	v11 =	vadd.f32 v13, v11;
	v17 =	vnsel vm1, $0x0, v17  }
0x42: {  	vm1 =	veq.s32 v26, v3;
	v63 =	vadd.f32 $0.0e+00, v62;
	(erf) = vpow2.f32 v33  }
0x43: {  	v18 =	vnsel vm1, $0x0, v18;
	vm1 =	veq.s32 v43, v0;
	v11 =	vadd.f32 v14, v11  }
0x44: {  	v62 =	vmax.f32 v46, v49;
	v23 =	vnsel vm1, $0x0, v23;
	vm1 =	veq.s32 v43, v1  }
0x45: {  	v59 =	vld [tilespmem:s0+$0x910];
	v53 =	vnsel vm1, $0x0, v24;
	vm1 =	veq.s32 v43, v2;
	v11 =	vadd.f32 v15, v11  }
0x46: {  	(erf) = vpow2.f32 v28;
	v31 =	vmul.f32 $1.442695020e+00, v57;
	v12 =	vnsel vm1, $0x0, v60  }
0x47: {  	vm1 =	veq.s32 v43, v3;
	v60 =	vmax.f32 v38, v40;
	v35 =	vpop (erf);
	v11 =	vadd.f32 v17, v11  }
0x48: {  	v10 =	vmax.f32 v10, v60;
	(erf) = vpow2.f32 v34;
	v37 =	vpop (erf);
	v14 =	vadd.f32 v35, v20  }
0x49: {  	v43 =	vld [tilespmem:s0+$0x970];
	v39 =	vpop (erf);
	(erf) = vpow2.f32 v36;
	v21 =	vadd.f32 v37, v21;
	v11 =	vadd.f32 v18, v11  }
0x4a: {  	v34 =	vld [tilespmem:s0+$0x940];
	v18 =	vnsel vm1, $0x0, v32;
	vm1 =	veq.s32 v58, v0;
	v32 =	vmul.f32 $1.442695020e+00, v59  }
0x4b: {  	v41 =	vpop (erf);
	v42 =	vadd.f32 v39, v61;
	(erf) = vpow2.f32 v47;
	v15 =	vnsel vm1, $0x0, v38  }
0x4c: {  	v36 =	vld [tilespmem:s0+$0x950];
	vm1 =	veq.s32 v58, v1;
	v16 =	vadd.f32 v41, v63;
	v11 =	vadd.f32 v23, v11  }
0x4d: {  	v61 =	vld [tilespmem:s0+$0x920];
	v48 =	vpop (erf);
	(erf) = vpow2.f32 v50;
	v13 =	vnsel vm1, $0x0, v40;
	vm1 =	veq.s32 v58, v2  }
0x4e: {  	v38 =	vld [tilespmem:s0+$0x960];
	v50 =	vmul.f32 $1.442695020e+00, v43;
	v14 =	vadd.f32 v48, v14;
	(erf) = vpow2.f32 v55  }
0x4f: {  	v63 =	vld [tilespmem:s0+$0x930];
	v51 =	vpop (erf);
	v22 =	vnsel vm1, $0x0, v46;
	vm1 =	veq.s32 v58, v3;
	v45 =	vmul.f32 $1.442695020e+00, v34  }
0x50: {  	v20 =	vadd.f32 v51, v21;
	v11 =	vadd.f32 v53, v11;
	(erf) = vpow2.f32 v56  }
0x51: {  	v40 =	vnsel vm1, $0x0, v49;
	vm1 =	veq.s32 v44, v0;
	v47 =	vmul.f32 $1.442695020e+00, v36  }
0x52: {  	v58 =	vmax.f32 v34, v36;
	v11 =	vadd.f32 v12, v11;
	v33 =	vmul.f32 $1.442695020e+00, v61  }
0x53: {  	v12 =	vnsel vm1, $0x0, v57;
	v48 =	vmul.f32 $1.442695020e+00, v38;
	vm1 =	veq.s32 v44, v1  }
0x54: {  	v52 =	vpop (erf);
	v35 =	vmul.f32 $1.442695020e+00, v63;
	v46 =	vmax.f32 v61, v63;
	v23 =	vnsel vm1, $0x0, v59  }
0x55: {  	vm1 =	veq.s32 v44, v2;
	v17 =	vadd.f32 v52, v42;
	v11 =	vadd.f32 v18, v11  }
0x56: {  	v18 =	vmax.f32 v19, v62;
	v42 =	vmax.f32 v57, v59;
	v24 =	vnsel vm1, $0x0, v61  }
0x57: {  	vm1 =	veq.s32 v44, v3;
	v57 =	vadd.s32 $0xFFFFFEC0, v9;
	v59 =	vmax.f32 v38, v43  }
0x58: {  	v54 =	vpop (erf);
	v10 =	vmax.f32 v10, v42;
	v18 =	vmax.f32 v18, v46;
	v56 =	vnsel vm1, $0x0, v63  }
0x59: {  	v52 =	vld [tilespmem:s0+$0xD00];
	vm1 =	veq.s32 v57, v0;
	v16 =	vadd.f32 v54, v16;
	v11 =	vadd.f32 v15, v11  }
0x5a: {  	v60 =	vld [tilespmem:s0+$0xD20];
	v29 =	vpop (erf);
	(erf) = vpow2.f32 v31;
	v10 =	vmax.f32 v10, v58;
	v18 =	vmax.f32 v18, v59  }
0x5b: {  	v44 =	vld [tilespmem:s0+$0xD60];
	v59 =	vadd.s32 $0xFFFFFE40, v9;
	v14 =	vadd.f32 v29, v14;
	v30 =	vpop (erf);
	(erf) = vpow2.f32 v32  }
0x5c: {  	v63 =	vld [tilespmem:s0+$0xD30];
	v15 =	vadd.f32 v30, v20;
	v11 =	vadd.f32 v13, v11;
	v37 =	vpop (erf);
	(erf) = vpow2.f32 v33  }
0x5d: {  	v46 =	vld [tilespmem:s0+$0xD70];
	v20 =	vnsel vm1, $0x0, v34;
	vm1 =	veq.s32 v57, v1;
	v17 =	vadd.f32 v37, v17  }
0x5e: {  	v54 =	vld [tilespmem:s0+$0xD10];
	(erf) = vpow2.f32 v35;
	v61 =	vmul.f32 $1.442695020e+00, v52;
	v35 =	vnsel vm1, $0x0, v36  }
0x5f: {  	v39 =	vpop (erf);
	vm1 =	veq.s32 v57, v2;
	v11 =	vadd.f32 v22, v11;
	(erf) = vpow2.f32 v45  }
0x60: {  	v42 =	vld [tilespmem:s0+$0xD50];
	v37 =	vmul.f32 $1.442695020e+00, v60;
	v41 =	vadd.f32 v39, v16;
	v19 =	vnsel vm1, $0x0, v38  }
0x61: {  	v38 =	vmul.f32 $1.442695020e+00, v63;
	v39 =	vld [tilespmem:s0+$0xD40];
	(erf) = vpow2.f32 v47;
	v11 =	vadd.f32 v40, v11  }
0x62: {  	vm1 =	veq.s32 v57, v3;
	v45 =	vmax.f32 v60, v63;
	v31 =	vmax.f32 v44, v46  }
0x63: {  	v32 =	vmul.f32 $1.442695020e+00, v54;
	v18 =	vmax.f32 v18, v45;
	v11 =	vadd.f32 v12, v11  }
0x64: {  	v40 =	vnsel vm1, $0x0, v43;
	v43 =	vmax.f32 v52, v54;
	v49 =	vpop (erf);
	(erf) = vpow2.f32 v48  }
0x65: {  	v28 =	vld [tilespmem:s0+$0x1120];
	v10 =	vmax.f32 v10, v43;
	v51 =	vpop (erf);
	v11 =	vadd.f32 v23, v11;
	(erf) = vpow2.f32 v50  }
0x66: {  	v12 =	vadd.f32 v49, v14;
	v49 =	vmul.f32 $1.442695020e+00, v39;
	v50 =	vmul.f32 $1.442695020e+00, v42;
	v53 =	vpop (erf)  }
0x67: {  	v15 =	vadd.f32 v51, v15;
	v55 =	vpop (erf);
	v11 =	vadd.f32 v24, v11;
	(erf) = vpow2.f32 v61  }
0x68: {  	v14 =	vadd.f32 v53, v17;
	v13 =	vadd.f32 v55, v41;
	v62 =	vpop (erf);
	(erf) = vpow2.f32 v32  }
0x69: {  	v51 =	vld [tilespmem:s0+$0x1100];
	v41 =	vadd.s32 $0xFFFFFE80, v9;
	v11 =	vadd.f32 v56, v11;
	v12 =	vadd.f32 v62, v12  }
0x6a: {  	v53 =	vld [tilespmem:s0+$0x1110];
	v33 =	vpop (erf);
	(erf) = vpow2.f32 v37;
	vm1 =	veq.s32 v41, v0;
	v62 =	vmul.f32 $1.442695020e+00, v28  }
0x6b: {  	v15 =	vadd.f32 v33, v15;
	v23 =	vnsel vm1, $0x0, v52;
	vm1 =	veq.s32 v41, v1  }
0x6c: {  	v52 =	vmul.f32 $1.442695020e+00, v44;
	v33 =	vmax.f32 v18, v31;
	v11 =	vadd.f32 v20, v11  }
0x6d: {  	v16 =	vnsel vm1, $0x0, v54;
	vm1 =	veq.s32 v41, v2;
	v54 =	vmul.f32 $1.442695020e+00, v46  }
0x6e: {  	v58 =	vmul.f32 $1.442695020e+00, v51;
	v24 =	vnsel vm1, $0x0, v60;
	vm1 =	veq.s32 v41, v3  }
0x6f: {  	v60 =	vmax.f32 v39, v42;
	v61 =	vmul.f32 $1.442695020e+00, v53;
	v11 =	vadd.f32 v35, v11  }
0x70: {  	v20 =	vld [tilespmem:s0+$0x1130];
	v34 =	vpop (erf);
	(erf) = vpow2.f32 v38;
	v57 =	vnsel vm1, $0x0, v63;
	vm1 =	veq.s32 v59, v0  }
0x71: {  	v10 =	vmax.f32 v10, v60;
	v14 =	vadd.f32 v34, v14;
	(erf) = vpow2.f32 v49  }
0x72: {  	v36 =	vpop (erf);
	v17 =	vnsel vm1, $0x0, v39;
	vm1 =	veq.s32 v59, v1;
	v39 =	vadd.s32 $0xFFFFFE00, v9  }
0x73: {  	v41 =	vld [tilespmem:s0+$0x1150];
	v13 =	vadd.f32 v36, v13;
	v11 =	vadd.f32 v19, v11;
	(erf) = vpow2.f32 v50  }
0x74: {  	v30 =	vnsel vm1, $0x0, v42;
	vm1 =	veq.s32 v59, v2;
	(erf) = vpow2.f32 v52  }
0x75: {  	v38 =	vld [tilespmem:s0+$0x1140];
	v47 =	vpop (erf);
	v63 =	vmul.f32 $1.442695020e+00, v20;
	v35 =	vnsel vm1, $0x0, v44;
	vm1 =	veq.s32 v59, v3  }
0x76: {  	v42 =	vmax.f32 v28, v20;
	v11 =	vadd.f32 v40, v11;
	v12 =	vadd.f32 v47, v12  }
0x77: {  	v48 =	vpop (erf);
	(erf) = vpow2.f32 v54;
	v37 =	vnsel vm1, $0x0, v46;
	v40 =	vmax.f32 v51, v53  }
0x78: {  	vm1 =	veq.s32 v39, v0;
	v52 =	vmul.f32 $1.442695020e+00, v41;
	v15 =	vadd.f32 v48, v15  }
0x79: {  	v44 =	vld [tilespmem:s0+$0x1160];
	(erf) = vpow2.f32 v58;
	v10 =	vmax.f32 v10, v40;
	v19 =	vnsel vm1, $0x0, v51  }
0x7a: {  	vm1 =	veq.s32 v39, v1;
	v50 =	vmul.f32 $1.442695020e+00, v38;
	v58 =	vadd.s32 $0xFFFFFDC0, v9  }
0x7b: {  	v55 =	vpop (erf);
	v11 =	vadd.f32 v23, v11;
	v49 =	vnsel vm1, $0x0, v53;
	vm1 =	veq.s32 v39, v2  }
0x7c: {  	v46 =	vld [tilespmem:s0+$0x1170];
	v14 =	vadd.f32 v55, v14;
	(erf) = vpow2.f32 v61;
	v28 =	vnsel vm1, $0x0, v28  }
0x7d: {  	v53 =	vld [tilespmem:s0+$0x1510];
	vm1 =	veq.s32 v39, v3;
	v39 =	vadd.s32 $0xFFFFFD80, v9;
	v11 =	vadd.f32 v16, v11  }
0x7e: {  	v55 =	vld [tilespmem:s0+$0x1520];
	v54 =	vmul.f32 $1.442695020e+00, v44;
	v16 =	vnsel vm1, $0x0, v20;
	v56 =	vpop (erf);
	(erf) = vpow2.f32 v62  }
0x7f: {  	v60 =	vld [tilespmem:s0+$0x1530];
	vm1 =	veq.s32 v58, v0;
	v11 =	vadd.f32 v24, v11;
	v29 =	vpop (erf);
	(erf) = vpow2.f32 v63  }
0x80: {  	v51 =	vld [tilespmem:s0+$0x1500];
	v62 =	vmax.f32 v38, v41;
	v18 =	vnsel vm1, $0x0, v38;
	vm1 =	veq.s32 v58, v1  }
0x81: {  	v13 =	vadd.f32 v56, v13;
	v56 =	vmul.f32 $1.442695020e+00, v46;
	v11 =	vadd.f32 v57, v11  }
0x82: {  	v10 =	vmax.f32 v10, v62;
	v63 =	vmax.f32 v44, v46;
	v32 =	vpop (erf);
	v12 =	vadd.f32 v29, v12  }
0x83: {  	v59 =	vmul.f32 $1.442695020e+00, v53;
	v61 =	vmul.f32 $1.442695020e+00, v55;
	v34 =	vpop (erf);
	v11 =	vadd.f32 v17, v11  }
0x84: {  	v40 =	vmax.f32 v55, v60;
	v15 =	vadd.f32 v32, v15;
	v36 =	vpop (erf);
	v14 =	vadd.f32 v34, v14;
	v34 =	vld [tilespmem:s0+$0x1540]  }
0x85: {  	v57 =	vmul.f32 $1.442695020e+00, v51;
	v32 =	vmul.f32 $1.442695020e+00, v60;
	v43 =	vpop (erf);
	v11 =	vadd.f32 v30, v11  }
0x86: {  	v13 =	vadd.f32 v36, v13;
	v17 =	vmax.f32 v33, v42;
	v12 =	vadd.f32 v43, v12;
	v45 =	vpop (erf)  }
0x87: {  	v17 =	vmax.f32 v17, v63;
	v15 =	vadd.f32 v45, v15;
	v11 =	vadd.f32 v35, v11;
	v47 =	vpop (erf)  }
0x88: {  	v38 =	vld [tilespmem:s0+$0x1550];
	v17 =	vmax.f32 v17, v40;
	v14 =	vadd.f32 v47, v14;
	v48 =	vpop (erf);
	(erf) = vpow2.f32 v50  }
0x89: {  	v47 =	vmul.f32 $1.442695020e+00, v34;
	v11 =	vadd.f32 v37, v11;
	(erf) = vpow2.f32 v52;
	v52 =	vld [tilespmem:s0+$0x1910]  }
0x8a: {  	v13 =	vadd.f32 v48, v13;
	v37 =	vmax.f32 v51, v53;
	(erf) = vpow2.f32 v54  }
0x8b: {  	v10 =	vmax.f32 v10, v37;
	v11 =	vadd.f32 v19, v11;
	(erf) = vpow2.f32 v56  }
0x8c: {  	v37 =	vadd.s32 $0xFFFFFD00, v9;
	(erf) = vpow2.f32 v57;
	v57 =	vadd.s32 $0xFFFFFD40, v9  }
0x8d: {  	v50 =	vld [tilespmem:s0+$0x1900];
	v11 =	vadd.f32 v49, v11;
	(erf) = vpow2.f32 v59;
	v49 =	vmul.f32 $1.442695020e+00, v38  }
0x8e: {  	v42 =	vld [tilespmem:s0+$0x1560];
	v59 =	vmax.f32 v34, v38;
	(erf) = vpow2.f32 v61;
	v61 =	vmul.f32 $1.442695020e+00, v52  }
0x8f: {  	v11 =	vadd.f32 v28, v11;
	v28 =	vnsel vm1, $0x0, v41;
	vm1 =	veq.s32 v58, v2  }
0x90: {  	v10 =	vmax.f32 v10, v59;
	v31 =	vnsel vm1, $0x0, v44;
	vm1 =	veq.s32 v58, v3  }
0x91: {  	v11 =	vadd.f32 v16, v11;
	v29 =	vpop (erf);
	v36 =	vnsel vm1, $0x0, v46;
	vm1 =	veq.s32 v39, v0  }
0x92: {  	v44 =	vld [tilespmem:s0+$0x1570];
	v58 =	vmul.f32 $1.442695020e+00, v50;
	v12 =	vadd.f32 v29, v12;
	v46 =	vnsel vm1, $0x0, v51  }
0x93: {  	v56 =	vld [tilespmem:s0+$0x1920];
	v30 =	vpop (erf);
	vm1 =	veq.s32 v39, v1;
	v51 =	vmul.f32 $1.442695020e+00, v42;
	v11 =	vadd.f32 v18, v11  }
0x94: {  	v15 =	vadd.f32 v30, v15;
	v33 =	vpop (erf);
	v48 =	vnsel vm1, $0x0, v53;
	vm1 =	veq.s32 v39, v2  }
0x95: {  	v14 =	vadd.f32 v33, v14;
	v35 =	vpop (erf);
	(erf) = vpow2.f32 v32;
	v27 =	vnsel vm1, $0x0, v55  }
0x96: {  	vm1 =	veq.s32 v39, v3;
	v11 =	vadd.f32 v28, v11;
	v13 =	vadd.f32 v35, v13  }
0x97: {  	(erf) = vpow2.f32 v47;
	v53 =	vmul.f32 $1.442695020e+00, v44;
	v55 =	vnsel vm1, $0x0, v60  }
0x98: {  	v41 =	vpop (erf);
	vm1 =	veq.s32 v57, v0;
	v63 =	vmax.f32 v42, v44;
	v28 =	vmul.f32 $1.442695020e+00, v56  }
0x99: {  	v12 =	vadd.f32 v41, v12;
	(erf) = vpow2.f32 v49;
	v11 =	vadd.f32 v31, v11  }
0x9a: {  	v33 =	vld [tilespmem:s0+$0x1940];
	v43 =	vpop (erf);
	v16 =	vnsel vm1, $0x0, v34;
	vm1 =	veq.s32 v57, v1;
	v17 =	vmax.f32 v17, v63  }
0x9b: {  	v60 =	vld [tilespmem:s0+$0x1930];
	v15 =	vadd.f32 v43, v15;
	(erf) = vpow2.f32 v51;
	v11 =	vadd.f32 v36, v11  }
0x9c: {  	v45 =	vpop (erf);
	v19 =	vnsel vm1, $0x0, v38;
	vm1 =	veq.s32 v57, v2;
	v38 =	vmax.f32 v50, v52  }
0x9d: {  	v14 =	vadd.f32 v45, v14;
	v30 =	vnsel vm1, $0x0, v42;
	v11 =	vadd.f32 v46, v11  }
0x9e: {  	v49 =	vld [tilespmem:s0+$0x1D00];
	vm1 =	veq.s32 v57, v3;
	v10 =	vmax.f32 v10, v38;
	v54 =	vpop (erf);
	(erf) = vpow2.f32 v53  }
0x9f: {  	v63 =	vld [tilespmem:s0+$0x1D40];
	v35 =	vnsel vm1, $0x0, v44;
	vm1 =	veq.s32 v37, v0;
	v11 =	vadd.f32 v48, v11  }
0xa0: {  	v44 =	vmul.f32 $1.442695020e+00, v33;
	v39 =	vmax.f32 v56, v60;
	(erf) = vpow2.f32 v58  }
0xa1: {  	v40 =	vld [tilespmem:s0+$0x1960];
	v43 =	vnsel vm1, $0x0, v50;
	vm1 =	veq.s32 v37, v1;
	v11 =	vadd.f32 v27, v11  }
0xa2: {  	v45 =	vld [tilespmem:s0+$0x1970];
	v31 =	vmul.f32 $1.442695020e+00, v60;
	v17 =	vmax.f32 v17, v39;
	v46 =	vnsel vm1, $0x0, v52  }
0xa3: {  	v51 =	vld [tilespmem:s0+$0x1D10];
	vm1 =	veq.s32 v37, v2;
	v59 =	vmul.f32 $1.442695020e+00, v49;
	v11 =	vadd.f32 v55, v11  }
0xa4: {  	v36 =	vld [tilespmem:s0+$0x1950];
	v39 =	vmul.f32 $1.442695020e+00, v63;
	v20 =	vnsel vm1, $0x0, v56;
	vm1 =	veq.s32 v37, v3;
	v62 =	vpop (erf)  }
0xa5: {  	v37 =	vadd.s32 $0xFFFFFC80, v9;
	(erf) = vpow2.f32 v61;
	v29 =	vpop (erf);
	v11 =	vadd.f32 v16, v11  }
0xa6: {  	v48 =	vmul.f32 $1.442695020e+00, v40;
	v52 =	vnsel vm1, $0x0, v60;
	(erf) = vpow2.f32 v28;
	v32 =	vpop (erf)  }
0xa7: {  	v53 =	vmul.f32 $1.442695020e+00, v45;
	v11 =	vadd.f32 v19, v11;
	v34 =	vpop (erf);
	(erf) = vpow2.f32 v31  }
0xa8: {  	v57 =	vmax.f32 v40, v45;
	v60 =	vmul.f32 $1.442695020e+00, v51;
	v13 =	vadd.f32 v54, v13  }
0xa9: {  	v47 =	vmul.f32 $1.442695020e+00, v36;
	v54 =	vld [tilespmem:s0+$0x1D20];
	v11 =	vadd.f32 v30, v11;
	v41 =	vpop (erf);
	(erf) = vpow2.f32 v44  }
0xaa: {  	v56 =	vmax.f32 v33, v36;
	v17 =	vmax.f32 v17, v57;
	v12 =	vadd.f32 v62, v12  }
0xab: {  	v10 =	vmax.f32 v10, v56;
	v15 =	vadd.f32 v29, v15;
	v11 =	vadd.f32 v35, v11  }
0xac: {  	v14 =	vadd.f32 v32, v14;
	v55 =	vadd.s32 $0xFFFFFCC0, v9;
	(erf) = vpow2.f32 v47  }
0xad: {  	vm1 =	veq.s32 v55, v0;
	(erf) = vpow2.f32 v48;
	v11 =	vadd.f32 v43, v11  }
0xae: {  	v18 =	vnsel vm1, $0x0, v33;
	vm1 =	veq.s32 v55, v1;
	v62 =	vmul.f32 $1.442695020e+00, v54;
	v33 =	vld [tilespmem:s0+$0x1D50];
	v42 =	vpop (erf)  }
0xaf: {  	v58 =	vld [tilespmem:s0+$0x1D30];
	v16 =	vnsel vm1, $0x0, v36;
	vm1 =	veq.s32 v55, v2;
	v25 =	vpop (erf);
	v11 =	vadd.f32 v46, v11  }
0xb0: {  	v23 =	vnsel vm1, $0x0, v40;
	vm1 =	veq.s32 v55, v3;
	v50 =	vpop (erf);
	(erf) = vpow2.f32 v53  }
0xb1: {  	v36 =	vld.msk [tilespmem:s0+$0x1D60], $0xff;
	v13 =	vadd.f32 v34, v13;
	v11 =	vadd.f32 v20, v11;
	(erf) = vpow2.f32 v59  }
0xb2: {  	v44 =	vmax.f32 v49, v51;
	v12 =	vadd.f32 v41, v12;
	v61 =	vpop (erf);
	(erf) = vpow2.f32 v60  }
0xb3: {  	v41 =	vmul.f32 $1.442695020e+00, v33;
	v10 =	vmax.f32 v10, v44;
	v11 =	vadd.f32 v52, v11  }
0xb4: {  	v55 =	vmax.f32 v63, v33;
	v15 =	vadd.f32 v42, v15;
	v35 =	vmul.f32 $1.442695020e+00, v58  }
0xb5: {  	v48 =	vmax.f32 v54, v58;
	v32 =	vpop (erf);
	(erf) = vpow2.f32 v62;
	v11 =	vadd.f32 v18, v11  }
0xb6: {  	v42 =	vmul.f32 $1.442695020e+00, v36;
	v17 =	vmax.f32 v17, v48;
	v34 =	vpop (erf);
	(erf) = vpow2.f32 v35  }
0xb7: {  	v14 =	vadd.f32 v25, v14;
	v10 =	vmax.f32 v10, v17;
	v11 =	vadd.f32 v16, v11  }
0xb8: {  	v10 =	vmax.f32 v10, v55;
	v20 =	vnsel vm1, $0x0, v45;
	vm1 =	veq.s32 v37, v0  }
0xb9: {  	v13 =	vadd.f32 v50, v13;
	v11 =	vadd.f32 v23, v11;
	v38 =	vpop (erf);
	(erf) = vpow2.f32 v39  }
0xba: {  	v40 =	vnsel vm1, $0x0, v49;
	vm1 =	veq.s32 v37, v1;
	v43 =	vpop (erf);
	(erf) = vpow2.f32 v41  }
0xbb: {  	v50 =	vperm.xlane v33, v4;
	v11 =	vadd.f32 v20, v11;
	v45 =	vpop (erf);
	(erf) = vpow2.f32 v42  }
0xbc: {  	v12 =	vadd.f32 v61, v12;
	v19 =	vnsel vm1, $0x0, v51;
	v15 =	vadd.f32 v32, v15  }
0xbd: {  	vm1 =	veq.s32 v37, v2;
	v14 =	vadd.f32 v34, v14;
	v11 =	vadd.f32 v40, v11  }
0xbe: {  	v51 =	vperm.xlane v36, v4;
	v13 =	vadd.f32 v38, v13;
	v12 =	vadd.f32 v43, v12;
	v46 =	vpop (erf)  }
0xbf: {  	v47 =	vnsel vm1, $0x0, v54;
	v15 =	vadd.f32 v45, v15;
	v49 =	vpop (erf);
	v11 =	vadd.f32 v19, v11  }
0xc0: {  	vm1 =	veq.s32 v37, v3;
	v14 =	vadd.f32 v46, v14;
	v13 =	vadd.f32 v49, v13  }
0xc1: {  	v52 =	vadd.s32 $0xFFFFFC40, v9;
	v21 =	vnsel vm1, $0x0, v58;
	v11 =	vadd.f32 v47, v11  }
0xc2: {  	v53 =	vsel vm0, v50, v51;
	v12 =	vadd.f32 v15, v12;
	v13 =	vadd.f32 v13, v14;
	v54 =	vpop (erf)  }
0xc3: {  	vm1 =	veq.s32 v52, v0;
	v57 =	vsel vm0, $0x0, v53;
	v11 =	vadd.f32 v21, v11;
	v56 =	vpop (erf)  }
0xc4: {  	v60 =	vnsel vm1, $0x0, v63;
	v12 =	vadd.f32 v13, v12;
	v58 =	vadd.f32 v56, v54;
	v59 =	vpop (erf)  }
0xc5: {  	vm1 =	veq.s32 v52, v1;
	v11 =	vadd.f32 v60, v11;
	v14 =	vperm.xlane v59, v4  }
0xc6: {  	p1 =	sne.s32 s1, $0x780;
	v61 =	vsel vm0, $0xFF800000, v53;
	v62 =	vnsel vm1, $0x0, v33;
	v12 =	vadd.f32 v58, v12  }
.Ltmp0:
0xc7: {  	vm1 =	veq.s32 v9, v5;
	v11 =	vadd.f32 v62, v11;
	v14 =	vsel vm0, $0x0, v14;
	(pc) =	sbr.rel @p1 .LBB2_4-.Ltmp0, $4  }
0xc8: {  	v9 =	vmax.f32 v10, v61;
	v63 =	vnsel vm1, $0x0, v57;
	v10 =	vadd.f32 v14, v12  }
0xc9: {  	[tilespmem:s28+$0x0] =	vst v9;
	v11 =	vadd.f32 v63, v11  }
0xca: {  	s31 =	sadd.s32 $0x400, s31;
	s1 =	sadd.s32 $0x80, s1;
	[tilespmem:s29+$0x0] =	vst v10  }
0xcb: {  	v8 =	vadd.s32 $0x1, v8;
	s28 =	sadd.s32 $0x10, s28;
	s29 =	sadd.s32 $0x10, s29;
	[tilespmem:s30+$0x0] =	vst v11;
	s30 =	sadd.s32 $0x10, s30  }
.Ltmp1:
0xcc: {  	(pc) =	sbr.rel @p0 .LBB2_3-.Ltmp1, $2  }
0xcd: {  	_ =	sdelay $0x2  }
0xce: {  	s0 =	simm.s32 $0x10;
	p1 =	por $0x0, $0x0  }
0xcf: {  	s28 =	sshll.u32 s25, $0x1  }
0xd0: {  	s0 =	smin.u32 s28, $0x5  }
0xd1: {  	s0 =	sshll.u32 s0, $0xC  }
0xd2: {  	s1 =	sadd.s32 s0, s5;
	s0 =	simm.s32 $0x0  }
0xd3: {  	[tilespmem:s13], [sflag:$0x1] =	stream.linear.gather [hbm4b:s1+s0], $0x8000, $0x38;
	[tilespmem:$0x13100] =	vst v63  }
0xd4: {  	_ =	swait.ge [sflag:s16], $0x8000  }
0xd5: {  	s31 =	sor.u32 $0x20, s26;
	[sflag:s16] =	ssyncset.done $0x0  }
0xd6: {  	p1 =	por $0x1, $0x1;
	v6 =	vmov s31;
	[sflag:s16] =	ssyncadd.s32 $0xFFFF8000  }
.LBB2_7:
0xd7: {  	_ =	sdelay $0x3  }
0xd8: {  	v7 =	vld.idx.msk [tilespmem:v6+s0+$0x0 ss:$0x1], $0xffff  }
0xd9: {  	s1 =	sadd.s32 s0, s23  }
0xda: {  	s1 =	sshll.u32 s1, $0x4  }
0xdb: {  	s1 =	sand.u32 $0x3FFFFFF0, s1  }
0xdc: {  	p0 =	por p1, p1;
	s31 =	sshll.u32 s0, $0xA;
	s26 =	sadd.s32 $0x10100, s1  }
0xdd: {  	v8 =	vimm.s32 $0x0;
	s29 =	sadd.s32 $0x11100, s1;
	s30 =	sadd.s32 $0x12100, s1;
	s1 =	simm.s32 $0x0;
	v7 =	vcvt.s32.f32 v7  }
.LBB2_8:
0xde: {  	s0 =	sand.u32 $0x6000, s31;
	s19 =	sand.u32 $0x380, s1  }
0xdf: {  	s0 =	sor.u32 s19, s0  }
0xe0: {  	v10 =	vld [tilespmem:s0+$0x8100]  }
0xe1: {  	v11 =	vld [tilespmem:s0+$0x8110]  }
0xe2: {  	v12 =	vld [tilespmem:s0+$0x8120]  }
0xe3: {  	v13 =	vld [tilespmem:s0+$0x8130]  }
0xe4: {  	v55 =	vld [tilespmem:s0+$0x8140]  }
0xe5: {  	v56 =	vld [tilespmem:s0+$0x8150]  }
0xe6: {  	v17 =	vld [tilespmem:s0+$0x8160]  }
0xe7: {  	v18 =	vld [tilespmem:s0+$0x8170]  }
0xe8: {  	v23 =	vld [tilespmem:s0+$0x8500]  }
0xe9: {  	v24 =	vld [tilespmem:s0+$0x8510]  }
0xea: {  	v60 =	vld [tilespmem:s0+$0x8520];
	v9 =	vmul.f32 $1.442695020e+00, v10  }
0xeb: {  	v32 =	vld [tilespmem:s0+$0x8530];
	v14 =	vmul.f32 $1.442695020e+00, v11;
	v54 =	vmul.f32 $1.442695020e+00, v12  }
0xec: {  	v38 =	vld [tilespmem:s0+$0x8540];
	v15 =	vmul.f32 $1.442695020e+00, v13;
	v22 =	vmul.f32 $1.442695020e+00, v55  }
0xed: {  	v16 =	vadd.f32 $0.0e+00, v10;
	v57 =	vmul.f32 $1.442695020e+00, v56;
	v58 =	vmul.f32 $1.442695020e+00, v17  }
0xee: {  	v40 =	vld [tilespmem:s0+$0x8550];
	v10 =	vmax.f32 v10, v11;
	v59 =	vmul.f32 $1.442695020e+00, v18;
	v33 =	vmul.f32 $1.442695020e+00, v23  }
0xef: {  	v19 =	vmax.f32 v12, v13;
	v28 =	vmul.f32 $1.442695020e+00, v24;
	v34 =	vmul.f32 $1.442695020e+00, v60  }
0xf0: {  	v31 =	vmax.f32 v55, v56;
	(erf) = vpow2.f32 v9;
	v9 =	vperm.xlane v7, v8  }
0xf1: {  	v27 =	vmax.f32 v17, v18;
	v36 =	vmul.f32 $1.442695020e+00, v32;
	v47 =	vmul.f32 $1.442695020e+00, v38  }
0xf2: {  	v44 =	vmax.f32 v23, v24;
	(erf) = vpow2.f32 v14;
	v9 =	vtrunc.f32 v9  }
0xf3: {  	v45 =	vmax.f32 v60, v32;
	v50 =	vmul.f32 $1.442695020e+00, v40;
	v9 =	vcvt.f32.s32 v9  }
0xf4: {  	v10 =	vmax.f32 v10, v31;
	v19 =	vmax.f32 v19, v27;
	(erf) = vpow2.f32 v54  }
0xf5: {  	v10 =	vmax.f32 v10, v44;
	v19 =	vmax.f32 v19, v45;
	vm1 =	veq.s32 v9, v0  }
0xf6: {  	(erf) = vpow2.f32 v15;
	v16 =	vnsel vm1, $0x0, v16;
	vm1 =	veq.s32 v9, v1  }
0xf7: {  	v46 =	vld [tilespmem:s0+$0x8560];
	v26 =	vadd.s32 $0xFFFFFFC0, v9;
	v43 =	vadd.s32 $0xFFFFFF80, v9;
	v11 =	vnsel vm1, $0x0, v11  }
0xf8: {  	v44 =	vadd.s32 $0xFFFFFF00, v9;
	vm1 =	veq.s32 v9, v2;
	v11 =	vadd.f32 v11, v16  }
0xf9: {  	v49 =	vld [tilespmem:s0+$0x8570];
	v12 =	vnsel vm1, $0x0, v12;
	vm1 =	veq.s32 v9, v3;
	v20 =	vpop (erf);
	(erf) = vpow2.f32 v22  }
0xfa: {  	v13 =	vnsel vm1, $0x0, v13;
	vm1 =	veq.s32 v26, v0;
	v20 =	vadd.f32 $0.0e+00, v20  }
0xfb: {  	v21 =	vpop (erf);
	(erf) = vpow2.f32 v57;
	v11 =	vadd.f32 v12, v11;
	v14 =	vnsel vm1, $0x0, v55  }
0xfc: {  	vm1 =	veq.s32 v26, v1;
	v55 =	vmul.f32 $1.442695020e+00, v46;
	v21 =	vadd.f32 $0.0e+00, v21  }
0xfd: {  	v25 =	vpop (erf);
	(erf) = vpow2.f32 v58;
	v15 =	vnsel vm1, $0x0, v56;
	vm1 =	veq.s32 v26, v2  }
0xfe: {  	v56 =	vmul.f32 $1.442695020e+00, v49;
	v58 =	vadd.s32 $0xFFFFFF40, v9;
	v61 =	vadd.f32 $0.0e+00, v25  }
0xff: {  	v57 =	vld [tilespmem:s0+$0x8900];
	v62 =	vpop (erf);
	(erf) = vpow2.f32 v59;
	v11 =	vadd.f32 v13, v11;
	v17 =	vnsel vm1, $0x0, v17  }
0x100: {  	vm1 =	veq.s32 v26, v3;
	v63 =	vadd.f32 $0.0e+00, v62;
	(erf) = vpow2.f32 v33  }
0x101: {  	v18 =	vnsel vm1, $0x0, v18;
	vm1 =	veq.s32 v43, v0;
	v11 =	vadd.f32 v14, v11  }
0x102: {  	v62 =	vmax.f32 v46, v49;
	v23 =	vnsel vm1, $0x0, v23;
	vm1 =	veq.s32 v43, v1  }
0x103: {  	v59 =	vld [tilespmem:s0+$0x8910];
	v53 =	vnsel vm1, $0x0, v24;
	vm1 =	veq.s32 v43, v2;
	v11 =	vadd.f32 v15, v11  }
0x104: {  	(erf) = vpow2.f32 v28;
	v31 =	vmul.f32 $1.442695020e+00, v57;
	v12 =	vnsel vm1, $0x0, v60  }
0x105: {  	vm1 =	veq.s32 v43, v3;
	v60 =	vmax.f32 v38, v40;
	v35 =	vpop (erf);
	v11 =	vadd.f32 v17, v11  }
0x106: {  	v10 =	vmax.f32 v10, v60;
	(erf) = vpow2.f32 v34;
	v37 =	vpop (erf);
	v14 =	vadd.f32 v35, v20  }
0x107: {  	v43 =	vld [tilespmem:s0+$0x8970];
	v39 =	vpop (erf);
	(erf) = vpow2.f32 v36;
	v21 =	vadd.f32 v37, v21;
	v11 =	vadd.f32 v18, v11  }
0x108: {  	v34 =	vld [tilespmem:s0+$0x8940];
	v18 =	vnsel vm1, $0x0, v32;
	vm1 =	veq.s32 v58, v0;
	v32 =	vmul.f32 $1.442695020e+00, v59  }
0x109: {  	v41 =	vpop (erf);
	v42 =	vadd.f32 v39, v61;
	(erf) = vpow2.f32 v47;
	v15 =	vnsel vm1, $0x0, v38  }
0x10a: {  	v36 =	vld [tilespmem:s0+$0x8950];
	vm1 =	veq.s32 v58, v1;
	v16 =	vadd.f32 v41, v63;
	v11 =	vadd.f32 v23, v11  }
0x10b: {  	v61 =	vld [tilespmem:s0+$0x8920];
	v48 =	vpop (erf);
	(erf) = vpow2.f32 v50;
	v13 =	vnsel vm1, $0x0, v40;
	vm1 =	veq.s32 v58, v2  }
0x10c: {  	v38 =	vld [tilespmem:s0+$0x8960];
	v50 =	vmul.f32 $1.442695020e+00, v43;
	v14 =	vadd.f32 v48, v14;
	(erf) = vpow2.f32 v55  }
0x10d: {  	v63 =	vld [tilespmem:s0+$0x8930];
	v51 =	vpop (erf);
	v22 =	vnsel vm1, $0x0, v46;
	vm1 =	veq.s32 v58, v3;
	v45 =	vmul.f32 $1.442695020e+00, v34  }
0x10e: {  	v20 =	vadd.f32 v51, v21;
	v11 =	vadd.f32 v53, v11;
	(erf) = vpow2.f32 v56  }
0x10f: {  	v40 =	vnsel vm1, $0x0, v49;
	vm1 =	veq.s32 v44, v0;
	v47 =	vmul.f32 $1.442695020e+00, v36  }
0x110: {  	v58 =	vmax.f32 v34, v36;
	v11 =	vadd.f32 v12, v11;
	v33 =	vmul.f32 $1.442695020e+00, v61  }
0x111: {  	v12 =	vnsel vm1, $0x0, v57;
	v48 =	vmul.f32 $1.442695020e+00, v38;
	vm1 =	veq.s32 v44, v1  }
0x112: {  	v52 =	vpop (erf);
	v35 =	vmul.f32 $1.442695020e+00, v63;
	v46 =	vmax.f32 v61, v63;
	v23 =	vnsel vm1, $0x0, v59  }
0x113: {  	vm1 =	veq.s32 v44, v2;
	v17 =	vadd.f32 v52, v42;
	v11 =	vadd.f32 v18, v11  }
0x114: {  	v18 =	vmax.f32 v19, v62;
	v42 =	vmax.f32 v57, v59;
	v24 =	vnsel vm1, $0x0, v61  }
0x115: {  	vm1 =	veq.s32 v44, v3;
	v57 =	vadd.s32 $0xFFFFFEC0, v9;
	v59 =	vmax.f32 v38, v43  }
0x116: {  	v54 =	vpop (erf);
	v10 =	vmax.f32 v10, v42;
	v18 =	vmax.f32 v18, v46;
	v56 =	vnsel vm1, $0x0, v63  }
0x117: {  	v52 =	vld [tilespmem:s0+$0x8D00];
	vm1 =	veq.s32 v57, v0;
	v16 =	vadd.f32 v54, v16;
	v11 =	vadd.f32 v15, v11  }
0x118: {  	v60 =	vld [tilespmem:s0+$0x8D20];
	v29 =	vpop (erf);
	(erf) = vpow2.f32 v31;
	v10 =	vmax.f32 v10, v58;
	v18 =	vmax.f32 v18, v59  }
0x119: {  	v44 =	vld [tilespmem:s0+$0x8D60];
	v59 =	vadd.s32 $0xFFFFFE40, v9;
	v14 =	vadd.f32 v29, v14;
	v30 =	vpop (erf);
	(erf) = vpow2.f32 v32  }
0x11a: {  	v63 =	vld [tilespmem:s0+$0x8D30];
	v15 =	vadd.f32 v30, v20;
	v11 =	vadd.f32 v13, v11;
	v37 =	vpop (erf);
	(erf) = vpow2.f32 v33  }
0x11b: {  	v46 =	vld [tilespmem:s0+$0x8D70];
	v20 =	vnsel vm1, $0x0, v34;
	vm1 =	veq.s32 v57, v1;
	v17 =	vadd.f32 v37, v17  }
0x11c: {  	v54 =	vld [tilespmem:s0+$0x8D10];
	(erf) = vpow2.f32 v35;
	v61 =	vmul.f32 $1.442695020e+00, v52;
	v35 =	vnsel vm1, $0x0, v36  }
0x11d: {  	v39 =	vpop (erf);
	vm1 =	veq.s32 v57, v2;
	v11 =	vadd.f32 v22, v11;
	(erf) = vpow2.f32 v45  }
0x11e: {  	v42 =	vld [tilespmem:s0+$0x8D50];
	v37 =	vmul.f32 $1.442695020e+00, v60;
	v41 =	vadd.f32 v39, v16;
	v19 =	vnsel vm1, $0x0, v38  }
0x11f: {  	v38 =	vmul.f32 $1.442695020e+00, v63;
	v39 =	vld [tilespmem:s0+$0x8D40];
	(erf) = vpow2.f32 v47;
	v11 =	vadd.f32 v40, v11  }
0x120: {  	vm1 =	veq.s32 v57, v3;
	v45 =	vmax.f32 v60, v63;
	v31 =	vmax.f32 v44, v46  }
0x121: {  	v32 =	vmul.f32 $1.442695020e+00, v54;
	v18 =	vmax.f32 v18, v45;
	v11 =	vadd.f32 v12, v11  }
0x122: {  	v40 =	vnsel vm1, $0x0, v43;
	v43 =	vmax.f32 v52, v54;
	v49 =	vpop (erf);
	(erf) = vpow2.f32 v48  }
0x123: {  	v28 =	vld [tilespmem:s0+$0x9120];
	v10 =	vmax.f32 v10, v43;
	v51 =	vpop (erf);
	v11 =	vadd.f32 v23, v11;
	(erf) = vpow2.f32 v50  }
0x124: {  	v12 =	vadd.f32 v49, v14;
	v49 =	vmul.f32 $1.442695020e+00, v39;
	v50 =	vmul.f32 $1.442695020e+00, v42;
	v53 =	vpop (erf)  }
0x125: {  	v15 =	vadd.f32 v51, v15;
	v55 =	vpop (erf);
	v11 =	vadd.f32 v24, v11;
	(erf) = vpow2.f32 v61  }
0x126: {  	v14 =	vadd.f32 v53, v17;
	v13 =	vadd.f32 v55, v41;
	v62 =	vpop (erf);
	(erf) = vpow2.f32 v32  }
0x127: {  	v51 =	vld [tilespmem:s0+$0x9100];
	v41 =	vadd.s32 $0xFFFFFE80, v9;
	v11 =	vadd.f32 v56, v11;
	v12 =	vadd.f32 v62, v12  }
0x128: {  	v53 =	vld [tilespmem:s0+$0x9110];
	v33 =	vpop (erf);
	(erf) = vpow2.f32 v37;
	vm1 =	veq.s32 v41, v0;
	v62 =	vmul.f32 $1.442695020e+00, v28  }
0x129: {  	v15 =	vadd.f32 v33, v15;
	v23 =	vnsel vm1, $0x0, v52;
	vm1 =	veq.s32 v41, v1  }
0x12a: {  	v52 =	vmul.f32 $1.442695020e+00, v44;
	v33 =	vmax.f32 v18, v31;
	v11 =	vadd.f32 v20, v11  }
0x12b: {  	v16 =	vnsel vm1, $0x0, v54;
	vm1 =	veq.s32 v41, v2;
	v54 =	vmul.f32 $1.442695020e+00, v46  }
0x12c: {  	v58 =	vmul.f32 $1.442695020e+00, v51;
	v24 =	vnsel vm1, $0x0, v60;
	vm1 =	veq.s32 v41, v3  }
0x12d: {  	v60 =	vmax.f32 v39, v42;
	v61 =	vmul.f32 $1.442695020e+00, v53;
	v11 =	vadd.f32 v35, v11  }
0x12e: {  	v20 =	vld [tilespmem:s0+$0x9130];
	v34 =	vpop (erf);
	(erf) = vpow2.f32 v38;
	v57 =	vnsel vm1, $0x0, v63;
	vm1 =	veq.s32 v59, v0  }
0x12f: {  	v10 =	vmax.f32 v10, v60;
	v14 =	vadd.f32 v34, v14;
	(erf) = vpow2.f32 v49  }
0x130: {  	v36 =	vpop (erf);
	v17 =	vnsel vm1, $0x0, v39;
	vm1 =	veq.s32 v59, v1;
	v39 =	vadd.s32 $0xFFFFFE00, v9  }
0x131: {  	v41 =	vld [tilespmem:s0+$0x9150];
	v13 =	vadd.f32 v36, v13;
	v11 =	vadd.f32 v19, v11;
	(erf) = vpow2.f32 v50  }
0x132: {  	v30 =	vnsel vm1, $0x0, v42;
	vm1 =	veq.s32 v59, v2;
	(erf) = vpow2.f32 v52  }
0x133: {  	v38 =	vld [tilespmem:s0+$0x9140];
	v47 =	vpop (erf);
	v63 =	vmul.f32 $1.442695020e+00, v20;
	v35 =	vnsel vm1, $0x0, v44;
	vm1 =	veq.s32 v59, v3  }
0x134: {  	v42 =	vmax.f32 v28, v20;
	v11 =	vadd.f32 v40, v11;
	v12 =	vadd.f32 v47, v12  }
0x135: {  	v48 =	vpop (erf);
	(erf) = vpow2.f32 v54;
	v37 =	vnsel vm1, $0x0, v46;
	v40 =	vmax.f32 v51, v53  }
0x136: {  	vm1 =	veq.s32 v39, v0;
	v52 =	vmul.f32 $1.442695020e+00, v41;
	v15 =	vadd.f32 v48, v15  }
0x137: {  	v44 =	vld [tilespmem:s0+$0x9160];
	(erf) = vpow2.f32 v58;
	v10 =	vmax.f32 v10, v40;
	v19 =	vnsel vm1, $0x0, v51  }
0x138: {  	vm1 =	veq.s32 v39, v1;
	v50 =	vmul.f32 $1.442695020e+00, v38;
	v58 =	vadd.s32 $0xFFFFFDC0, v9  }
0x139: {  	v55 =	vpop (erf);
	v11 =	vadd.f32 v23, v11;
	v49 =	vnsel vm1, $0x0, v53;
	vm1 =	veq.s32 v39, v2  }
0x13a: {  	v46 =	vld [tilespmem:s0+$0x9170];
	v14 =	vadd.f32 v55, v14;
	(erf) = vpow2.f32 v61;
	v28 =	vnsel vm1, $0x0, v28  }
0x13b: {  	v53 =	vld [tilespmem:s0+$0x9510];
	vm1 =	veq.s32 v39, v3;
	v39 =	vadd.s32 $0xFFFFFD80, v9;
	v11 =	vadd.f32 v16, v11  }
0x13c: {  	v55 =	vld [tilespmem:s0+$0x9520];
	v54 =	vmul.f32 $1.442695020e+00, v44;
	v16 =	vnsel vm1, $0x0, v20;
	v56 =	vpop (erf);
	(erf) = vpow2.f32 v62  }
0x13d: {  	v60 =	vld [tilespmem:s0+$0x9530];
	vm1 =	veq.s32 v58, v0;
	v11 =	vadd.f32 v24, v11;
	v29 =	vpop (erf);
	(erf) = vpow2.f32 v63  }
0x13e: {  	v51 =	vld [tilespmem:s0+$0x9500];
	v62 =	vmax.f32 v38, v41;
	v18 =	vnsel vm1, $0x0, v38;
	vm1 =	veq.s32 v58, v1  }
0x13f: {  	v13 =	vadd.f32 v56, v13;
	v56 =	vmul.f32 $1.442695020e+00, v46;
	v11 =	vadd.f32 v57, v11  }
0x140: {  	v10 =	vmax.f32 v10, v62;
	v63 =	vmax.f32 v44, v46;
	v32 =	vpop (erf);
	v12 =	vadd.f32 v29, v12  }
0x141: {  	v59 =	vmul.f32 $1.442695020e+00, v53;
	v61 =	vmul.f32 $1.442695020e+00, v55;
	v34 =	vpop (erf);
	v11 =	vadd.f32 v17, v11  }
0x142: {  	v40 =	vmax.f32 v55, v60;
	v15 =	vadd.f32 v32, v15;
	v36 =	vpop (erf);
	v14 =	vadd.f32 v34, v14;
	v34 =	vld [tilespmem:s0+$0x9540]  }
0x143: {  	v57 =	vmul.f32 $1.442695020e+00, v51;
	v32 =	vmul.f32 $1.442695020e+00, v60;
	v43 =	vpop (erf);
	v11 =	vadd.f32 v30, v11  }
0x144: {  	v13 =	vadd.f32 v36, v13;
	v17 =	vmax.f32 v33, v42;
	v12 =	vadd.f32 v43, v12;
	v45 =	vpop (erf)  }
0x145: {  	v17 =	vmax.f32 v17, v63;
	v15 =	vadd.f32 v45, v15;
	v11 =	vadd.f32 v35, v11;
	v47 =	vpop (erf)  }
0x146: {  	v38 =	vld [tilespmem:s0+$0x9550];
	v17 =	vmax.f32 v17, v40;
	v14 =	vadd.f32 v47, v14;
	v48 =	vpop (erf);
	(erf) = vpow2.f32 v50  }
0x147: {  	v47 =	vmul.f32 $1.442695020e+00, v34;
	v11 =	vadd.f32 v37, v11;
	(erf) = vpow2.f32 v52;
	v52 =	vld [tilespmem:s0+$0x9910]  }
0x148: {  	v13 =	vadd.f32 v48, v13;
	v37 =	vmax.f32 v51, v53;
	(erf) = vpow2.f32 v54  }
0x149: {  	v10 =	vmax.f32 v10, v37;
	v11 =	vadd.f32 v19, v11;
	(erf) = vpow2.f32 v56  }
0x14a: {  	v37 =	vadd.s32 $0xFFFFFD00, v9;
	(erf) = vpow2.f32 v57;
	v57 =	vadd.s32 $0xFFFFFD40, v9  }
0x14b: {  	v50 =	vld [tilespmem:s0+$0x9900];
	v11 =	vadd.f32 v49, v11;
	(erf) = vpow2.f32 v59;
	v49 =	vmul.f32 $1.442695020e+00, v38  }
0x14c: {  	v42 =	vld [tilespmem:s0+$0x9560];
	v59 =	vmax.f32 v34, v38;
	(erf) = vpow2.f32 v61;
	v61 =	vmul.f32 $1.442695020e+00, v52  }
0x14d: {  	v11 =	vadd.f32 v28, v11;
	v28 =	vnsel vm1, $0x0, v41;
	vm1 =	veq.s32 v58, v2  }
0x14e: {  	v10 =	vmax.f32 v10, v59;
	v31 =	vnsel vm1, $0x0, v44;
	vm1 =	veq.s32 v58, v3  }
0x14f: {  	v11 =	vadd.f32 v16, v11;
	v29 =	vpop (erf);
	v36 =	vnsel vm1, $0x0, v46;
	vm1 =	veq.s32 v39, v0  }
0x150: {  	v44 =	vld [tilespmem:s0+$0x9570];
	v58 =	vmul.f32 $1.442695020e+00, v50;
	v12 =	vadd.f32 v29, v12;
	v46 =	vnsel vm1, $0x0, v51  }
0x151: {  	v56 =	vld [tilespmem:s0+$0x9920];
	v30 =	vpop (erf);
	vm1 =	veq.s32 v39, v1;
	v51 =	vmul.f32 $1.442695020e+00, v42;
	v11 =	vadd.f32 v18, v11  }
0x152: {  	v15 =	vadd.f32 v30, v15;
	v33 =	vpop (erf);
	v48 =	vnsel vm1, $0x0, v53;
	vm1 =	veq.s32 v39, v2  }
0x153: {  	v14 =	vadd.f32 v33, v14;
	v35 =	vpop (erf);
	(erf) = vpow2.f32 v32;
	v27 =	vnsel vm1, $0x0, v55  }
0x154: {  	vm1 =	veq.s32 v39, v3;
	v11 =	vadd.f32 v28, v11;
	v13 =	vadd.f32 v35, v13  }
0x155: {  	(erf) = vpow2.f32 v47;
	v53 =	vmul.f32 $1.442695020e+00, v44;
	v55 =	vnsel vm1, $0x0, v60  }
0x156: {  	v41 =	vpop (erf);
	vm1 =	veq.s32 v57, v0;
	v63 =	vmax.f32 v42, v44;
	v28 =	vmul.f32 $1.442695020e+00, v56  }
0x157: {  	v12 =	vadd.f32 v41, v12;
	(erf) = vpow2.f32 v49;
	v11 =	vadd.f32 v31, v11  }
0x158: {  	v33 =	vld [tilespmem:s0+$0x9940];
	v43 =	vpop (erf);
	v16 =	vnsel vm1, $0x0, v34;
	vm1 =	veq.s32 v57, v1;
	v17 =	vmax.f32 v17, v63  }
0x159: {  	v60 =	vld [tilespmem:s0+$0x9930];
	v15 =	vadd.f32 v43, v15;
	(erf) = vpow2.f32 v51;
	v11 =	vadd.f32 v36, v11  }
0x15a: {  	v45 =	vpop (erf);
	v19 =	vnsel vm1, $0x0, v38;
	vm1 =	veq.s32 v57, v2;
	v38 =	vmax.f32 v50, v52  }
0x15b: {  	v14 =	vadd.f32 v45, v14;
	v30 =	vnsel vm1, $0x0, v42;
	v11 =	vadd.f32 v46, v11  }
0x15c: {  	v49 =	vld [tilespmem:s0+$0x9D00];
	vm1 =	veq.s32 v57, v3;
	v10 =	vmax.f32 v10, v38;
	v54 =	vpop (erf);
	(erf) = vpow2.f32 v53  }
0x15d: {  	v63 =	vld [tilespmem:s0+$0x9D40];
	v35 =	vnsel vm1, $0x0, v44;
	vm1 =	veq.s32 v37, v0;
	v11 =	vadd.f32 v48, v11  }
0x15e: {  	v44 =	vmul.f32 $1.442695020e+00, v33;
	v39 =	vmax.f32 v56, v60;
	(erf) = vpow2.f32 v58  }
0x15f: {  	v40 =	vld [tilespmem:s0+$0x9960];
	v43 =	vnsel vm1, $0x0, v50;
	vm1 =	veq.s32 v37, v1;
	v11 =	vadd.f32 v27, v11  }
0x160: {  	v45 =	vld [tilespmem:s0+$0x9970];
	v31 =	vmul.f32 $1.442695020e+00, v60;
	v17 =	vmax.f32 v17, v39;
	v46 =	vnsel vm1, $0x0, v52  }
0x161: {  	v51 =	vld [tilespmem:s0+$0x9D10];
	vm1 =	veq.s32 v37, v2;
	v59 =	vmul.f32 $1.442695020e+00, v49;
	v11 =	vadd.f32 v55, v11  }
0x162: {  	v36 =	vld [tilespmem:s0+$0x9950];
	v39 =	vmul.f32 $1.442695020e+00, v63;
	v20 =	vnsel vm1, $0x0, v56;
	vm1 =	veq.s32 v37, v3;
	v62 =	vpop (erf)  }
0x163: {  	v37 =	vadd.s32 $0xFFFFFC80, v9;
	(erf) = vpow2.f32 v61;
	v29 =	vpop (erf);
	v11 =	vadd.f32 v16, v11  }
0x164: {  	v48 =	vmul.f32 $1.442695020e+00, v40;
	v52 =	vnsel vm1, $0x0, v60;
	(erf) = vpow2.f32 v28;
	v32 =	vpop (erf)  }
0x165: {  	v53 =	vmul.f32 $1.442695020e+00, v45;
	v11 =	vadd.f32 v19, v11;
	v34 =	vpop (erf);
	(erf) = vpow2.f32 v31  }
0x166: {  	v57 =	vmax.f32 v40, v45;
	v60 =	vmul.f32 $1.442695020e+00, v51;
	v13 =	vadd.f32 v54, v13  }
0x167: {  	v47 =	vmul.f32 $1.442695020e+00, v36;
	v54 =	vld [tilespmem:s0+$0x9D20];
	v11 =	vadd.f32 v30, v11;
	v41 =	vpop (erf);
	(erf) = vpow2.f32 v44  }
0x168: {  	v56 =	vmax.f32 v33, v36;
	v17 =	vmax.f32 v17, v57;
	v12 =	vadd.f32 v62, v12  }
0x169: {  	v10 =	vmax.f32 v10, v56;
	v15 =	vadd.f32 v29, v15;
	v11 =	vadd.f32 v35, v11  }
0x16a: {  	v14 =	vadd.f32 v32, v14;
	v55 =	vadd.s32 $0xFFFFFCC0, v9;
	(erf) = vpow2.f32 v47  }
0x16b: {  	vm1 =	veq.s32 v55, v0;
	(erf) = vpow2.f32 v48;
	v11 =	vadd.f32 v43, v11  }
0x16c: {  	v18 =	vnsel vm1, $0x0, v33;
	vm1 =	veq.s32 v55, v1;
	v62 =	vmul.f32 $1.442695020e+00, v54;
	v33 =	vld [tilespmem:s0+$0x9D50];
	v42 =	vpop (erf)  }
0x16d: {  	v58 =	vld [tilespmem:s0+$0x9D30];
	v16 =	vnsel vm1, $0x0, v36;
	vm1 =	veq.s32 v55, v2;
	v25 =	vpop (erf);
	v11 =	vadd.f32 v46, v11  }
0x16e: {  	v23 =	vnsel vm1, $0x0, v40;
	vm1 =	veq.s32 v55, v3;
	v50 =	vpop (erf);
	(erf) = vpow2.f32 v53  }
0x16f: {  	v36 =	vld.msk [tilespmem:s0+$0x9D60], $0xff;
	v13 =	vadd.f32 v34, v13;
	v11 =	vadd.f32 v20, v11;
	(erf) = vpow2.f32 v59  }
0x170: {  	v44 =	vmax.f32 v49, v51;
	v12 =	vadd.f32 v41, v12;
	v61 =	vpop (erf);
	(erf) = vpow2.f32 v60  }
0x171: {  	v41 =	vmul.f32 $1.442695020e+00, v33;
	v10 =	vmax.f32 v10, v44;
	v11 =	vadd.f32 v52, v11  }
0x172: {  	v55 =	vmax.f32 v63, v33;
	v15 =	vadd.f32 v42, v15;
	v35 =	vmul.f32 $1.442695020e+00, v58  }
0x173: {  	v48 =	vmax.f32 v54, v58;
	v32 =	vpop (erf);
	(erf) = vpow2.f32 v62;
	v11 =	vadd.f32 v18, v11  }
0x174: {  	v42 =	vmul.f32 $1.442695020e+00, v36;
	v17 =	vmax.f32 v17, v48;
	v34 =	vpop (erf);
	(erf) = vpow2.f32 v35  }
0x175: {  	v14 =	vadd.f32 v25, v14;
	v10 =	vmax.f32 v10, v17;
	v11 =	vadd.f32 v16, v11  }
0x176: {  	v10 =	vmax.f32 v10, v55;
	v20 =	vnsel vm1, $0x0, v45;
	vm1 =	veq.s32 v37, v0  }
0x177: {  	v13 =	vadd.f32 v50, v13;
	v11 =	vadd.f32 v23, v11;
	v38 =	vpop (erf);
	(erf) = vpow2.f32 v39  }
0x178: {  	v40 =	vnsel vm1, $0x0, v49;
	vm1 =	veq.s32 v37, v1;
	v43 =	vpop (erf);
	(erf) = vpow2.f32 v41  }
0x179: {  	v50 =	vperm.xlane v33, v4;
	v11 =	vadd.f32 v20, v11;
	v45 =	vpop (erf);
	(erf) = vpow2.f32 v42  }
0x17a: {  	v12 =	vadd.f32 v61, v12;
	v19 =	vnsel vm1, $0x0, v51;
	v15 =	vadd.f32 v32, v15  }
0x17b: {  	vm1 =	veq.s32 v37, v2;
	v14 =	vadd.f32 v34, v14;
	v11 =	vadd.f32 v40, v11  }
0x17c: {  	v51 =	vperm.xlane v36, v4;
	v13 =	vadd.f32 v38, v13;
	v12 =	vadd.f32 v43, v12;
	v46 =	vpop (erf)  }
0x17d: {  	v47 =	vnsel vm1, $0x0, v54;
	v15 =	vadd.f32 v45, v15;
	v49 =	vpop (erf);
	v11 =	vadd.f32 v19, v11  }
0x17e: {  	vm1 =	veq.s32 v37, v3;
	v14 =	vadd.f32 v46, v14;
	v13 =	vadd.f32 v49, v13  }
0x17f: {  	v52 =	vadd.s32 $0xFFFFFC40, v9;
	v21 =	vnsel vm1, $0x0, v58;
	v11 =	vadd.f32 v47, v11  }
0x180: {  	v53 =	vsel vm0, v50, v51;
	v12 =	vadd.f32 v15, v12;
	v13 =	vadd.f32 v13, v14;
	v54 =	vpop (erf)  }
0x181: {  	vm1 =	veq.s32 v52, v0;
	v57 =	vsel vm0, $0x0, v53;
	v11 =	vadd.f32 v21, v11;
	v56 =	vpop (erf)  }
0x182: {  	v60 =	vnsel vm1, $0x0, v63;
	v12 =	vadd.f32 v13, v12;
	v58 =	vadd.f32 v56, v54;
	v59 =	vpop (erf)  }
0x183: {  	vm1 =	veq.s32 v52, v1;
	v11 =	vadd.f32 v60, v11;
	v14 =	vperm.xlane v59, v4  }
0x184: {  	p1 =	sne.s32 s1, $0x780;
	v61 =	vsel vm0, $0xFF800000, v53;
	v62 =	vnsel vm1, $0x0, v33;
	v12 =	vadd.f32 v58, v12  }
.Ltmp2:
0x185: {  	vm1 =	veq.s32 v9, v5;
	v11 =	vadd.f32 v62, v11;
	v14 =	vsel vm0, $0x0, v14;
	(pc) =	sbr.rel @p1 .LBB2_8-.Ltmp2, $4  }
0x186: {  	v9 =	vmax.f32 v10, v61;
	v63 =	vnsel vm1, $0x0, v57;
	v10 =	vadd.f32 v14, v12  }
0x187: {  	[tilespmem:s26+$0x0] =	vst v9;
	v11 =	vadd.f32 v63, v11  }
0x188: {  	s31 =	sadd.s32 $0x400, s31;
	s1 =	sadd.s32 $0x80, s1;
	[tilespmem:s29+$0x0] =	vst v10  }
0x189: {  	v8 =	vadd.s32 $0x1, v8;
	s26 =	sadd.s32 $0x10, s26;
	s29 =	sadd.s32 $0x10, s29;
	[tilespmem:s30+$0x0] =	vst v11;
	s30 =	sadd.s32 $0x10, s30  }
.Ltmp3:
0x18a: {  	(pc) =	sbr.rel @p0 .LBB2_7-.Ltmp3, $2  }
0x18b: {  	_ =	sdelay $0x2  }
0x18c: {  	s0 =	simm.s32 $0x10;
	p1 =	por $0x0, $0x0  }
0x18d: {  	s25 =	sadd.s32 $0x1, s25  }
0x18e: {  	p0 =	sne.s32 s25, $0x4  }
.Ltmp4:
0x18f: {  	_ = 	snop;
	(pc) =	sbr.rel @p0 .LBB2_2-.Ltmp4, $4  }
0x190: {  	s0 =	smin.u32 s28, $0x4  }
0x191: {  	s0 =	sshll.u32 s0, $0xC  }
0x192: {  	s24 =	sadd.s32 $0x40, s24;
	s23 =	sadd.s32 $0x40, s23;
	s0 =	sadd.s32 s0, s6  }
0x193: {  	[tilespmem:s14], [sflag:$0x2] =	stream.linear.gather [hbm4b:s0+s2], $0x8000, $0x38;
	[tilespmem:$0x13100] =	vst v63  }
0x194: {  	_ =	swait.ge [sflag:s15], $0x8000  }
0x195: {  	[sflag:s15] =	ssyncset.done $0x0  }
0x196: {  	[sflag:s15] =	ssyncadd.s32 $0xFFFF8000  }
0x197: {  	_ =	swait.ge [sflag:s16], $0x8000  }
0x198: {  	[sflag:s16] =	ssyncset.done $0x0  }
0x199: {  	s0 =	simm.s32 $0x10100;
	[sflag:s16] =	ssyncadd.s32 $0xFFFF8000  }
0x19a: {  	[hbm4b:s7+s17] =	stream.strided.scatter [tilespmem:s0], [sflag:$0x3], $0x1000, s18, s17, $0x38;
	[tilespmem:$0x13100] =	vst v63  }
0x19b: {  	_ =	swait.ge [sflag:s12], $0x1000  }
0x19c: {  	[sflag:s12] =	ssyncset.done $0x0  }
0x19d: {  	[sflag:s12] =	ssyncadd.s32 $0xFFFFF000  }
0x19e: {  	[hbm4b:s9+s17] =	stream.strided.scatter [tilespmem:s20], [sflag:$0x3], $0x1000, s18, s17, $0x38;
	[tilespmem:$0x13100] =	vst v63  }
0x19f: {  	s22 =	sadd.s32 $0x1, s22;
	_ =	swait.ge [sflag:s12], $0x1000  }
0x1a0: {  	p0 =	sne.s32 s22, s11;
	[sflag:s12] =	ssyncset.done $0x0  }
.Ltmp5:
0x1a1: {  	[sflag:s12] =	ssyncadd.s32 $0xFFFFF000;
	(pc) =	sbr.rel @p0 .LBB2_1-.Ltmp5, $4  }
0x1a2: {  	[hbm4b:s10+s17] =	stream.strided.scatter [tilespmem:s21], [sflag:$0x3], $0x1000, s18, s17, $0x38;
	[tilespmem:$0x13100] =	vst v63  }
0x1a3: {  	_ =	swait.ge [sflag:s12], $0x1000  }
0x1a4: {  	[sflag:s12] =	ssyncset.done $0x0  }
0x1a5: {  	[sflag:s12] =	ssyncadd.s32 $0xFFFFF000  }
0x1a6: {  	_ =	sfence.sel $0x180000  }
0x1a7: {  	[bflag:$0x0] =	sbarrier.arrive $0xFFFF  }
0x1a8: {  	_ =	strace $0x90000047  }
0x1a9: {  	s0 =	stileid.u32;
	[bflag:$0x2] =	sbarrier.arrive $0xFFFF  }
0x1aa: {  	p0 =	sne.s32 s0, $0x0;
	s0 =	rddreg [dreg:$0x2]  }
0x1ab: {  	s0 =	sadd.s32 @!p0 $0x100000, s0  }
0x1ac: {  	[sflag:s0] =	ssyncadd.tile.s32 @!p0 $0x1;
	_ =	shalt  }
.Lfunc_end2:
_tile_overlayer_lowered:
.L_overlay_start_2:
0x1ad: {  	(tag) =	ssettag $0x2  }
0x1ae: {  	s0 =	rddreg [dreg:$0x0];
	s2 =	stileid.u32  }
0x1af: {  	s1 =	rddreg [dreg:$0x1];
	p0 =	sne.s32 s2, $0x0  }
0x1b0: {  	s3 =	rddreg [dreg:$0x2];
	[bflag:$0x3] =	sbarrier.arrive $0xFFFF;
	s2 =	simm.s32 @!p0 $0x1C03  }
0x1b1: {  	[timem:s3], [sflag:s2] =	dma.local @!p0 [hbm:s0], s1  }
0x1b2: {  	s0 =	simm.s32 @!p0 $0x3  }
0x1b3: {  	_ =	swait.ge @!p0 [sflag:s0], s1  }
0x1b4: {  	s1 =	ssub.s32 @!p0 $0x0, s1;
	[sflag:s0] =	ssyncset.done @!p0 $0x0  }
0x1b5: {  	[sflag:s0] =	ssyncadd.s32 @!p0 s1  }
0x1b6: {  	[bflag:$0x3] =	sbarrier.arrive $0xFFFF  }
0x1b7: {  	_ =	shalt  }

</sc_bundles>
